<compile_context>
chip_gen: v7x
topology: tpu7x:2x2x1
jax: 0.10.2.dev20260603
libtpu: 0.0.44.dev20260713+nightly
codegen_flags: <defaults>
</compile_context>

<pallas_src>
import functools

import jax
import jax.numpy as jnp
from jax import lax
from jax.experimental import pallas as pl
from jax.experimental.pallas import tpu as pltpu
from jax.experimental.pallas import tpu_sc as plsc

_B, _C, _H, _W = 8, 2, 512, 512
_N = _B * _H * _W
_RB = 512
_GRID = (_B, _H // _RB)


def _ce_block(pred_ref, gt_ref):
    p0 = pred_ref[0, 0]
    p1 = pred_ref[0, 1]
    g = gt_ref[0, 0]
    d = p0 - p1
    sp = jnp.log(1.0 + jnp.exp(-jnp.abs(d)))
    m_minus = jnp.where(g == 0, jnp.maximum(-d, 0.0), jnp.maximum(d, 0.0))
    return sp + m_minus


def _sums_body(pred_ref, gt_ref, wt_ref, acc_ref):
    i = pl.program_id(0)
    j = pl.program_id(1)

    @pl.when((i == 0) & (j == 0))
    def _():
        acc_ref[0] = 0.0
        acc_ref[1] = 0.0
        acc_ref[2] = 0.0

    ce = _ce_block(pred_ref, gt_ref)
    w = wt_ref[0, 0]
    acc_ref[0] += jnp.sum(ce)
    acc_ref[1] += jnp.sum(w * ce)
    acc_ref[2] += jnp.sum(jnp.where(gt_ref[0, 0] != 0, 1.0, 0.0))


def _temp_body(pred_ref, gt_ref, wt_ref, out_ref):
    ce = _ce_block(pred_ref, gt_ref)
    out_ref[0, 0] = jnp.where(wt_ref[0, 0] != 0.0, 0.0, ce)


def _count_body(mid_ref, temp_ref, cnt_ref):
    i = pl.program_id(0)
    j = pl.program_id(1)

    @pl.when((i == 0) & (j == 0))
    def _():
        cnt_ref[0] = 0.0

    cnt_ref[0] += jnp.sum(jnp.where(temp_ref[0, 0] >= mid_ref[0], 1.0, 0.0))


def _tail_body(thr_ref, temp_ref, out_ref):
    i = pl.program_id(0)
    j = pl.program_id(1)

    @pl.when((i == 0) & (j == 0))
    def _():
        out_ref[0] = 0.0
        out_ref[1] = 0.0

    t = temp_ref[0, 0]
    gt_mask = t > thr_ref[0]
    out_ref[0] += jnp.sum(jnp.where(gt_mask, t, 0.0))
    out_ref[1] += jnp.sum(jnp.where(gt_mask, 1.0, 0.0))


_pred_spec = pl.BlockSpec((1, _C, _RB, _W), lambda i, j: (i, 0, j, 0))
_map_spec = pl.BlockSpec((1, 1, _RB, _W), lambda i, j: (i, 0, j, 0))
_smem_scalar = pl.BlockSpec(memory_space=pltpu.SMEM)


def _topk_sum(pred, gt, wt, k_f32):
    temp = pl.pallas_call(
        _temp_body,
        grid=_GRID,
        in_specs=[_pred_spec, _map_spec, _map_spec],
        out_specs=_map_spec,
        out_shape=jax.ShapeDtypeStruct((_B, 1, _H, _W), jnp.float32),
    )(pred, gt, wt)

    count_call = pl.pallas_call(
        _count_body,
        grid=_GRID,
        in_specs=[_smem_scalar, _map_spec],
        out_specs=_smem_scalar,
        out_shape=jax.ShapeDtypeStruct((1,), jnp.float32),
    )

    def cond(c):
        lo, hi = c
        return hi - lo > 1

    def body(c):
        lo, hi = c
        mid = lo + (hi - lo) // 2
        midf = lax.bitcast_convert_type(mid, jnp.float32)
        cnt = count_call(midf.reshape(1), temp)[0]
        ge = cnt >= k_f32
        return (jnp.where(ge, mid, lo), jnp.where(ge, hi, mid))

    lo0 = jnp.int32(0)
    hi0 = jnp.int32(0x7F800000)
    lo, _ = lax.while_loop(cond, body, (lo0, hi0))
    thr = lax.bitcast_convert_type(lo, jnp.float32)

    tail = pl.pallas_call(
        _tail_body,
        grid=_GRID,
        in_specs=[_smem_scalar, _map_spec],
        out_specs=_smem_scalar,
        out_shape=jax.ShapeDtypeStruct((2,), jnp.float32),
    )(thr.reshape(1), temp)
    sum_gt, cnt_gt = tail[0], tail[1]
    return sum_gt + (k_f32 - cnt_gt) * thr


_SC_CH = 8
_SC_NW = 32


def _sc_sums(pred, gt, wt, row_start, n_rows):
    rpw = n_rows // _SC_NW
    n_chunks = rpw // _SC_CH
    mesh = plsc.VectorSubcoreMesh(core_axis_name="c", subcore_axis_name="s")
    vm_f = pltpu.VMEM((_SC_CH, _W), jnp.float32)
    vm_i = pltpu.VMEM((_SC_CH, _W), jnp.int32)

    @functools.partial(
        pl.kernel,
        mesh=mesh,
        out_type=jax.ShapeDtypeStruct((_SC_NW * 48,), jnp.float32),
        scratch_types=[
            vm_f, vm_f, vm_i, vm_f,
            vm_f, vm_f, vm_i, vm_f,
            pltpu.VMEM((48,), jnp.float32),
            pltpu.SemaphoreType.DMA,
            pltpu.SemaphoreType.DMA,
        ],
    )
    def k(pred_h, gt_h, wt_h, out_h,
          p0a, p1a, ga, wa, p0b, p1b, gb, wb, stage, sem_a, sem_b):
        wid = lax.axis_index("s") * 2 + lax.axis_index("c")
        row_base = row_start + wid * rpw
        bufs = ((p0a, p1a, ga, wa, sem_a), (p0b, p1b, gb, wb, sem_b))

        def issue(t):
            p0v, p1v, gv, wv, sem = bufs[t % 2]
            gr = row_base + t * _SC_CH
            b = gr // _H
            r0 = gr % _H
            return [
                pltpu.async_copy(pred_h.at[b, 0, pl.ds(r0, _SC_CH), :], p0v, sem),
                pltpu.async_copy(pred_h.at[b, 1, pl.ds(r0, _SC_CH), :], p1v, sem),
                pltpu.async_copy(gt_h.at[b, 0, pl.ds(r0, _SC_CH), :], gv, sem),
                pltpu.async_copy(wt_h.at[b, 0, pl.ds(r0, _SC_CH), :], wv, sem),
            ]

        def chunk_sums(t, accs):
            p0v, p1v, gv, wv, _ = bufs[t % 2]

            def body(idx, accs):
                sa, sw, ar = accs
                base = idx * 8
                i = base // 32
                cb = base % 32
                for u in range(8):
                    sl = (i, pl.ds((cb + u) * 16, 16))
                    p0 = p0v[sl]
                    p1 = p1v[sl]
                    g = gv[sl]
                    w = wv[sl]
                    d = p0 - p1
                    u_ = jnp.exp(-jnp.abs(d))
                    z = u_ / (2.0 + u_)
                    z2 = z * z
                    poly = 1.0 / 5.0 + z2 * (1.0 / 7.0)
                    poly = 1.0 / 3.0 + z2 * poly
                    sp = 2.0 * z * (1.0 + z2 * poly)
                    ce = sp + jnp.where(g == 0, jnp.maximum(-d, 0.0),
                                        jnp.maximum(d, 0.0))
                    sa = sa + ce
                    sw = sw + w * ce
                    ar = ar + jnp.where(g != 0, 1.0, 0.0)
                return (sa, sw, ar)

            return lax.fori_loop(0, _SC_CH * (_W // 16) // 8, body, accs)

        zero = jnp.zeros((16,), jnp.float32)
        accs = (zero, zero, zero)
        handles = {0: issue(0)}
        if n_chunks > 1:
            handles[1] = issue(1)
        for t in range(n_chunks):
            for h in handles.pop(t):
                h.wait()
            accs = chunk_sums(t, accs)
            if t + 2 < n_chunks:
                handles[t + 2] = issue(t + 2)

        sa, sw, ar = accs
        stage[pl.ds(0, 16)] = sa
        stage[pl.ds(16, 16)] = sw
        stage[pl.ds(32, 16)] = ar
        pltpu.sync_copy(stage, out_h.at[pl.ds(wid * 48, 48)])

    return k(pred, gt, wt)


_B_TC = 7


def kernel(pixel_pred, pixel_gt, pixel_weight):
    parts = _sc_sums(pixel_pred, pixel_gt, pixel_weight,
                     _B_TC * _H, (_B - _B_TC) * _H)
    tc_acc = pl.pallas_call(
        _sums_body,
        grid=(_B_TC, 1),
        in_specs=[_pred_spec, _map_spec, _map_spec],
        out_specs=_smem_scalar,
        out_shape=jax.ShapeDtypeStruct((3,), jnp.float32),
    )(pixel_pred, pixel_gt, pixel_weight)
    pm = parts.reshape(_SC_NW, 3, 16)
    sums = tc_acc + jnp.sum(pm, axis=(0, 2))
    s_all, s_w, area = sums[0], sums[1], sums[2]

    k_f32 = jnp.minimum(3.0 * area, float(_N))
    total = lax.cond(
        3.0 * area >= float(_N),
        lambda: s_all,
        lambda: s_w + _topk_sum(pixel_pred, pixel_gt, pixel_weight, k_f32),
    )
    return total / (4.0 * area)

# --- scband reference (transcript-rebuilt; emitter-appended) ---
"""Pipeline reference for scband-instance-balanced-celoss-83021717831841 (READ-ONLY COPY).

The authoritative reference and input builder live on the scoring server;
editing this copy changes nothing except your own understanding.
"""

import jax, jax.numpy as jnp
import numpy as np

NEG_POS_RATIO = 3


def setup_inputs(seed: int = 0) -> dict:
    key = jax.random.key(seed)
    k1, k2, k3 = jax.random.split(key, 3)
    b, c, h, w = 8, 2, 512, 512
    pixel_pred = jax.random.normal(k1, (b, c, h, w), dtype=jnp.float32)
    pixel_gt = jax.random.randint(k2, (b, 1, h, w), 0, 2, dtype=jnp.int32)
    pixel_weight = jax.random.randint(k3, (b, 1, h, w), 0, 2).astype(jnp.float32)
    return {"pixel_pred": pixel_pred, "pixel_gt": pixel_gt, "pixel_weight": pixel_weight}


def reference(pixel_pred, pixel_gt, pixel_weight):
    b, c, h, w = pixel_pred.shape
    # rearrange 'b c h w -> (b h w) c'
    pred = jnp.transpose(pixel_pred, (0, 2, 3, 1)).reshape(-1, c)
    gt = jnp.transpose(pixel_gt, (0, 2, 3, 1)).reshape(-1)
    weight = jnp.transpose(pixel_weight, (0, 2, 3, 1)).reshape(-1)
    # CrossEntropyLoss(reduction='none')
    logp = jax.nn.log_softmax(pred, axis=-1)
    ce_loss = -jnp.take_along_axis(logp, gt[:, None], axis=1)[:, 0]
    tot_area = jnp.sum(gt)
    # OHEM: zero out already-weighted pixels, take hardest negatives
    temp_loss = jnp.where(weight != 0, 0.0, ce_loss)
    sorted_indices = jnp.argsort(-temp_loss)  # descending sort indices
    n_neg_pixels = jnp.minimum(NEG_POS_RATIO * tot_area, temp_loss.shape[0])
    rank = jnp.arange(temp_loss.shape[0])
    weight = weight.at[sorted_indices].set(
        jnp.where(rank < n_neg_pixels, 1.0, weight[sorted_indices])
    )
    pixel_loss = jnp.sum(weight * ce_loss)
    pixel_loss = pixel_loss / ((1 + NEG_POS_RATIO) * tot_area)
    return pixel_loss

if __name__ == "__main__":
    import jax
    _d = setup_inputs()
    print(jax.jit(kernel)(*tuple(_d.values())))

</pallas_src>

<mosaic_0001>
#map = affine_map<(d0, d1) -> (0, 0, 0, 0)>
#map1 = affine_map<(d0, d1) -> (0)>
module attributes {stable_mosaic.version = 14 : i64} {
  func.func @k(%arg0: i32, %arg1: i32, %arg2: memref<8x2x512x512xf32, #tpu.memory_space<hbm>>, %arg3: memref<8x1x512x512xi32, #tpu.memory_space<hbm>>, %arg4: memref<8x1x512x512xf32, #tpu.memory_space<hbm>>, %arg5: memref<1536xf32, #tpu.memory_space<hbm>>, %arg6: memref<8x512xf32, #tpu.memory_space<vmem>>, %arg7: memref<8x512xf32, #tpu.memory_space<vmem>>, %arg8: memref<8x512xi32, #tpu.memory_space<vmem>>, %arg9: memref<8x512xf32, #tpu.memory_space<vmem>>, %arg10: memref<8x512xf32, #tpu.memory_space<vmem>>, %arg11: memref<8x512xf32, #tpu.memory_space<vmem>>, %arg12: memref<8x512xi32, #tpu.memory_space<vmem>>, %arg13: memref<8x512xf32, #tpu.memory_space<vmem>>, %arg14: memref<48xf32, #tpu.memory_space<vmem>>, %arg15: memref<!tpu.dma_semaphore, #tpu.memory_space<semaphore_mem>>, %arg16: memref<!tpu.dma_semaphore, #tpu.memory_space<semaphore_mem>>) attributes {dimension_semantics = [#tpu.dimension_semantics<core_parallel>, #tpu.dimension_semantics<subcore_parallel>], iteration_bounds = array<i64: 2, 16>, scalar_prefetch = 0 : i64, scratch_operands = 11 : i64, tpu.core_type = #tpu.core_type<sc_vector_subcore>, window_params = [{transform_indices = #map}, {transform_indices = #map}, {transform_indices = #map}, {transform_indices = #map1}]} {
    %mul3A = arith.constant 2 : i32
    %mul3A_0 = arith.muli %arg1, %mul3A : i32
    %add3A = arith.addi %mul3A_0, %arg0 : i32
    %mul3A_1 = arith.constant 16 : i32
    %mul3A_2 = arith.muli %add3A, %mul3A_1 : i32
    %add3A_3 = arith.constant 3584 : i32
    %add3A_4 = arith.addi %add3A_3, %mul3A_2 : i32
    %broadcast_in_dim3A = arith.constant 0.000000e+00 : f32
    %broadcast_in_dim3A_5 = vector.broadcast %broadcast_in_dim3A : f32 to vector<16xf32>
    %add3A_6 = arith.constant 0 : i32
    %add3A_7 = arith.addi %add3A_4, %add3A_6 : i32
    %jit3A = arith.constant 512 : i32
    %div3A = arith.divsi %add3A_7, %jit3A : i32
    %sign3A = arith.constant 0 : i32
    %sign3A_8 = arith.cmpi sgt, %add3A_7, %sign3A : i32
    %sign3A_9 = arith.extui %sign3A_8 : i1 to i32
    %sign3A_10 = arith.constant 0 : i32
    %sign3A_11 = arith.cmpi slt, %add3A_7, %sign3A_10 : i32
    %sign3A_12 = arith.extui %sign3A_11 : i1 to i32
    %sign3A_13 = arith.subi %sign3A_9, %sign3A_12 : i32
    %sign3A_14 = arith.constant 0 : i32
    %sign3A_15 = arith.cmpi sgt, %jit3A, %sign3A_14 : i32
    %sign3A_16 = arith.extui %sign3A_15 : i1 to i32
    %sign3A_17 = arith.constant 0 : i32
    %sign3A_18 = arith.cmpi slt, %jit3A, %sign3A_17 : i32
    %sign3A_19 = arith.extui %sign3A_18 : i1 to i32
    %sign3A_20 = arith.subi %sign3A_16, %sign3A_19 : i32
    %ne3A = arith.cmpi ne, %sign3A_13, %sign3A_20 : i32
    %rem3A = arith.remsi %add3A_7, %jit3A : i32
    %ne3A_21 = arith.constant 0 : i32
    %ne3A_22 = arith.cmpi ne, %rem3A, %ne3A_21 : i32
    %and3A = arith.andi %ne3A, %ne3A_22 : i1
    %sub3A = arith.constant 1 : i32
    %sub3A_23 = arith.subi %div3A, %sub3A : i32
    %select_n3A = arith.select %and3A, %sub3A_23, %div3A : i32
    %jit3A_24 = arith.constant 512 : i32
    %eq3A = arith.constant 0 : i32
    %eq3A_25 = arith.cmpi eq, %jit3A_24, %eq3A : i32
    %jit3A_26 = arith.constant 1 : i32
    %select_n3A_27 = arith.select %eq3A_25, %jit3A_26, %jit3A_24 : i32
    %rem3A_28 = arith.remsi %add3A_7, %select_n3A_27 : i32
    %ne3A_29 = arith.constant 0 : i32
    %ne3A_30 = arith.cmpi ne, %rem3A_28, %ne3A_29 : i32
    %lt3A = arith.constant 0 : i32
    %lt3A_31 = arith.cmpi slt, %rem3A_28, %lt3A : i32
    %lt3A_32 = arith.constant 0 : i32
    %lt3A_33 = arith.cmpi slt, %select_n3A_27, %lt3A_32 : i32
    %ne3A_34 = arith.xori %lt3A_31, %lt3A_33 : i1
    %and3A_35 = arith.andi %ne3A_34, %ne3A_30 : i1
    %add3A_36 = arith.addi %rem3A_28, %select_n3A_27 : i32
    %select_n3A_37 = arith.select %and3A_35, %add3A_36, %rem3A_28 : i32
    %dma_start3A = arith.constant 0 : i32
    %dma_start3A_38 = arith.constant 0 : i32
    %dma_start3A_39 = tpu.memref_slice %arg2[%select_n3A, %dma_start3A, %select_n3A_37, %dma_start3A_38] : memref<8x2x512x512xf32, #tpu.memory_space<hbm>> -> memref<1x1x8x512xf32, #tpu.memory_space<hbm>>
    %dma_start3A_40 = tpu.memref_squeeze %dma_start3A_39 : memref<1x1x8x512xf32, #tpu.memory_space<hbm>> -> memref<8x512xf32, #tpu.memory_space<hbm>>
    %dma_start3A_41 = arith.constant 0 : i32
    %dma_start3A_42 = tpu.memref_slice %arg2[%select_n3A, %dma_start3A, %select_n3A_37, %dma_start3A_41] : memref<8x2x512x512xf32, #tpu.memory_space<hbm>> -> memref<1x1x8x512xf32, #tpu.memory_space<hbm>>
    %dma_start3A_43 = tpu.memref_squeeze %dma_start3A_42 : memref<1x1x8x512xf32, #tpu.memory_space<hbm>> -> memref<8x512xf32, #tpu.memory_space<hbm>>
    tpu.enqueue_dma source(%dma_start3A_43 : memref<8x512xf32, #tpu.memory_space<hbm>>) target(%arg6 : memref<8x512xf32, #tpu.memory_space<vmem>>) target_semaphore(%arg15 : memref<!tpu.dma_semaphore, #tpu.memory_space<semaphore_mem>>)
    %dma_start3A_44 = arith.constant 1 : i32
    %dma_start3A_45 = arith.constant 0 : i32
    %dma_start3A_46 = tpu.memref_slice %arg2[%select_n3A, %dma_start3A_44, %select_n3A_37, %dma_start3A_45] : memref<8x2x512x512xf32, #tpu.memory_space<hbm>> -> memref<1x1x8x512xf32, #tpu.memory_space<hbm>>
    %dma_start3A_47 = tpu.memref_squeeze %dma_start3A_46 : memref<1x1x8x512xf32, #tpu.memory_space<hbm>> -> memref<8x512xf32, #tpu.memory_space<hbm>>
    %dma_start3A_48 = arith.constant 0 : i32
    %dma_start3A_49 = tpu.memref_slice %arg2[%select_n3A, %dma_start3A_44, %select_n3A_37, %dma_start3A_48] : memref<8x2x512x512xf32, #tpu.memory_space<hbm>> -> memref<1x1x8x512xf32, #tpu.memory_space<hbm>>
    %dma_start3A_50 = tpu.memref_squeeze %dma_start3A_49 : memref<1x1x8x512xf32, #tpu.memory_space<hbm>> -> memref<8x512xf32, #tpu.memory_space<hbm>>
    tpu.enqueue_dma source(%dma_start3A_50 : memref<8x512xf32, #tpu.memory_space<hbm>>) target(%arg7 : memref<8x512xf32, #tpu.memory_space<vmem>>) target_semaphore(%arg15 : memref<!tpu.dma_semaphore, #tpu.memory_space<semaphore_mem>>)
    %dma_start3A_51 = arith.constant 0 : i32
    %dma_start3A_52 = arith.constant 0 : i32
    %dma_start3A_53 = tpu.memref_slice %arg3[%select_n3A, %dma_start3A_51, %select_n3A_37, %dma_start3A_52] : memref<8x1x512x512xi32, #tpu.memory_space<hbm>> -> memref<1x1x8x512xi32, #tpu.memory_space<hbm>>
    %dma_start3A_54 = tpu.memref_squeeze %dma_start3A_53 : memref<1x1x8x512xi32, #tpu.memory_space<hbm>> -> memref<8x512xi32, #tpu.memory_space<hbm>>
    %dma_start3A_55 = arith.constant 0 : i32
    %dma_start3A_56 = tpu.memref_slice %arg3[%select_n3A, %dma_start3A_51, %select_n3A_37, %dma_start3A_55] : memref<8x1x512x512xi32, #tpu.memory_space<hbm>> -> memref<1x1x8x512xi32, #tpu.memory_space<hbm>>
    %dma_start3A_57 = tpu.memref_squeeze %dma_start3A_56 : memref<1x1x8x512xi32, #tpu.memory_space<hbm>> -> memref<8x512xi32, #tpu.memory_space<hbm>>
    tpu.enqueue_dma source(%dma_start3A_57 : memref<8x512xi32, #tpu.memory_space<hbm>>) target(%arg8 : memref<8x512xi32, #tpu.memory_space<vmem>>) target_semaphore(%arg15 : memref<!tpu.dma_semaphore, #tpu.memory_space<semaphore_mem>>)
    %dma_start3A_58 = arith.constant 0 : i32
    %dma_start3A_59 = arith.constant 0 : i32
    %dma_start3A_60 = tpu.memref_slice %arg4[%select_n3A, %dma_start3A_58, %select_n3A_37, %dma_start3A_59] : memref<8x1x512x512xf32, #tpu.memory_space<hbm>> -> memref<1x1x8x512xf32, #tpu.memory_space<hbm>>
    %dma_start3A_61 = tpu.memref_squeeze %dma_start3A_60 : memref<1x1x8x512xf32, #tpu.memory_space<hbm>> -> memref<8x512xf32, #tpu.memory_space<hbm>>
    %dma_start3A_62 = arith.constant 0 : i32
    %dma_start3A_63 = tpu.memref_slice %arg4[%select_n3A, %dma_start3A_58, %select_n3A_37, %dma_start3A_62] : memref<8x1x512x512xf32, #tpu.memory_space<hbm>> -> memref<1x1x8x512xf32, #tpu.memory_space<hbm>>
    %dma_start3A_64 = tpu.memref_squeeze %dma_start3A_63 : memref<1x1x8x512xf32, #tpu.memory_space<hbm>> -> memref<8x512xf32, #tpu.memory_space<hbm>>
    tpu.enqueue_dma source(%dma_start3A_64 : memref<8x512xf32, #tpu.memory_space<hbm>>) target(%arg9 : memref<8x512xf32, #tpu.memory_space<vmem>>) target_semaphore(%arg15 : memref<!tpu.dma_semaphore, #tpu.memory_space<semaphore_mem>>)
    %add3A_65 = arith.constant 8 : i32
    %add3A_66 = arith.addi %add3A_4, %add3A_65 : i32
    %jit3A_67 = arith.constant 512 : i32
    %div3A_68 = arith.divsi %add3A_66, %jit3A_67 : i32
    %sign3A_69 = arith.constant 0 : i32
    %sign3A_70 = arith.cmpi sgt, %add3A_66, %sign3A_69 : i32
    %sign3A_71 = arith.extui %sign3A_70 : i1 to i32
    %sign3A_72 = arith.constant 0 : i32
    %sign3A_73 = arith.cmpi slt, %add3A_66, %sign3A_72 : i32
    %sign3A_74 = arith.extui %sign3A_73 : i1 to i32
    %sign3A_75 = arith.subi %sign3A_71, %sign3A_74 : i32
    %sign3A_76 = arith.constant 0 : i32
    %sign3A_77 = arith.cmpi sgt, %jit3A_67, %sign3A_76 : i32
    %sign3A_78 = arith.extui %sign3A_77 : i1 to i32
    %sign3A_79 = arith.constant 0 : i32
    %sign3A_80 = arith.cmpi slt, %jit3A_67, %sign3A_79 : i32
    %sign3A_81 = arith.extui %sign3A_80 : i1 to i32
    %sign3A_82 = arith.subi %sign3A_78, %sign3A_81 : i32
    %ne3A_83 = arith.cmpi ne, %sign3A_75, %sign3A_82 : i32
    %rem3A_84 = arith.remsi %add3A_66, %jit3A_67 : i32
    %ne3A_85 = arith.constant 0 : i32
    %ne3A_86 = arith.cmpi ne, %rem3A_84, %ne3A_85 : i32
    %and3A_87 = arith.andi %ne3A_83, %ne3A_86 : i1
    %sub3A_88 = arith.constant 1 : i32
    %sub3A_89 = arith.subi %div3A_68, %sub3A_88 : i32
    %select_n3A_90 = arith.select %and3A_87, %sub3A_89, %div3A_68 : i32
    %jit3A_91 = arith.constant 512 : i32
    %eq3A_92 = arith.constant 0 : i32
    %eq3A_93 = arith.cmpi eq, %jit3A_91, %eq3A_92 : i32
    %jit3A_94 = arith.constant 1 : i32
    %select_n3A_95 = arith.select %eq3A_93, %jit3A_94, %jit3A_91 : i32
    %rem3A_96 = arith.remsi %add3A_66, %select_n3A_95 : i32
    %ne3A_97 = arith.constant 0 : i32
    %ne3A_98 = arith.cmpi ne, %rem3A_96, %ne3A_97 : i32
    %lt3A_99 = arith.constant 0 : i32
    %lt3A_100 = arith.cmpi slt, %rem3A_96, %lt3A_99 : i32
    %lt3A_101 = arith.constant 0 : i32
    %lt3A_102 = arith.cmpi slt, %select_n3A_95, %lt3A_101 : i32
    %ne3A_103 = arith.xori %lt3A_100, %lt3A_102 : i1
    %and3A_104 = arith.andi %ne3A_103, %ne3A_98 : i1
    %add3A_105 = arith.addi %rem3A_96, %select_n3A_95 : i32
    %select_n3A_106 = arith.select %and3A_104, %add3A_105, %rem3A_96 : i32
    %dma_start3A_107 = arith.constant 0 : i32
    %dma_start3A_108 = arith.constant 0 : i32
    %dma_start3A_109 = tpu.memref_slice %arg2[%select_n3A_90, %dma_start3A_107, %select_n3A_106, %dma_start3A_108] : memref<8x2x512x512xf32, #tpu.memory_space<hbm>> -> memref<1x1x8x512xf32, #tpu.memory_space<hbm>>
    %dma_start3A_110 = tpu.memref_squeeze %dma_start3A_109 : memref<1x1x8x512xf32, #tpu.memory_space<hbm>> -> memref<8x512xf32, #tpu.memory_space<hbm>>
    %dma_start3A_111 = arith.constant 0 : i32
    %dma_start3A_112 = tpu.memref_slice %arg2[%select_n3A_90, %dma_start3A_107, %select_n3A_106, %dma_start3A_111] : memref<8x2x512x512xf32, #tpu.memory_space<hbm>> -> memref<1x1x8x512xf32, #tpu.memory_space<hbm>>
    %dma_start3A_113 = tpu.memref_squeeze %dma_start3A_112 : memref<1x1x8x512xf32, #tpu.memory_space<hbm>> -> memref<8x512xf32, #tpu.memory_space<hbm>>
    tpu.enqueue_dma source(%dma_start3A_113 : memref<8x512xf32, #tpu.memory_space<hbm>>) target(%arg10 : memref<8x512xf32, #tpu.memory_space<vmem>>) target_semaphore(%arg16 : memref<!tpu.dma_semaphore, #tpu.memory_space<semaphore_mem>>)
    %dma_start3A_114 = arith.constant 1 : i32
    %dma_start3A_115 = arith.constant 0 : i32
    %dma_start3A_116 = tpu.memref_slice %arg2[%select_n3A_90, %dma_start3A_114, %select_n3A_106, %dma_start3A_115] : memref<8x2x512x512xf32, #tpu.memory_space<hbm>> -> memref<1x1x8x512xf32, #tpu.memory_space<hbm>>
    %dma_start3A_117 = tpu.memref_squeeze %dma_start3A_116 : memref<1x1x8x512xf32, #tpu.memory_space<hbm>> -> memref<8x512xf32, #tpu.memory_space<hbm>>
    %dma_start3A_118 = arith.constant 0 : i32
    %dma_start3A_119 = tpu.memref_slice %arg2[%select_n3A_90, %dma_start3A_114, %select_n3A_106, %dma_start3A_118] : memref<8x2x512x512xf32, #tpu.memory_space<hbm>> -> memref<1x1x8x512xf32, #tpu.memory_space<hbm>>
    %dma_start3A_120 = tpu.memref_squeeze %dma_start3A_119 : memref<1x1x8x512xf32, #tpu.memory_space<hbm>> -> memref<8x512xf32, #tpu.memory_space<hbm>>
    tpu.enqueue_dma source(%dma_start3A_120 : memref<8x512xf32, #tpu.memory_space<hbm>>) target(%arg11 : memref<8x512xf32, #tpu.memory_space<vmem>>) target_semaphore(%arg16 : memref<!tpu.dma_semaphore, #tpu.memory_space<semaphore_mem>>)
    %dma_start3A_121 = arith.constant 0 : i32
    %dma_start3A_122 = arith.constant 0 : i32
    %dma_start3A_123 = tpu.memref_slice %arg3[%select_n3A_90, %dma_start3A_121, %select_n3A_106, %dma_start3A_122] : memref<8x1x512x512xi32, #tpu.memory_space<hbm>> -> memref<1x1x8x512xi32, #tpu.memory_space<hbm>>
    %dma_start3A_124 = tpu.memref_squeeze %dma_start3A_123 : memref<1x1x8x512xi32, #tpu.memory_space<hbm>> -> memref<8x512xi32, #tpu.memory_space<hbm>>
    %dma_start3A_125 = arith.constant 0 : i32
    %dma_start3A_126 = tpu.memref_slice %arg3[%select_n3A_90, %dma_start3A_121, %select_n3A_106, %dma_start3A_125] : memref<8x1x512x512xi32, #tpu.memory_space<hbm>> -> memref<1x1x8x512xi32, #tpu.memory_space<hbm>>
    %dma_start3A_127 = tpu.memref_squeeze %dma_start3A_126 : memref<1x1x8x512xi32, #tpu.memory_space<hbm>> -> memref<8x512xi32, #tpu.memory_space<hbm>>
    tpu.enqueue_dma source(%dma_start3A_127 : memref<8x512xi32, #tpu.memory_space<hbm>>) target(%arg12 : memref<8x512xi32, #tpu.memory_space<vmem>>) target_semaphore(%arg16 : memref<!tpu.dma_semaphore, #tpu.memory_space<semaphore_mem>>)
    %dma_start3A_128 = arith.constant 0 : i32
    %dma_start3A_129 = arith.constant 0 : i32
    %dma_start3A_130 = tpu.memref_slice %arg4[%select_n3A_90, %dma_start3A_128, %select_n3A_106, %dma_start3A_129] : memref<8x1x512x512xf32, #tpu.memory_space<hbm>> -> memref<1x1x8x512xf32, #tpu.memory_space<hbm>>
    %dma_start3A_131 = tpu.memref_squeeze %dma_start3A_130 : memref<1x1x8x512xf32, #tpu.memory_space<hbm>> -> memref<8x512xf32, #tpu.memory_space<hbm>>
    %dma_start3A_132 = arith.constant 0 : i32
    %dma_start3A_133 = tpu.memref_slice %arg4[%select_n3A_90, %dma_start3A_128, %select_n3A_106, %dma_start3A_132] : memref<8x1x512x512xf32, #tpu.memory_space<hbm>> -> memref<1x1x8x512xf32, #tpu.memory_space<hbm>>
    %dma_start3A_134 = tpu.memref_squeeze %dma_start3A_133 : memref<1x1x8x512xf32, #tpu.memory_space<hbm>> -> memref<8x512xf32, #tpu.memory_space<hbm>>
    tpu.enqueue_dma source(%dma_start3A_134 : memref<8x512xf32, #tpu.memory_space<hbm>>) target(%arg13 : memref<8x512xf32, #tpu.memory_space<vmem>>) target_semaphore(%arg16 : memref<!tpu.dma_semaphore, #tpu.memory_space<semaphore_mem>>)
    %dma_wait3A = arith.constant 0 : i32
    %dma_wait3A_135 = arith.constant 0 : i32
    %dma_wait3A_136 = tpu.memref_slice %arg2[%select_n3A, %dma_wait3A, %select_n3A_37, %dma_wait3A_135] : memref<8x2x512x512xf32, #tpu.memory_space<hbm>> -> memref<1x1x8x512xf32, #tpu.memory_space<hbm>>
    %dma_wait3A_137 = tpu.memref_squeeze %dma_wait3A_136 : memref<1x1x8x512xf32, #tpu.memory_space<hbm>> -> memref<8x512xf32, #tpu.memory_space<hbm>>
    %dma_wait3A_138 = arith.constant 0 : i32
    %dma_wait3A_139 = tpu.memref_slice %arg2[%select_n3A, %dma_wait3A, %select_n3A_37, %dma_wait3A_138] : memref<8x2x512x512xf32, #tpu.memory_space<hbm>> -> memref<1x1x8x512xf32, #tpu.memory_space<hbm>>
    %dma_wait3A_140 = tpu.memref_squeeze %dma_wait3A_139 : memref<1x1x8x512xf32, #tpu.memory_space<hbm>> -> memref<8x512xf32, #tpu.memory_space<hbm>>
    tpu.wait_dma2 semaphore(%arg15 : memref<!tpu.dma_semaphore, #tpu.memory_space<semaphore_mem>>) src(%dma_wait3A_140 : memref<8x512xf32, #tpu.memory_space<hbm>>) dst(%arg6 : memref<8x512xf32, #tpu.memory_space<vmem>>)
    %dma_wait3A_141 = arith.constant 1 : i32
    %dma_wait3A_142 = arith.constant 0 : i32
    %dma_wait3A_143 = tpu.memref_slice %arg2[%select_n3A, %dma_wait3A_141, %select_n3A_37, %dma_wait3A_142] : memref<8x2x512x512xf32, #tpu.memory_space<hbm>> -> memref<1x1x8x512xf32, #tpu.memory_space<hbm>>
    %dma_wait3A_144 = tpu.memref_squeeze %dma_wait3A_143 : memref<1x1x8x512xf32, #tpu.memory_space<hbm>> -> memref<8x512xf32, #tpu.memory_space<hbm>>
    %dma_wait3A_145 = arith.constant 0 : i32
    %dma_wait3A_146 = tpu.memref_slice %arg2[%select_n3A, %dma_wait3A_141, %select_n3A_37, %dma_wait3A_145] : memref<8x2x512x512xf32, #tpu.memory_space<hbm>> -> memref<1x1x8x512xf32, #tpu.memory_space<hbm>>
    %dma_wait3A_147 = tpu.memref_squeeze %dma_wait3A_146 : memref<1x1x8x512xf32, #tpu.memory_space<hbm>> -> memref<8x512xf32, #tpu.memory_space<hbm>>
    tpu.wait_dma2 semaphore(%arg15 : memref<!tpu.dma_semaphore, #tpu.memory_space<semaphore_mem>>) src(%dma_wait3A_147 : memref<8x512xf32, #tpu.memory_space<hbm>>) dst(%arg7 : memref<8x512xf32, #tpu.memory_space<vmem>>)
    %dma_wait3A_148 = arith.constant 0 : i32
    %dma_wait3A_149 = arith.constant 0 : i32
    %dma_wait3A_150 = tpu.memref_slice %arg3[%select_n3A, %dma_wait3A_148, %select_n3A_37, %dma_wait3A_149] : memref<8x1x512x512xi32, #tpu.memory_space<hbm>> -> memref<1x1x8x512xi32, #tpu.memory_space<hbm>>
    %dma_wait3A_151 = tpu.memref_squeeze %dma_wait3A_150 : memref<1x1x8x512xi32, #tpu.memory_space<hbm>> -> memref<8x512xi32, #tpu.memory_space<hbm>>
    %dma_wait3A_152 = arith.constant 0 : i32
    %dma_wait3A_153 = tpu.memref_slice %arg3[%select_n3A, %dma_wait3A_148, %select_n3A_37, %dma_wait3A_152] : memref<8x1x512x512xi32, #tpu.memory_space<hbm>> -> memref<1x1x8x512xi32, #tpu.memory_space<hbm>>
    %dma_wait3A_154 = tpu.memref_squeeze %dma_wait3A_153 : memref<1x1x8x512xi32, #tpu.memory_space<hbm>> -> memref<8x512xi32, #tpu.memory_space<hbm>>
    tpu.wait_dma2 semaphore(%arg15 : memref<!tpu.dma_semaphore, #tpu.memory_space<semaphore_mem>>) src(%dma_wait3A_154 : memref<8x512xi32, #tpu.memory_space<hbm>>) dst(%arg8 : memref<8x512xi32, #tpu.memory_space<vmem>>)
    %dma_wait3A_155 = arith.constant 0 : i32
    %dma_wait3A_156 = arith.constant 0 : i32
    %dma_wait3A_157 = tpu.memref_slice %arg4[%select_n3A, %dma_wait3A_155, %select_n3A_37, %dma_wait3A_156] : memref<8x1x512x512xf32, #tpu.memory_space<hbm>> -> memref<1x1x8x512xf32, #tpu.memory_space<hbm>>
    %dma_wait3A_158 = tpu.memref_squeeze %dma_wait3A_157 : memref<1x1x8x512xf32, #tpu.memory_space<hbm>> -> memref<8x512xf32, #tpu.memory_space<hbm>>
    %dma_wait3A_159 = arith.constant 0 : i32
    %dma_wait3A_160 = tpu.memref_slice %arg4[%select_n3A, %dma_wait3A_155, %select_n3A_37, %dma_wait3A_159] : memref<8x1x512x512xf32, #tpu.memory_space<hbm>> -> memref<1x1x8x512xf32, #tpu.memory_space<hbm>>
    %dma_wait3A_161 = tpu.memref_squeeze %dma_wait3A_160 : memref<1x1x8x512xf32, #tpu.memory_space<hbm>> -> memref<8x512xf32, #tpu.memory_space<hbm>>
    tpu.wait_dma2 semaphore(%arg15 : memref<!tpu.dma_semaphore, #tpu.memory_space<semaphore_mem>>) src(%dma_wait3A_161 : memref<8x512xf32, #tpu.memory_space<hbm>>) dst(%arg9 : memref<8x512xf32, #tpu.memory_space<vmem>>)
    %scan3A = arith.constant 0 : i32
    %scan3A_162 = arith.constant 32 : i32
    %scan3A_163 = arith.addi %scan3A, %scan3A_162 : i32
    %scan3A_164 = arith.constant 1 : i32
    %scan3A_165:3 = scf.for %scan3A_214 = %scan3A to %scan3A_163 step %scan3A_164 iter_args(%scan3A_215 = %broadcast_in_dim3A_5, %scan3A_216 = %broadcast_in_dim3A_5, %scan3A_217 = %broadcast_in_dim3A_5) -> (vector<16xf32>, vector<16xf32>, vector<16xf32>)  : i32 {
      %mul3A_218 = arith.constant 8 : i32
      %mul3A_219 = arith.muli %scan3A_214, %mul3A_218 : i32
      %jit3A_220 = arith.constant 32 : i32
      %div3A_221 = arith.divsi %mul3A_219, %jit3A_220 : i32
      %sign3A_222 = arith.constant 0 : i32
      %sign3A_223 = arith.cmpi sgt, %mul3A_219, %sign3A_222 : i32
      %sign3A_224 = arith.extui %sign3A_223 : i1 to i32
      %sign3A_225 = arith.constant 0 : i32
      %sign3A_226 = arith.cmpi slt, %mul3A_219, %sign3A_225 : i32
      %sign3A_227 = arith.extui %sign3A_226 : i1 to i32
      %sign3A_228 = arith.subi %sign3A_224, %sign3A_227 : i32
      %sign3A_229 = arith.constant 0 : i32
      %sign3A_230 = arith.cmpi sgt, %jit3A_220, %sign3A_229 : i32
      %sign3A_231 = arith.extui %sign3A_230 : i1 to i32
      %sign3A_232 = arith.constant 0 : i32
      %sign3A_233 = arith.cmpi slt, %jit3A_220, %sign3A_232 : i32
      %sign3A_234 = arith.extui %sign3A_233 : i1 to i32
      %sign3A_235 = arith.subi %sign3A_231, %sign3A_234 : i32
      %ne3A_236 = arith.cmpi ne, %sign3A_228, %sign3A_235 : i32
      %rem3A_237 = arith.remsi %mul3A_219, %jit3A_220 : i32
      %ne3A_238 = arith.constant 0 : i32
      %ne3A_239 = arith.cmpi ne, %rem3A_237, %ne3A_238 : i32
      %and3A_240 = arith.andi %ne3A_236, %ne3A_239 : i1
      %sub3A_241 = arith.constant 1 : i32
      %sub3A_242 = arith.subi %div3A_221, %sub3A_241 : i32
      %select_n3A_243 = arith.select %and3A_240, %sub3A_242, %div3A_221 : i32
      %jit3A_244 = arith.constant 32 : i32
      %eq3A_245 = arith.constant 0 : i32
      %eq3A_246 = arith.cmpi eq, %jit3A_244, %eq3A_245 : i32
      %jit3A_247 = arith.constant 1 : i32
      %select_n3A_248 = arith.select %eq3A_246, %jit3A_247, %jit3A_244 : i32
      %rem3A_249 = arith.remsi %mul3A_219, %select_n3A_248 : i32
      %ne3A_250 = arith.constant 0 : i32
      %ne3A_251 = arith.cmpi ne, %rem3A_249, %ne3A_250 : i32
      %lt3A_252 = arith.constant 0 : i32
      %lt3A_253 = arith.cmpi slt, %rem3A_249, %lt3A_252 : i32
      %lt3A_254 = arith.constant 0 : i32
      %lt3A_255 = arith.cmpi slt, %select_n3A_248, %lt3A_254 : i32
      %ne3A_256 = arith.xori %lt3A_253, %lt3A_255 : i1
      %and3A_257 = arith.andi %ne3A_256, %ne3A_251 : i1
      %add3A_258 = arith.addi %rem3A_249, %select_n3A_248 : i32
      %select_n3A_259 = arith.select %and3A_257, %add3A_258, %rem3A_249 : i32
      %add3A_260 = arith.constant 0 : i32
      %add3A_261 = arith.addi %select_n3A_259, %add3A_260 : i32
      %mul3A_262 = arith.constant 16 : i32
      %mul3A_263 = arith.muli %add3A_261, %mul3A_262 : i32
      %get3A = arith.index_cast %select_n3A_243 : i32 to index
      %get3A_264 = arith.index_cast %mul3A_263 : i32 to index
      %get3A_265 = tpu.vector_load %arg6[%get3A, %get3A_264] {strides = array<i32>} : memref<8x512xf32, #tpu.memory_space<vmem>>, vector<1x16xf32>,
      %get3A_266 = vector.shape_cast %get3A_265 : vector<1x16xf32> to vector<16xf32>
      %get3A_267 = arith.index_cast %select_n3A_243 : i32 to index
      %get3A_268 = arith.index_cast %mul3A_263 : i32 to index
      %get3A_269 = tpu.vector_load %arg7[%get3A_267, %get3A_268] {strides = array<i32>} : memref<8x512xf32, #tpu.memory_space<vmem>>, vector<1x16xf32>,
      %get3A_270 = vector.shape_cast %get3A_269 : vector<1x16xf32> to vector<16xf32>
      %get3A_271 = arith.index_cast %select_n3A_243 : i32 to index
      %get3A_272 = arith.index_cast %mul3A_263 : i32 to index
      %get3A_273 = tpu.vector_load %arg8[%get3A_271, %get3A_272] {strides = array<i32>} : memref<8x512xi32, #tpu.memory_space<vmem>>, vector<1x16xi32>,
      %get3A_274 = vector.shape_cast %get3A_273 : vector<1x16xi32> to vector<16xi32>
      %get3A_275 = arith.index_cast %select_n3A_243 : i32 to index
      %get3A_276 = arith.index_cast %mul3A_263 : i32 to index
      %get3A_277 = tpu.vector_load %arg9[%get3A_275, %get3A_276] {strides = array<i32>} : memref<8x512xf32, #tpu.memory_space<vmem>>, vector<1x16xf32>,
      %get3A_278 = vector.shape_cast %get3A_277 : vector<1x16xf32> to vector<16xf32>
      %sub3A_279 = arith.subf %get3A_266, %get3A_270 : vector<16xf32>
      %abs3A = math.absf %sub3A_279 : vector<16xf32>
      %neg3A = arith.constant 0.000000e+00 : f32
      %neg3A_280 = vector.broadcast %neg3A : f32 to vector<16xf32>
      %neg3A_281 = arith.subf %neg3A_280, %abs3A : vector<16xf32>
      %exp3A = math.exp %neg3A_281 : vector<16xf32>
      %add3A_282 = arith.constant 2.000000e+00 : f32
      %add3A_283 = vector.broadcast %add3A_282 : f32 to vector<16xf32>
      %add3A_284 = arith.addf %add3A_283, %exp3A : vector<16xf32>
      %div3A_285 = arith.divf %exp3A, %add3A_284 : vector<16xf32>
      %mul3A_286 = arith.mulf %div3A_285, %div3A_285 : vector<16xf32>
      %mul3A_287 = arith.constant 0.142857149 : f32
      %mul3A_288 = vector.broadcast %mul3A_287 : f32 to vector<16xf32>
      %mul3A_289 = arith.mulf %mul3A_286, %mul3A_288 : vector<16xf32>
      %add3A_290 = arith.constant 2.000000e-01 : f32
      %add3A_291 = vector.broadcast %add3A_290 : f32 to vector<16xf32>
      %add3A_292 = arith.addf %add3A_291, %mul3A_289 : vector<16xf32>
      %mul3A_293 = arith.mulf %mul3A_286, %add3A_292 : vector<16xf32>
      %add3A_294 = arith.constant 0.333333343 : f32
      %add3A_295 = vector.broadcast %add3A_294 : f32 to vector<16xf32>
      %add3A_296 = arith.addf %add3A_295, %mul3A_293 : vector<16xf32>
      %mul3A_297 = arith.constant 2.000000e+00 : f32
      %mul3A_298 = vector.broadcast %mul3A_297 : f32 to vector<16xf32>
      %mul3A_299 = arith.mulf %mul3A_298, %div3A_285 : vector<16xf32>
      %mul3A_300 = arith.mulf %mul3A_286, %add3A_296 : vector<16xf32>
      %add3A_301 = arith.constant 1.000000e+00 : f32
      %add3A_302 = vector.broadcast %add3A_301 : f32 to vector<16xf32>
      %add3A_303 = arith.addf %add3A_302, %mul3A_300 : vector<16xf32>
      %mul3A_304 = arith.mulf %mul3A_299, %add3A_303 : vector<16xf32>
      %eq3A_305 = arith.constant 0 : i32
      %eq3A_306 = vector.broadcast %eq3A_305 : i32 to vector<16xi32>
      %eq3A_307 = arith.cmpi eq, %get3A_274, %eq3A_306 : vector<16xi32>
      %neg3A_308 = arith.constant 0.000000e+00 : f32
      %neg3A_309 = vector.broadcast %neg3A_308 : f32 to vector<16xf32>
      %neg3A_310 = arith.subf %neg3A_309, %sub3A_279 : vector<16xf32>
      %max3A = arith.constant 0.000000e+00 : f32
      %max3A_311 = vector.broadcast %max3A : f32 to vector<16xf32>
      %max3A_312 = arith.maximumf %neg3A_310, %max3A_311 : vector<16xf32>
      %max3A_313 = arith.constant 0.000000e+00 : f32
      %max3A_314 = vector.broadcast %max3A_313 : f32 to vector<16xf32>
      %max3A_315 = arith.maximumf %sub3A_279, %max3A_314 : vector<16xf32>
      %select_n3A_316 = arith.select %eq3A_307, %max3A_312, %max3A_315 : vector<16xi1>, vector<16xf32>
      %add3A_317 = arith.addf %mul3A_304, %select_n3A_316 : vector<16xf32>
      %add3A_318 = arith.addf %scan3A_215, %add3A_317 : vector<16xf32>
      %mul3A_319 = arith.mulf %get3A_278, %add3A_317 : vector<16xf32>
      %add3A_320 = arith.addf %scan3A_216, %mul3A_319 : vector<16xf32>
      %ne3A_321 = arith.constant 0 : i32
      %ne3A_322 = vector.broadcast %ne3A_321 : i32 to vector<16xi32>
      %ne3A_323 = arith.cmpi ne, %get3A_274, %ne3A_322 : vector<16xi32>
      %jit3A_324 = arith.constant 1.000000e+00 : f32
      %jit3A_325 = arith.constant 0.000000e+00 : f32
      %broadcast_in_dim3A_326 = vector.broadcast %jit3A_324 : f32 to vector<16xf32>
      %broadcast_in_dim3A_327 = vector.broadcast %jit3A_325 : f32 to vector<16xf32>
      %select_n3A_328 = arith.select %ne3A_323, %broadcast_in_dim3A_326, %broadcast_in_dim3A_327 : vector<16xi1>, vector<16xf32>
      %add3A_329 = arith.addf %scan3A_217, %select_n3A_328 : vector<16xf32>
      %add3A_330 = arith.constant 1 : i32
      %add3A_331 = arith.addi %select_n3A_259, %add3A_330 : i32
      %mul3A_332 = arith.constant 16 : i32
      %mul3A_333 = arith.muli %add3A_331, %mul3A_332 : i32
      %get3A_334 = arith.index_cast %select_n3A_243 : i32 to index
      %get3A_335 = arith.index_cast %mul3A_333 : i32 to index
      %get3A_336 = tpu.vector_load %arg6[%get3A_334, %get3A_335] {strides = array<i32>} : memref<8x512xf32, #tpu.memory_space<vmem>>, vector<1x16xf32>,
      %get3A_337 = vector.shape_cast %get3A_336 : vector<1x16xf32> to vector<16xf32>
      %get3A_338 = arith.index_cast %select_n3A_243 : i32 to index
      %get3A_339 = arith.index_cast %mul3A_333 : i32 to index
      %get3A_340 = tpu.vector_load %arg7[%get3A_338, %get3A_339] {strides = array<i32>} : memref<8x512xf32, #tpu.memory_space<vmem>>, vector<1x16xf32>,
      %get3A_341 = vector.shape_cast %get3A_340 : vector<1x16xf32> to vector<16xf32>
      %get3A_342 = arith.index_cast %select_n3A_243 : i32 to index
      %get3A_343 = arith.index_cast %mul3A_333 : i32 to index
      %get3A_344 = tpu.vector_load %arg8[%get3A_342, %get3A_343] {strides = array<i32>} : memref<8x512xi32, #tpu.memory_space<vmem>>, vector<1x16xi32>,
      %get3A_345 = vector.shape_cast %get3A_344 : vector<1x16xi32> to vector<16xi32>
      %get3A_346 = arith.index_cast %select_n3A_243 : i32 to index
      %get3A_347 = arith.index_cast %mul3A_333 : i32 to index
      %get3A_348 = tpu.vector_load %arg9[%get3A_346, %get3A_347] {strides = array<i32>} : memref<8x512xf32, #tpu.memory_space<vmem>>, vector<1x16xf32>,
      %get3A_349 = vector.shape_cast %get3A_348 : vector<1x16xf32> to vector<16xf32>
      %sub3A_350 = arith.subf %get3A_337, %get3A_341 : vector<16xf32>
      %abs3A_351 = math.absf %sub3A_350 : vector<16xf32>
      %neg3A_352 = arith.constant 0.000000e+00 : f32
      %neg3A_353 = vector.broadcast %neg3A_352 : f32 to vector<16xf32>
      %neg3A_354 = arith.subf %neg3A_353, %abs3A_351 : vector<16xf32>
      %exp3A_355 = math.exp %neg3A_354 : vector<16xf32>
      %add3A_356 = arith.constant 2.000000e+00 : f32
      %add3A_357 = vector.broadcast %add3A_356 : f32 to vector<16xf32>
      %add3A_358 = arith.addf %add3A_357, %exp3A_355 : vector<16xf32>
      %div3A_359 = arith.divf %exp3A_355, %add3A_358 : vector<16xf32>
      %mul3A_360 = arith.mulf %div3A_359, %div3A_359 : vector<16xf32>
      %mul3A_361 = arith.constant 0.142857149 : f32
      %mul3A_362 = vector.broadcast %mul3A_361 : f32 to vector<16xf32>
      %mul3A_363 = arith.mulf %mul3A_360, %mul3A_362 : vector<16xf32>
      %add3A_364 = arith.constant 2.000000e-01 : f32
      %add3A_365 = vector.broadcast %add3A_364 : f32 to vector<16xf32>
      %add3A_366 = arith.addf %add3A_365, %mul3A_363 : vector<16xf32>
      %mul3A_367 = arith.mulf %mul3A_360, %add3A_366 : vector<16xf32>
      %add3A_368 = arith.constant 0.333333343 : f32
      %add3A_369 = vector.broadcast %add3A_368 : f32 to vector<16xf32>
      %add3A_370 = arith.addf %add3A_369, %mul3A_367 : vector<16xf32>
      %mul3A_371 = arith.constant 2.000000e+00 : f32
      %mul3A_372 = vector.broadcast %mul3A_371 : f32 to vector<16xf32>
      %mul3A_373 = arith.mulf %mul3A_372, %div3A_359 : vector<16xf32>
      %mul3A_374 = arith.mulf %mul3A_360, %add3A_370 : vector<16xf32>
      %add3A_375 = arith.constant 1.000000e+00 : f32
      %add3A_376 = vector.broadcast %add3A_375 : f32 to vector<16xf32>
      %add3A_377 = arith.addf %add3A_376, %mul3A_374 : vector<16xf32>
      %mul3A_378 = arith.mulf %mul3A_373, %add3A_377 : vector<16xf32>
      %eq3A_379 = arith.constant 0 : i32
      %eq3A_380 = vector.broadcast %eq3A_379 : i32 to vector<16xi32>
      %eq3A_381 = arith.cmpi eq, %get3A_345, %eq3A_380 : vector<16xi32>
      %neg3A_382 = arith.constant 0.000000e+00 : f32
      %neg3A_383 = vector.broadcast %neg3A_382 : f32 to vector<16xf32>
      %neg3A_384 = arith.subf %neg3A_383, %sub3A_350 : vector<16xf32>
      %max3A_385 = arith.constant 0.000000e+00 : f32
      %max3A_386 = vector.broadcast %max3A_385 : f32 to vector<16xf32>
      %max3A_387 = arith.maximumf %neg3A_384, %max3A_386 : vector<16xf32>
      %max3A_388 = arith.constant 0.000000e+00 : f32
      %max3A_389 = vector.broadcast %max3A_388 : f32 to vector<16xf32>
      %max3A_390 = arith.maximumf %sub3A_350, %max3A_389 : vector<16xf32>
      %select_n3A_391 = arith.select %eq3A_381, %max3A_387, %max3A_390 : vector<16xi1>, vector<16xf32>
      %add3A_392 = arith.addf %mul3A_378, %select_n3A_391 : vector<16xf32>
      %add3A_393 = arith.addf %add3A_318, %add3A_392 : vector<16xf32>
      %mul3A_394 = arith.mulf %get3A_349, %add3A_392 : vector<16xf32>
      %add3A_395 = arith.addf %add3A_320, %mul3A_394 : vector<16xf32>
      %ne3A_396 = arith.constant 0 : i32
      %ne3A_397 = vector.broadcast %ne3A_396 : i32 to vector<16xi32>
      %ne3A_398 = arith.cmpi ne, %get3A_345, %ne3A_397 : vector<16xi32>
      %jit3A_399 = arith.constant 1.000000e+00 : f32
      %jit3A_400 = arith.constant 0.000000e+00 : f32
      %broadcast_in_dim3A_401 = vector.broadcast %jit3A_399 : f32 to vector<16xf32>
      %broadcast_in_dim3A_402 = vector.broadcast %jit3A_400 : f32 to vector<16xf32>
      %select_n3A_403 = arith.select %ne3A_398, %broadcast_in_dim3A_401, %broadcast_in_dim3A_402 : vector<16xi1>, vector<16xf32>
      %add3A_404 = arith.addf %add3A_329, %select_n3A_403 : vector<16xf32>
      %add3A_405 = arith.constant 2 : i32
      %add3A_406 = arith.addi %select_n3A_259, %add3A_405 : i32
      %mul3A_407 = arith.constant 16 : i32
      %mul3A_408 = arith.muli %add3A_406, %mul3A_407 : i32
      %get3A_409 = arith.index_cast %select_n3A_243 : i32 to index
      %get3A_410 = arith.index_cast %mul3A_408 : i32 to index
      %get3A_411 = tpu.vector_load %arg6[%get3A_409, %get3A_410] {strides = array<i32>} : memref<8x512xf32, #tpu.memory_space<vmem>>, vector<1x16xf32>,
      %get3A_412 = vector.shape_cast %get3A_411 : vector<1x16xf32> to vector<16xf32>
      %get3A_413 = arith.index_cast %select_n3A_243 : i32 to index
      %get3A_414 = arith.index_cast %mul3A_408 : i32 to index
      %get3A_415 = tpu.vector_load %arg7[%get3A_413, %get3A_414] {strides = array<i32>} : memref<8x512xf32, #tpu.memory_space<vmem>>, vector<1x16xf32>,
      %get3A_416 = vector.shape_cast %get3A_415 : vector<1x16xf32> to vector<16xf32>
      %get3A_417 = arith.index_cast %select_n3A_243 : i32 to index
      %get3A_418 = arith.index_cast %mul3A_408 : i32 to index
      %get3A_419 = tpu.vector_load %arg8[%get3A_417, %get3A_418] {strides = array<i32>} : memref<8x512xi32, #tpu.memory_space<vmem>>, vector<1x16xi32>,
      %get3A_420 = vector.shape_cast %get3A_419 : vector<1x16xi32> to vector<16xi32>
      %get3A_421 = arith.index_cast %select_n3A_243 : i32 to index
      %get3A_422 = arith.index_cast %mul3A_408 : i32 to index
      %get3A_423 = tpu.vector_load %arg9[%get3A_421, %get3A_422] {strides = array<i32>} : memref<8x512xf32, #tpu.memory_space<vmem>>, vector<1x16xf32>,
      %get3A_424 = vector.shape_cast %get3A_423 : vector<1x16xf32> to vector<16xf32>
      %sub3A_425 = arith.subf %get3A_412, %get3A_416 : vector<16xf32>
      %abs3A_426 = math.absf %sub3A_425 : vector<16xf32>
      %neg3A_427 = arith.constant 0.000000e+00 : f32
      %neg3A_428 = vector.broadcast %neg3A_427 : f32 to vector<16xf32>
      %neg3A_429 = arith.subf %neg3A_428, %abs3A_426 : vector<16xf32>
      %exp3A_430 = math.exp %neg3A_429 : vector<16xf32>
      %add3A_431 = arith.constant 2.000000e+00 : f32
      %add3A_432 = vector.broadcast %add3A_431 : f32 to vector<16xf32>
      %add3A_433 = arith.addf %add3A_432, %exp3A_430 : vector<16xf32>
      %div3A_434 = arith.divf %exp3A_430, %add3A_433 : vector<16xf32>
      %mul3A_435 = arith.mulf %div3A_434, %div3A_434 : vector<16xf32>
      %mul3A_436 = arith.constant 0.142857149 : f32
      %mul3A_437 = vector.broadcast %mul3A_436 : f32 to vector<16xf32>
      %mul3A_438 = arith.mulf %mul3A_435, %mul3A_437 : vector<16xf32>
      %add3A_439 = arith.constant 2.000000e-01 : f32
      %add3A_440 = vector.broadcast %add3A_439 : f32 to vector<16xf32>
      %add3A_441 = arith.addf %add3A_440, %mul3A_438 : vector<16xf32>
      %mul3A_442 = arith.mulf %mul3A_435, %add3A_441 : vector<16xf32>
      %add3A_443 = arith.constant 0.333333343 : f32
      %add3A_444 = vector.broadcast %add3A_443 : f32 to vector<16xf32>
      %add3A_445 = arith.addf %add3A_444, %mul3A_442 : vector<16xf32>
      %mul3A_446 = arith.constant 2.000000e+00 : f32
      %mul3A_447 = vector.broadcast %mul3A_446 : f32 to vector<16xf32>
      %mul3A_448 = arith.mulf %mul3A_447, %div3A_434 : vector<16xf32>
      %mul3A_449 = arith.mulf %mul3A_435, %add3A_445 : vector<16xf32>
      %add3A_450 = arith.constant 1.000000e+00 : f32
      %add3A_451 = vector.broadcast %add3A_450 : f32 to vector<16xf32>
      %add3A_452 = arith.addf %add3A_451, %mul3A_449 : vector<16xf32>
      %mul3A_453 = arith.mulf %mul3A_448, %add3A_452 : vector<16xf32>
      %eq3A_454 = arith.constant 0 : i32
      %eq3A_455 = vector.broadcast %eq3A_454 : i32 to vector<16xi32>
      %eq3A_456 = arith.cmpi eq, %get3A_420, %eq3A_455 : vector<16xi32>
      %neg3A_457 = arith.constant 0.000000e+00 : f32
      %neg3A_458 = vector.broadcast %neg3A_457 : f32 to vector<16xf32>
      %neg3A_459 = arith.subf %neg3A_458, %sub3A_425 : vector<16xf32>
      %max3A_460 = arith.constant 0.000000e+00 : f32
      %max3A_461 = vector.broadcast %max3A_460 : f32 to vector<16xf32>
      %max3A_462 = arith.maximumf %neg3A_459, %max3A_461 : vector<16xf32>
      %max3A_463 = arith.constant 0.000000e+00 : f32
      %max3A_464 = vector.broadcast %max3A_463 : f32 to vector<16xf32>
      %max3A_465 = arith.maximumf %sub3A_425, %max3A_464 : vector<16xf32>
      %select_n3A_466 = arith.select %eq3A_456, %max3A_462, %max3A_465 : vector<16xi1>, vector<16xf32>
      %add3A_467 = arith.addf %mul3A_453, %select_n3A_466 : vector<16xf32>
      %add3A_468 = arith.addf %add3A_393, %add3A_467 : vector<16xf32>
      %mul3A_469 = arith.mulf %get3A_424, %add3A_467 : vector<16xf32>
      %add3A_470 = arith.addf %add3A_395, %mul3A_469 : vector<16xf32>
      %ne3A_471 = arith.constant 0 : i32
      %ne3A_472 = vector.broadcast %ne3A_471 : i32 to vector<16xi32>
      %ne3A_473 = arith.cmpi ne, %get3A_420, %ne3A_472 : vector<16xi32>
      %jit3A_474 = arith.constant 1.000000e+00 : f32
      %jit3A_475 = arith.constant 0.000000e+00 : f32
      %broadcast_in_dim3A_476 = vector.broadcast %jit3A_474 : f32 to vector<16xf32>
      %broadcast_in_dim3A_477 = vector.broadcast %jit3A_475 : f32 to vector<16xf32>
      %select_n3A_478 = arith.select %ne3A_473, %broadcast_in_dim3A_476, %broadcast_in_dim3A_477 : vector<16xi1>, vector<16xf32>
      %add3A_479 = arith.addf %add3A_404, %select_n3A_478 : vector<16xf32>
      %add3A_480 = arith.constant 3 : i32
      %add3A_481 = arith.addi %select_n3A_259, %add3A_480 : i32
      %mul3A_482 = arith.constant 16 : i32
      %mul3A_483 = arith.muli %add3A_481, %mul3A_482 : i32
      %get3A_484 = arith.index_cast %select_n3A_243 : i32 to index
      %get3A_485 = arith.index_cast %mul3A_483 : i32 to index
      %get3A_486 = tpu.vector_load %arg6[%get3A_484, %get3A_485] {strides = array<i32>} : memref<8x512xf32, #tpu.memory_space<vmem>>, vector<1x16xf32>,
      %get3A_487 = vector.shape_cast %get3A_486 : vector<1x16xf32> to vector<16xf32>
      %get3A_488 = arith.index_cast %select_n3A_243 : i32 to index
      %get3A_489 = arith.index_cast %mul3A_483 : i32 to index
      %get3A_490 = tpu.vector_load %arg7[%get3A_488, %get3A_489] {strides = array<i32>} : memref<8x512xf32, #tpu.memory_space<vmem>>, vector<1x16xf32>,
      %get3A_491 = vector.shape_cast %get3A_490 : vector<1x16xf32> to vector<16xf32>
      %get3A_492 = arith.index_cast %select_n3A_243 : i32 to index
      %get3A_493 = arith.index_cast %mul3A_483 : i32 to index
      %get3A_494 = tpu.vector_load %arg8[%get3A_492, %get3A_493] {strides = array<i32>} : memref<8x512xi32, #tpu.memory_space<vmem>>, vector<1x16xi32>,
      %get3A_495 = vector.shape_cast %get3A_494 : vector<1x16xi32> to vector<16xi32>
      %get3A_496 = arith.index_cast %select_n3A_243 : i32 to index
      %get3A_497 = arith.index_cast %mul3A_483 : i32 to index
      %get3A_498 = tpu.vector_load %arg9[%get3A_496, %get3A_497] {strides = array<i32>} : memref<8x512xf32, #tpu.memory_space<vmem>>, vector<1x16xf32>,
      %get3A_499 = vector.shape_cast %get3A_498 : vector<1x16xf32> to vector<16xf32>
      %sub3A_500 = arith.subf %get3A_487, %get3A_491 : vector<16xf32>
      %abs3A_501 = math.absf %sub3A_500 : vector<16xf32>
      %neg3A_502 = arith.constant 0.000000e+00 : f32
      %neg3A_503 = vector.broadcast %neg3A_502 : f32 to vector<16xf32>
      %neg3A_504 = arith.subf %neg3A_503, %abs3A_501 : vector<16xf32>
      %exp3A_505 = math.exp %neg3A_504 : vector<16xf32>
      %add3A_506 = arith.constant 2.000000e+00 : f32
      %add3A_507 = vector.broadcast %add3A_506 : f32 to vector<16xf32>
      %add3A_508 = arith.addf %add3A_507, %exp3A_505 : vector<16xf32>
      %div3A_509 = arith.divf %exp3A_505, %add3A_508 : vector<16xf32>
      %mul3A_510 = arith.mulf %div3A_509, %div3A_509 : vector<16xf32>
      %mul3A_511 = arith.constant 0.142857149 : f32
      %mul3A_512 = vector.broadcast %mul3A_511 : f32 to vector<16xf32>
      %mul3A_513 = arith.mulf %mul3A_510, %mul3A_512 : vector<16xf32>
      %add3A_514 = arith.constant 2.000000e-01 : f32
      %add3A_515 = vector.broadcast %add3A_514 : f32 to vector<16xf32>
      %add3A_516 = arith.addf %add3A_515, %mul3A_513 : vector<16xf32>
      %mul3A_517 = arith.mulf %mul3A_510, %add3A_516 : vector<16xf32>
      %add3A_518 = arith.constant 0.333333343 : f32
      %add3A_519 = vector.broadcast %add3A_518 : f32 to vector<16xf32>
      %add3A_520 = arith.addf %add3A_519, %mul3A_517 : vector<16xf32>
      %mul3A_521 = arith.constant 2.000000e+00 : f32
      %mul3A_522 = vector.broadcast %mul3A_521 : f32 to vector<16xf32>
      %mul3A_523 = arith.mulf %mul3A_522, %div3A_509 : vector<16xf32>
      %mul3A_524 = arith.mulf %mul3A_510, %add3A_520 : vector<16xf32>
      %add3A_525 = arith.constant 1.000000e+00 : f32
      %add3A_526 = vector.broadcast %add3A_525 : f32 to vector<16xf32>
      %add3A_527 = arith.addf %add3A_526, %mul3A_524 : vector<16xf32>
      %mul3A_528 = arith.mulf %mul3A_523, %add3A_527 : vector<16xf32>
      %eq3A_529 = arith.constant 0 : i32
      %eq3A_530 = vector.broadcast %eq3A_529 : i32 to vector<16xi32>
      %eq3A_531 = arith.cmpi eq, %get3A_495, %eq3A_530 : vector<16xi32>
      %neg3A_532 = arith.constant 0.000000e+00 : f32
      %neg3A_533 = vector.broadcast %neg3A_532 : f32 to vector<16xf32>
      %neg3A_534 = arith.subf %neg3A_533, %sub3A_500 : vector<16xf32>
      %max3A_535 = arith.constant 0.000000e+00 : f32
      %max3A_536 = vector.broadcast %max3A_535 : f32 to vector<16xf32>
      %max3A_537 = arith.maximumf %neg3A_534, %max3A_536 : vector<16xf32>
      %max3A_538 = arith.constant 0.000000e+00 : f32
      %max3A_539 = vector.broadcast %max3A_538 : f32 to vector<16xf32>
      %max3A_540 = arith.maximumf %sub3A_500, %max3A_539 : vector<16xf32>
      %select_n3A_541 = arith.select %eq3A_531, %max3A_537, %max3A_540 : vector<16xi1>, vector<16xf32>
      %add3A_542 = arith.addf %mul3A_528, %select_n3A_541 : vector<16xf32>
      %add3A_543 = arith.addf %add3A_468, %add3A_542 : vector<16xf32>
      %mul3A_544 = arith.mulf %get3A_499, %add3A_542 : vector<16xf32>
      %add3A_545 = arith.addf %add3A_470, %mul3A_544 : vector<16xf32>
      %ne3A_546 = arith.constant 0 : i32
      %ne3A_547 = vector.broadcast %ne3A_546 : i32 to vector<16xi32>
      %ne3A_548 = arith.cmpi ne, %get3A_495, %ne3A_547 : vector<16xi32>
      %jit3A_549 = arith.constant 1.000000e+00 : f32
      %jit3A_550 = arith.constant 0.000000e+00 : f32
      %broadcast_in_dim3A_551 = vector.broadcast %jit3A_549 : f32 to vector<16xf32>
      %broadcast_in_dim3A_552 = vector.broadcast %jit3A_550 : f32 to vector<16xf32>
      %select_n3A_553 = arith.select %ne3A_548, %broadcast_in_dim3A_551, %broadcast_in_dim3A_552 : vector<16xi1>, vector<16xf32>
      %add3A_554 = arith.addf %add3A_479, %select_n3A_553 : vector<16xf32>
      %add3A_555 = arith.constant 4 : i32
      %add3A_556 = arith.addi %select_n3A_259, %add3A_555 : i32
      %mul3A_557 = arith.constant 16 : i32
      %mul3A_558 = arith.muli %add3A_556, %mul3A_557 : i32
      %get3A_559 = arith.index_cast %select_n3A_243 : i32 to index
      %get3A_560 = arith.index_cast %mul3A_558 : i32 to index
      %get3A_561 = tpu.vector_load %arg6[%get3A_559, %get3A_560] {strides = array<i32>} : memref<8x512xf32, #tpu.memory_space<vmem>>, vector<1x16xf32>,
      %get3A_562 = vector.shape_cast %get3A_561 : vector<1x16xf32> to vector<16xf32>
      %get3A_563 = arith.index_cast %select_n3A_243 : i32 to index
      %get3A_564 = arith.index_cast %mul3A_558 : i32 to index
      %get3A_565 = tpu.vector_load %arg7[%get3A_563, %get3A_564] {strides = array<i32>} : memref<8x512xf32, #tpu.memory_space<vmem>>, vector<1x16xf32>,
      %get3A_566 = vector.shape_cast %get3A_565 : vector<1x16xf32> to vector<16xf32>
      %get3A_567 = arith.index_cast %select_n3A_243 : i32 to index
      %get3A_568 = arith.index_cast %mul3A_558 : i32 to index
      %get3A_569 = tpu.vector_load %arg8[%get3A_567, %get3A_568] {strides = array<i32>} : memref<8x512xi32, #tpu.memory_space<vmem>>, vector<1x16xi32>,
      %get3A_570 = vector.shape_cast %get3A_569 : vector<1x16xi32> to vector<16xi32>
      %get3A_571 = arith.index_cast %select_n3A_243 : i32 to index
      %get3A_572 = arith.index_cast %mul3A_558 : i32 to index
      %get3A_573 = tpu.vector_load %arg9[%get3A_571, %get3A_572] {strides = array<i32>} : memref<8x512xf32, #tpu.memory_space<vmem>>, vector<1x16xf32>,
      %get3A_574 = vector.shape_cast %get3A_573 : vector<1x16xf32> to vector<16xf32>
      %sub3A_575 = arith.subf %get3A_562, %get3A_566 : vector<16xf32>
      %abs3A_576 = math.absf %sub3A_575 : vector<16xf32>
      %neg3A_577 = arith.constant 0.000000e+00 : f32
      %neg3A_578 = vector.broadcast %neg3A_577 : f32 to vector<16xf32>
      %neg3A_579 = arith.subf %neg3A_578, %abs3A_576 : vector<16xf32>
      %exp3A_580 = math.exp %neg3A_579 : vector<16xf32>
      %add3A_581 = arith.constant 2.000000e+00 : f32
      %add3A_582 = vector.broadcast %add3A_581 : f32 to vector<16xf32>
      %add3A_583 = arith.addf %add3A_582, %exp3A_580 : vector<16xf32>
      %div3A_584 = arith.divf %exp3A_580, %add3A_583 : vector<16xf32>
      %mul3A_585 = arith.mulf %div3A_584, %div3A_584 : vector<16xf32>
      %mul3A_586 = arith.constant 0.142857149 : f32
      %mul3A_587 = vector.broadcast %mul3A_586 : f32 to vector<16xf32>
      %mul3A_588 = arith.mulf %mul3A_585, %mul3A_587 : vector<16xf32>
      %add3A_589 = arith.constant 2.000000e-01 : f32
      %add3A_590 = vector.broadcast %add3A_589 : f32 to vector<16xf32>
      %add3A_591 = arith.addf %add3A_590, %mul3A_588 : vector<16xf32>
      %mul3A_592 = arith.mulf %mul3A_585, %add3A_591 : vector<16xf32>
      %add3A_593 = arith.constant 0.333333343 : f32
      %add3A_594 = vector.broadcast %add3A_593 : f32 to vector<16xf32>
      %add3A_595 = arith.addf %add3A_594, %mul3A_592 : vector<16xf32>
      %mul3A_596 = arith.constant 2.000000e+00 : f32
      %mul3A_597 = vector.broadcast %mul3A_596 : f32 to vector<16xf32>
      %mul3A_598 = arith.mulf %mul3A_597, %div3A_584 : vector<16xf32>
      %mul3A_599 = arith.mulf %mul3A_585, %add3A_595 : vector<16xf32>
      %add3A_600 = arith.constant 1.000000e+00 : f32
      %add3A_601 = vector.broadcast %add3A_600 : f32 to vector<16xf32>
      %add3A_602 = arith.addf %add3A_601, %mul3A_599 : vector<16xf32>
      %mul3A_603 = arith.mulf %mul3A_598, %add3A_602 : vector<16xf32>
      %eq3A_604 = arith.constant 0 : i32
      %eq3A_605 = vector.broadcast %eq3A_604 : i32 to vector<16xi32>
      %eq3A_606 = arith.cmpi eq, %get3A_570, %eq3A_605 : vector<16xi32>
      %neg3A_607 = arith.constant 0.000000e+00 : f32
      %neg3A_608 = vector.broadcast %neg3A_607 : f32 to vector<16xf32>
      %neg3A_609 = arith.subf %neg3A_608, %sub3A_575 : vector<16xf32>
      %max3A_610 = arith.constant 0.000000e+00 : f32
      %max3A_611 = vector.broadcast %max3A_610 : f32 to vector<16xf32>
      %max3A_612 = arith.maximumf %neg3A_609, %max3A_611 : vector<16xf32>
      %max3A_613 = arith.constant 0.000000e+00 : f32
      %max3A_614 = vector.broadcast %max3A_613 : f32 to vector<16xf32>
      %max3A_615 = arith.maximumf %sub3A_575, %max3A_614 : vector<16xf32>
      %select_n3A_616 = arith.select %eq3A_606, %max3A_612, %max3A_615 : vector<16xi1>, vector<16xf32>
      %add3A_617 = arith.addf %mul3A_603, %select_n3A_616 : vector<16xf32>
      %add3A_618 = arith.addf %add3A_543, %add3A_617 : vector<16xf32>
      %mul3A_619 = arith.mulf %get3A_574, %add3A_617 : vector<16xf32>
      %add3A_620 = arith.addf %add3A_545, %mul3A_619 : vector<16xf32>
      %ne3A_621 = arith.constant 0 : i32
      %ne3A_622 = vector.broadcast %ne3A_621 : i32 to vector<16xi32>
      %ne3A_623 = arith.cmpi ne, %get3A_570, %ne3A_622 : vector<16xi32>
      %jit3A_624 = arith.constant 1.000000e+00 : f32
      %jit3A_625 = arith.constant 0.000000e+00 : f32
      %broadcast_in_dim3A_626 = vector.broadcast %jit3A_624 : f32 to vector<16xf32>
      %broadcast_in_dim3A_627 = vector.broadcast %jit3A_625 : f32 to vector<16xf32>
      %select_n3A_628 = arith.select %ne3A_623, %broadcast_in_dim3A_626, %broadcast_in_dim3A_627 : vector<16xi1>, vector<16xf32>
      %add3A_629 = arith.addf %add3A_554, %select_n3A_628 : vector<16xf32>
      %add3A_630 = arith.constant 5 : i32
      %add3A_631 = arith.addi %select_n3A_259, %add3A_630 : i32
      %mul3A_632 = arith.constant 16 : i32
      %mul3A_633 = arith.muli %add3A_631, %mul3A_632 : i32
      %get3A_634 = arith.index_cast %select_n3A_243 : i32 to index
      %get3A_635 = arith.index_cast %mul3A_633 : i32 to index
      %get3A_636 = tpu.vector_load %arg6[%get3A_634, %get3A_635] {strides = array<i32>} : memref<8x512xf32, #tpu.memory_space<vmem>>, vector<1x16xf32>,
      %get3A_637 = vector.shape_cast %get3A_636 : vector<1x16xf32> to vector<16xf32>
      %get3A_638 = arith.index_cast %select_n3A_243 : i32 to index
      %get3A_639 = arith.index_cast %mul3A_633 : i32 to index
      %get3A_640 = tpu.vector_load %arg7[%get3A_638, %get3A_639] {strides = array<i32>} : memref<8x512xf32, #tpu.memory_space<vmem>>, vector<1x16xf32>,
      %get3A_641 = vector.shape_cast %get3A_640 : vector<1x16xf32> to vector<16xf32>
      %get3A_642 = arith.index_cast %select_n3A_243 : i32 to index
      %get3A_643 = arith.index_cast %mul3A_633 : i32 to index
      %get3A_644 = tpu.vector_load %arg8[%get3A_642, %get3A_643] {strides = array<i32>} : memref<8x512xi32, #tpu.memory_space<vmem>>, vector<1x16xi32>,
      %get3A_645 = vector.shape_cast %get3A_644 : vector<1x16xi32> to vector<16xi32>
      %get3A_646 = arith.index_cast %select_n3A_243 : i32 to index
      %get3A_647 = arith.index_cast %mul3A_633 : i32 to index
      %get3A_648 = tpu.vector_load %arg9[%get3A_646, %get3A_647] {strides = array<i32>} : memref<8x512xf32, #tpu.memory_space<vmem>>, vector<1x16xf32>,
      %get3A_649 = vector.shape_cast %get3A_648 : vector<1x16xf32> to vector<16xf32>
      %sub3A_650 = arith.subf %get3A_637, %get3A_641 : vector<16xf32>
      %abs3A_651 = math.absf %sub3A_650 : vector<16xf32>
      %neg3A_652 = arith.constant 0.000000e+00 : f32
      %neg3A_653 = vector.broadcast %neg3A_652 : f32 to vector<16xf32>
      %neg3A_654 = arith.subf %neg3A_653, %abs3A_651 : vector<16xf32>
      %exp3A_655 = math.exp %neg3A_654 : vector<16xf32>
      %add3A_656 = arith.constant 2.000000e+00 : f32
      %add3A_657 = vector.broadcast %add3A_656 : f32 to vector<16xf32>
      %add3A_658 = arith.addf %add3A_657, %exp3A_655 : vector<16xf32>
      %div3A_659 = arith.divf %exp3A_655, %add3A_658 : vector<16xf32>
      %mul3A_660 = arith.mulf %div3A_659, %div3A_659 : vector<16xf32>
      %mul3A_661 = arith.constant 0.142857149 : f32
      %mul3A_662 = vector.broadcast %mul3A_661 : f32 to vector<16xf32>
      %mul3A_663 = arith.mulf %mul3A_660, %mul3A_662 : vector<16xf32>
      %add3A_664 = arith.constant 2.000000e-01 : f32
      %add3A_665 = vector.broadcast %add3A_664 : f32 to vector<16xf32>
      %add3A_666 = arith.addf %add3A_665, %mul3A_663 : vector<16xf32>
      %mul3A_667 = arith.mulf %mul3A_660, %add3A_666 : vector<16xf32>
      %add3A_668 = arith.constant 0.333333343 : f32
      %add3A_669 = vector.broadcast %add3A_668 : f32 to vector<16xf32>
      %add3A_670 = arith.addf %add3A_669, %mul3A_667 : vector<16xf32>
      %mul3A_671 = arith.constant 2.000000e+00 : f32
      %mul3A_672 = vector.broadcast %mul3A_671 : f32 to vector<16xf32>
      %mul3A_673 = arith.mulf %mul3A_672, %div3A_659 : vector<16xf32>
      %mul3A_674 = arith.mulf %mul3A_660, %add3A_670 : vector<16xf32>
      %add3A_675 = arith.constant 1.000000e+00 : f32
      %add3A_676 = vector.broadcast %add3A_675 : f32 to vector<16xf32>
      %add3A_677 = arith.addf %add3A_676, %mul3A_674 : vector<16xf32>
      %mul3A_678 = arith.mulf %mul3A_673, %add3A_677 : vector<16xf32>
      %eq3A_679 = arith.constant 0 : i32
      %eq3A_680 = vector.broadcast %eq3A_679 : i32 to vector<16xi32>
      %eq3A_681 = arith.cmpi eq, %get3A_645, %eq3A_680 : vector<16xi32>
      %neg3A_682 = arith.constant 0.000000e+00 : f32
      %neg3A_683 = vector.broadcast %neg3A_682 : f32 to vector<16xf32>
      %neg3A_684 = arith.subf %neg3A_683, %sub3A_650 : vector<16xf32>
      %max3A_685 = arith.constant 0.000000e+00 : f32
      %max3A_686 = vector.broadcast %max3A_685 : f32 to vector<16xf32>
      %max3A_687 = arith.maximumf %neg3A_684, %max3A_686 : vector<16xf32>
      %max3A_688 = arith.constant 0.000000e+00 : f32
      %max3A_689 = vector.broadcast %max3A_688 : f32 to vector<16xf32>
      %max3A_690 = arith.maximumf %sub3A_650, %max3A_689 : vector<16xf32>
      %select_n3A_691 = arith.select %eq3A_681, %max3A_687, %max3A_690 : vector<16xi1>, vector<16xf32>
      %add3A_692 = arith.addf %mul3A_678, %select_n3A_691 : vector<16xf32>
      %add3A_693 = arith.addf %add3A_618, %add3A_692 : vector<16xf32>
      %mul3A_694 = arith.mulf %get3A_649, %add3A_692 : vector<16xf32>
      %add3A_695 = arith.addf %add3A_620, %mul3A_694 : vector<16xf32>
      %ne3A_696 = arith.constant 0 : i32
      %ne3A_697 = vector.broadcast %ne3A_696 : i32 to vector<16xi32>
      %ne3A_698 = arith.cmpi ne, %get3A_645, %ne3A_697 : vector<16xi32>
      %jit3A_699 = arith.constant 1.000000e+00 : f32
      %jit3A_700 = arith.constant 0.000000e+00 : f32
      %broadcast_in_dim3A_701 = vector.broadcast %jit3A_699 : f32 to vector<16xf32>
      %broadcast_in_dim3A_702 = vector.broadcast %jit3A_700 : f32 to vector<16xf32>
      %select_n3A_703 = arith.select %ne3A_698, %broadcast_in_dim3A_701, %broadcast_in_dim3A_702 : vector<16xi1>, vector<16xf32>
      %add3A_704 = arith.addf %add3A_629, %select_n3A_703 : vector<16xf32>
      %add3A_705 = arith.constant 6 : i32
      %add3A_706 = arith.addi %select_n3A_259, %add3A_705 : i32
      %mul3A_707 = arith.constant 16 : i32
      %mul3A_708 = arith.muli %add3A_706, %mul3A_707 : i32
      %get3A_709 = arith.index_cast %select_n3A_243 : i32 to index
      %get3A_710 = arith.index_cast %mul3A_708 : i32 to index
      %get3A_711 = tpu.vector_load %arg6[%get3A_709, %get3A_710] {strides = array<i32>} : memref<8x512xf32, #tpu.memory_space<vmem>>, vector<1x16xf32>,
      %get3A_712 = vector.shape_cast %get3A_711 : vector<1x16xf32> to vector<16xf32>
      %get3A_713 = arith.index_cast %select_n3A_243 : i32 to index
      %get3A_714 = arith.index_cast %mul3A_708 : i32 to index
      %get3A_715 = tpu.vector_load %arg7[%get3A_713, %get3A_714] {strides = array<i32>} : memref<8x512xf32, #tpu.memory_space<vmem>>, vector<1x16xf32>,
      %get3A_716 = vector.shape_cast %get3A_715 : vector<1x16xf32> to vector<16xf32>
      %get3A_717 = arith.index_cast %select_n3A_243 : i32 to index
      %get3A_718 = arith.index_cast %mul3A_708 : i32 to index
      %get3A_719 = tpu.vector_load %arg8[%get3A_717, %get3A_718] {strides = array<i32>} : memref<8x512xi32, #tpu.memory_space<vmem>>, vector<1x16xi32>,
      %get3A_720 = vector.shape_cast %get3A_719 : vector<1x16xi32> to vector<16xi32>
      %get3A_721 = arith.index_cast %select_n3A_243 : i32 to index
      %get3A_722 = arith.index_cast %mul3A_708 : i32 to index
      %get3A_723 = tpu.vector_load %arg9[%get3A_721, %get3A_722] {strides = array<i32>} : memref<8x512xf32, #tpu.memory_space<vmem>>, vector<1x16xf32>,
      %get3A_724 = vector.shape_cast %get3A_723 : vector<1x16xf32> to vector<16xf32>
      %sub3A_725 = arith.subf %get3A_712, %get3A_716 : vector<16xf32>
      %abs3A_726 = math.absf %sub3A_725 : vector<16xf32>
      %neg3A_727 = arith.constant 0.000000e+00 : f32
      %neg3A_728 = vector.broadcast %neg3A_727 : f32 to vector<16xf32>
      %neg3A_729 = arith.subf %neg3A_728, %abs3A_726 : vector<16xf32>
      %exp3A_730 = math.exp %neg3A_729 : vector<16xf32>
      %add3A_731 = arith.constant 2.000000e+00 : f32
      %add3A_732 = vector.broadcast %add3A_731 : f32 to vector<16xf32>
      %add3A_733 = arith.addf %add3A_732, %exp3A_730 : vector<16xf32>
      %div3A_734 = arith.divf %exp3A_730, %add3A_733 : vector<16xf32>
      %mul3A_735 = arith.mulf %div3A_734, %div3A_734 : vector<16xf32>
      %mul3A_736 = arith.constant 0.142857149 : f32
      %mul3A_737 = vector.broadcast %mul3A_736 : f32 to vector<16xf32>
      %mul3A_738 = arith.mulf %mul3A_735, %mul3A_737 : vector<16xf32>
      %add3A_739 = arith.constant 2.000000e-01 : f32
      %add3A_740 = vector.broadcast %add3A_739 : f32 to vector<16xf32>
      %add3A_741 = arith.addf %add3A_740, %mul3A_738 : vector<16xf32>
      %mul3A_742 = arith.mulf %mul3A_735, %add3A_741 : vector<16xf32>
      %add3A_743 = arith.constant 0.333333343 : f32
      %add3A_744 = vector.broadcast %add3A_743 : f32 to vector<16xf32>
      %add3A_745 = arith.addf %add3A_744, %mul3A_742 : vector<16xf32>
      %mul3A_746 = arith.constant 2.000000e+00 : f32
      %mul3A_747 = vector.broadcast %mul3A_746 : f32 to vector<16xf32>
      %mul3A_748 = arith.mulf %mul3A_747, %div3A_734 : vector<16xf32>
      %mul3A_749 = arith.mulf %mul3A_735, %add3A_745 : vector<16xf32>
      %add3A_750 = arith.constant 1.000000e+00 : f32
      %add3A_751 = vector.broadcast %add3A_750 : f32 to vector<16xf32>
      %add3A_752 = arith.addf %add3A_751, %mul3A_749 : vector<16xf32>
      %mul3A_753 = arith.mulf %mul3A_748, %add3A_752 : vector<16xf32>
      %eq3A_754 = arith.constant 0 : i32
      %eq3A_755 = vector.broadcast %eq3A_754 : i32 to vector<16xi32>
      %eq3A_756 = arith.cmpi eq, %get3A_720, %eq3A_755 : vector<16xi32>
      %neg3A_757 = arith.constant 0.000000e+00 : f32
      %neg3A_758 = vector.broadcast %neg3A_757 : f32 to vector<16xf32>
      %neg3A_759 = arith.subf %neg3A_758, %sub3A_725 : vector<16xf32>
      %max3A_760 = arith.constant 0.000000e+00 : f32
      %max3A_761 = vector.broadcast %max3A_760 : f32 to vector<16xf32>
      %max3A_762 = arith.maximumf %neg3A_759, %max3A_761 : vector<16xf32>
      %max3A_763 = arith.constant 0.000000e+00 : f32
      %max3A_764 = vector.broadcast %max3A_763 : f32 to vector<16xf32>
      %max3A_765 = arith.maximumf %sub3A_725, %max3A_764 : vector<16xf32>
      %select_n3A_766 = arith.select %eq3A_756, %max3A_762, %max3A_765 : vector<16xi1>, vector<16xf32>
      %add3A_767 = arith.addf %mul3A_753, %select_n3A_766 : vector<16xf32>
      %add3A_768 = arith.addf %add3A_693, %add3A_767 : vector<16xf32>
      %mul3A_769 = arith.mulf %get3A_724, %add3A_767 : vector<16xf32>
      %add3A_770 = arith.addf %add3A_695, %mul3A_769 : vector<16xf32>
      %ne3A_771 = arith.constant 0 : i32
      %ne3A_772 = vector.broadcast %ne3A_771 : i32 to vector<16xi32>
      %ne3A_773 = arith.cmpi ne, %get3A_720, %ne3A_772 : vector<16xi32>
      %jit3A_774 = arith.constant 1.000000e+00 : f32
      %jit3A_775 = arith.constant 0.000000e+00 : f32
      %broadcast_in_dim3A_776 = vector.broadcast %jit3A_774 : f32 to vector<16xf32>
      %broadcast_in_dim3A_777 = vector.broadcast %jit3A_775 : f32 to vector<16xf32>
      %select_n3A_778 = arith.select %ne3A_773, %broadcast_in_dim3A_776, %broadcast_in_dim3A_777 : vector<16xi1>, vector<16xf32>
      %add3A_779 = arith.addf %add3A_704, %select_n3A_778 : vector<16xf32>
      %add3A_780 = arith.constant 7 : i32
      %add3A_781 = arith.addi %select_n3A_259, %add3A_780 : i32
      %mul3A_782 = arith.constant 16 : i32
      %mul3A_783 = arith.muli %add3A_781, %mul3A_782 : i32
      %get3A_784 = arith.index_cast %select_n3A_243 : i32 to index
      %get3A_785 = arith.index_cast %mul3A_783 : i32 to index
      %get3A_786 = tpu.vector_load %arg6[%get3A_784, %get3A_785] {strides = array<i32>} : memref<8x512xf32, #tpu.memory_space<vmem>>, vector<1x16xf32>,
      %get3A_787 = vector.shape_cast %get3A_786 : vector<1x16xf32> to vector<16xf32>
      %get3A_788 = arith.index_cast %select_n3A_243 : i32 to index
      %get3A_789 = arith.index_cast %mul3A_783 : i32 to index
      %get3A_790 = tpu.vector_load %arg7[%get3A_788, %get3A_789] {strides = array<i32>} : memref<8x512xf32, #tpu.memory_space<vmem>>, vector<1x16xf32>,
      %get3A_791 = vector.shape_cast %get3A_790 : vector<1x16xf32> to vector<16xf32>
      %get3A_792 = arith.index_cast %select_n3A_243 : i32 to index
      %get3A_793 = arith.index_cast %mul3A_783 : i32 to index
      %get3A_794 = tpu.vector_load %arg8[%get3A_792, %get3A_793] {strides = array<i32>} : memref<8x512xi32, #tpu.memory_space<vmem>>, vector<1x16xi32>,
      %get3A_795 = vector.shape_cast %get3A_794 : vector<1x16xi32> to vector<16xi32>
      %get3A_796 = arith.index_cast %select_n3A_243 : i32 to index
      %get3A_797 = arith.index_cast %mul3A_783 : i32 to index
      %get3A_798 = tpu.vector_load %arg9[%get3A_796, %get3A_797] {strides = array<i32>} : memref<8x512xf32, #tpu.memory_space<vmem>>, vector<1x16xf32>,
      %get3A_799 = vector.shape_cast %get3A_798 : vector<1x16xf32> to vector<16xf32>
      %sub3A_800 = arith.subf %get3A_787, %get3A_791 : vector<16xf32>
      %abs3A_801 = math.absf %sub3A_800 : vector<16xf32>
      %neg3A_802 = arith.constant 0.000000e+00 : f32
      %neg3A_803 = vector.broadcast %neg3A_802 : f32 to vector<16xf32>
      %neg3A_804 = arith.subf %neg3A_803, %abs3A_801 : vector<16xf32>
      %exp3A_805 = math.exp %neg3A_804 : vector<16xf32>
      %add3A_806 = arith.constant 2.000000e+00 : f32
      %add3A_807 = vector.broadcast %add3A_806 : f32 to vector<16xf32>
      %add3A_808 = arith.addf %add3A_807, %exp3A_805 : vector<16xf32>
      %div3A_809 = arith.divf %exp3A_805, %add3A_808 : vector<16xf32>
      %mul3A_810 = arith.mulf %div3A_809, %div3A_809 : vector<16xf32>
      %mul3A_811 = arith.constant 0.142857149 : f32
      %mul3A_812 = vector.broadcast %mul3A_811 : f32 to vector<16xf32>
      %mul3A_813 = arith.mulf %mul3A_810, %mul3A_812 : vector<16xf32>
      %add3A_814 = arith.constant 2.000000e-01 : f32
      %add3A_815 = vector.broadcast %add3A_814 : f32 to vector<16xf32>
      %add3A_816 = arith.addf %add3A_815, %mul3A_813 : vector<16xf32>
      %mul3A_817 = arith.mulf %mul3A_810, %add3A_816 : vector<16xf32>
      %add3A_818 = arith.constant 0.333333343 : f32
      %add3A_819 = vector.broadcast %add3A_818 : f32 to vector<16xf32>
      %add3A_820 = arith.addf %add3A_819, %mul3A_817 : vector<16xf32>
      %mul3A_821 = arith.constant 2.000000e+00 : f32
      %mul3A_822 = vector.broadcast %mul3A_821 : f32 to vector<16xf32>
      %mul3A_823 = arith.mulf %mul3A_822, %div3A_809 : vector<16xf32>
      %mul3A_824 = arith.mulf %mul3A_810, %add3A_820 : vector<16xf32>
      %add3A_825 = arith.constant 1.000000e+00 : f32
      %add3A_826 = vector.broadcast %add3A_825 : f32 to vector<16xf32>
      %add3A_827 = arith.addf %add3A_826, %mul3A_824 : vector<16xf32>
      %mul3A_828 = arith.mulf %mul3A_823, %add3A_827 : vector<16xf32>
      %eq3A_829 = arith.constant 0 : i32
      %eq3A_830 = vector.broadcast %eq3A_829 : i32 to vector<16xi32>
      %eq3A_831 = arith.cmpi eq, %get3A_795, %eq3A_830 : vector<16xi32>
      %neg3A_832 = arith.constant 0.000000e+00 : f32
      %neg3A_833 = vector.broadcast %neg3A_832 : f32 to vector<16xf32>
      %neg3A_834 = arith.subf %neg3A_833, %sub3A_800 : vector<16xf32>
      %max3A_835 = arith.constant 0.000000e+00 : f32
      %max3A_836 = vector.broadcast %max3A_835 : f32 to vector<16xf32>
      %max3A_837 = arith.maximumf %neg3A_834, %max3A_836 : vector<16xf32>
      %max3A_838 = arith.constant 0.000000e+00 : f32
      %max3A_839 = vector.broadcast %max3A_838 : f32 to vector<16xf32>
      %max3A_840 = arith.maximumf %sub3A_800, %max3A_839 : vector<16xf32>
      %select_n3A_841 = arith.select %eq3A_831, %max3A_837, %max3A_840 : vector<16xi1>, vector<16xf32>
      %add3A_842 = arith.addf %mul3A_828, %select_n3A_841 : vector<16xf32>
      %add3A_843 = arith.addf %add3A_768, %add3A_842 : vector<16xf32>
      %mul3A_844 = arith.mulf %get3A_799, %add3A_842 : vector<16xf32>
      %add3A_845 = arith.addf %add3A_770, %mul3A_844 : vector<16xf32>
      %ne3A_846 = arith.constant 0 : i32
      %ne3A_847 = vector.broadcast %ne3A_846 : i32 to vector<16xi32>
      %ne3A_848 = arith.cmpi ne, %get3A_795, %ne3A_847 : vector<16xi32>
      %jit3A_849 = arith.constant 1.000000e+00 : f32
      %jit3A_850 = arith.constant 0.000000e+00 : f32
      %broadcast_in_dim3A_851 = vector.broadcast %jit3A_849 : f32 to vector<16xf32>
      %broadcast_in_dim3A_852 = vector.broadcast %jit3A_850 : f32 to vector<16xf32>
      %select_n3A_853 = arith.select %ne3A_848, %broadcast_in_dim3A_851, %broadcast_in_dim3A_852 : vector<16xi1>, vector<16xf32>
      %add3A_854 = arith.addf %add3A_779, %select_n3A_853 : vector<16xf32>
      scf.yield %add3A_843, %add3A_845, %add3A_854 : vector<16xf32>, vector<16xf32>, vector<16xf32>
    }
    %scan3A_166 = arith.constant 32 : i32
    %dma_wait3A_167 = arith.constant 0 : i32
    %dma_wait3A_168 = arith.constant 0 : i32
    %dma_wait3A_169 = tpu.memref_slice %arg2[%select_n3A_90, %dma_wait3A_167, %select_n3A_106, %dma_wait3A_168] : memref<8x2x512x512xf32, #tpu.memory_space<hbm>> -> memref<1x1x8x512xf32, #tpu.memory_space<hbm>>
    %dma_wait3A_170 = tpu.memref_squeeze %dma_wait3A_169 : memref<1x1x8x512xf32, #tpu.memory_space<hbm>> -> memref<8x512xf32, #tpu.memory_space<hbm>>
    %dma_wait3A_171 = arith.constant 0 : i32
    %dma_wait3A_172 = tpu.memref_slice %arg2[%select_n3A_90, %dma_wait3A_167, %select_n3A_106, %dma_wait3A_171] : memref<8x2x512x512xf32, #tpu.memory_space<hbm>> -> memref<1x1x8x512xf32, #tpu.memory_space<hbm>>
    %dma_wait3A_173 = tpu.memref_squeeze %dma_wait3A_172 : memref<1x1x8x512xf32, #tpu.memory_space<hbm>> -> memref<8x512xf32, #tpu.memory_space<hbm>>
    tpu.wait_dma2 semaphore(%arg16 : memref<!tpu.dma_semaphore, #tpu.memory_space<semaphore_mem>>) src(%dma_wait3A_173 : memref<8x512xf32, #tpu.memory_space<hbm>>) dst(%arg10 : memref<8x512xf32, #tpu.memory_space<vmem>>)
    %dma_wait3A_174 = arith.constant 1 : i32
    %dma_wait3A_175 = arith.constant 0 : i32
    %dma_wait3A_176 = tpu.memref_slice %arg2[%select_n3A_90, %dma_wait3A_174, %select_n3A_106, %dma_wait3A_175] : memref<8x2x512x512xf32, #tpu.memory_space<hbm>> -> memref<1x1x8x512xf32, #tpu.memory_space<hbm>>
    %dma_wait3A_177 = tpu.memref_squeeze %dma_wait3A_176 : memref<1x1x8x512xf32, #tpu.memory_space<hbm>> -> memref<8x512xf32, #tpu.memory_space<hbm>>
    %dma_wait3A_178 = arith.constant 0 : i32
    %dma_wait3A_179 = tpu.memref_slice %arg2[%select_n3A_90, %dma_wait3A_174, %select_n3A_106, %dma_wait3A_178] : memref<8x2x512x512xf32, #tpu.memory_space<hbm>> -> memref<1x1x8x512xf32, #tpu.memory_space<hbm>>
    %dma_wait3A_180 = tpu.memref_squeeze %dma_wait3A_179 : memref<1x1x8x512xf32, #tpu.memory_space<hbm>> -> memref<8x512xf32, #tpu.memory_space<hbm>>
    tpu.wait_dma2 semaphore(%arg16 : memref<!tpu.dma_semaphore, #tpu.memory_space<semaphore_mem>>) src(%dma_wait3A_180 : memref<8x512xf32, #tpu.memory_space<hbm>>) dst(%arg11 : memref<8x512xf32, #tpu.memory_space<vmem>>)
    %dma_wait3A_181 = arith.constant 0 : i32
    %dma_wait3A_182 = arith.constant 0 : i32
    %dma_wait3A_183 = tpu.memref_slice %arg3[%select_n3A_90, %dma_wait3A_181, %select_n3A_106, %dma_wait3A_182] : memref<8x1x512x512xi32, #tpu.memory_space<hbm>> -> memref<1x1x8x512xi32, #tpu.memory_space<hbm>>
    %dma_wait3A_184 = tpu.memref_squeeze %dma_wait3A_183 : memref<1x1x8x512xi32, #tpu.memory_space<hbm>> -> memref<8x512xi32, #tpu.memory_space<hbm>>
    %dma_wait3A_185 = arith.constant 0 : i32
    %dma_wait3A_186 = tpu.memref_slice %arg3[%select_n3A_90, %dma_wait3A_181, %select_n3A_106, %dma_wait3A_185] : memref<8x1x512x512xi32, #tpu.memory_space<hbm>> -> memref<1x1x8x512xi32, #tpu.memory_space<hbm>>
    %dma_wait3A_187 = tpu.memref_squeeze %dma_wait3A_186 : memref<1x1x8x512xi32, #tpu.memory_space<hbm>> -> memref<8x512xi32, #tpu.memory_space<hbm>>
    tpu.wait_dma2 semaphore(%arg16 : memref<!tpu.dma_semaphore, #tpu.memory_space<semaphore_mem>>) src(%dma_wait3A_187 : memref<8x512xi32, #tpu.memory_space<hbm>>) dst(%arg12 : memref<8x512xi32, #tpu.memory_space<vmem>>)
    %dma_wait3A_188 = arith.constant 0 : i32
    %dma_wait3A_189 = arith.constant 0 : i32
    %dma_wait3A_190 = tpu.memref_slice %arg4[%select_n3A_90, %dma_wait3A_188, %select_n3A_106, %dma_wait3A_189] : memref<8x1x512x512xf32, #tpu.memory_space<hbm>> -> memref<1x1x8x512xf32, #tpu.memory_space<hbm>>
    %dma_wait3A_191 = tpu.memref_squeeze %dma_wait3A_190 : memref<1x1x8x512xf32, #tpu.memory_space<hbm>> -> memref<8x512xf32, #tpu.memory_space<hbm>>
    %dma_wait3A_192 = arith.constant 0 : i32
    %dma_wait3A_193 = tpu.memref_slice %arg4[%select_n3A_90, %dma_wait3A_188, %select_n3A_106, %dma_wait3A_192] : memref<8x1x512x512xf32, #tpu.memory_space<hbm>> -> memref<1x1x8x512xf32, #tpu.memory_space<hbm>>
    %dma_wait3A_194 = tpu.memref_squeeze %dma_wait3A_193 : memref<1x1x8x512xf32, #tpu.memory_space<hbm>> -> memref<8x512xf32, #tpu.memory_space<hbm>>
    tpu.wait_dma2 semaphore(%arg16 : memref<!tpu.dma_semaphore, #tpu.memory_space<semaphore_mem>>) src(%dma_wait3A_194 : memref<8x512xf32, #tpu.memory_space<hbm>>) dst(%arg13 : memref<8x512xf32, #tpu.memory_space<vmem>>)
    %scan3A_195 = arith.constant 0 : i32
    %scan3A_196 = arith.constant 32 : i32
    %scan3A_197 = arith.addi %scan3A_195, %scan3A_196 : i32
    %scan3A_198 = arith.constant 1 : i32
    %scan3A_199:3 = scf.for %scan3A_214 = %scan3A_195 to %scan3A_197 step %scan3A_198 iter_args(%scan3A_215 = %scan3A_165#0, %scan3A_216 = %scan3A_165#1, %scan3A_217 = %scan3A_165#2) -> (vector<16xf32>, vector<16xf32>, vector<16xf32>)  : i32 {
      %mul3A_218 = arith.constant 8 : i32
      %mul3A_219 = arith.muli %scan3A_214, %mul3A_218 : i32
      %jit3A_220 = arith.constant 32 : i32
      %div3A_221 = arith.divsi %mul3A_219, %jit3A_220 : i32
      %sign3A_222 = arith.constant 0 : i32
      %sign3A_223 = arith.cmpi sgt, %mul3A_219, %sign3A_222 : i32
      %sign3A_224 = arith.extui %sign3A_223 : i1 to i32
      %sign3A_225 = arith.constant 0 : i32
      %sign3A_226 = arith.cmpi slt, %mul3A_219, %sign3A_225 : i32
      %sign3A_227 = arith.extui %sign3A_226 : i1 to i32
      %sign3A_228 = arith.subi %sign3A_224, %sign3A_227 : i32
      %sign3A_229 = arith.constant 0 : i32
      %sign3A_230 = arith.cmpi sgt, %jit3A_220, %sign3A_229 : i32
      %sign3A_231 = arith.extui %sign3A_230 : i1 to i32
      %sign3A_232 = arith.constant 0 : i32
      %sign3A_233 = arith.cmpi slt, %jit3A_220, %sign3A_232 : i32
      %sign3A_234 = arith.extui %sign3A_233 : i1 to i32
      %sign3A_235 = arith.subi %sign3A_231, %sign3A_234 : i32
      %ne3A_236 = arith.cmpi ne, %sign3A_228, %sign3A_235 : i32
      %rem3A_237 = arith.remsi %mul3A_219, %jit3A_220 : i32
      %ne3A_238 = arith.constant 0 : i32
      %ne3A_239 = arith.cmpi ne, %rem3A_237, %ne3A_238 : i32
      %and3A_240 = arith.andi %ne3A_236, %ne3A_239 : i1
      %sub3A_241 = arith.constant 1 : i32
      %sub3A_242 = arith.subi %div3A_221, %sub3A_241 : i32
      %select_n3A_243 = arith.select %and3A_240, %sub3A_242, %div3A_221 : i32
      %jit3A_244 = arith.constant 32 : i32
      %eq3A_245 = arith.constant 0 : i32
      %eq3A_246 = arith.cmpi eq, %jit3A_244, %eq3A_245 : i32
      %jit3A_247 = arith.constant 1 : i32
      %select_n3A_248 = arith.select %eq3A_246, %jit3A_247, %jit3A_244 : i32
      %rem3A_249 = arith.remsi %mul3A_219, %select_n3A_248 : i32
      %ne3A_250 = arith.constant 0 : i32
      %ne3A_251 = arith.cmpi ne, %rem3A_249, %ne3A_250 : i32
      %lt3A_252 = arith.constant 0 : i32
      %lt3A_253 = arith.cmpi slt, %rem3A_249, %lt3A_252 : i32
      %lt3A_254 = arith.constant 0 : i32
      %lt3A_255 = arith.cmpi slt, %select_n3A_248, %lt3A_254 : i32
      %ne3A_256 = arith.xori %lt3A_253, %lt3A_255 : i1
      %and3A_257 = arith.andi %ne3A_256, %ne3A_251 : i1
      %add3A_258 = arith.addi %rem3A_249, %select_n3A_248 : i32
      %select_n3A_259 = arith.select %and3A_257, %add3A_258, %rem3A_249 : i32
      %add3A_260 = arith.constant 0 : i32
      %add3A_261 = arith.addi %select_n3A_259, %add3A_260 : i32
      %mul3A_262 = arith.constant 16 : i32
      %mul3A_263 = arith.muli %add3A_261, %mul3A_262 : i32
      %get3A = arith.index_cast %select_n3A_243 : i32 to index
      %get3A_264 = arith.index_cast %mul3A_263 : i32 to index
      %get3A_265 = tpu.vector_load %arg10[%get3A, %get3A_264] {strides = array<i32>} : memref<8x512xf32, #tpu.memory_space<vmem>>, vector<1x16xf32>,
      %get3A_266 = vector.shape_cast %get3A_265 : vector<1x16xf32> to vector<16xf32>
      %get3A_267 = arith.index_cast %select_n3A_243 : i32 to index
      %get3A_268 = arith.index_cast %mul3A_263 : i32 to index
      %get3A_269 = tpu.vector_load %arg11[%get3A_267, %get3A_268] {strides = array<i32>} : memref<8x512xf32, #tpu.memory_space<vmem>>, vector<1x16xf32>,
      %get3A_270 = vector.shape_cast %get3A_269 : vector<1x16xf32> to vector<16xf32>
      %get3A_271 = arith.index_cast %select_n3A_243 : i32 to index
      %get3A_272 = arith.index_cast %mul3A_263 : i32 to index
      %get3A_273 = tpu.vector_load %arg12[%get3A_271, %get3A_272] {strides = array<i32>} : memref<8x512xi32, #tpu.memory_space<vmem>>, vector<1x16xi32>,
      %get3A_274 = vector.shape_cast %get3A_273 : vector<1x16xi32> to vector<16xi32>
      %get3A_275 = arith.index_cast %select_n3A_243 : i32 to index
      %get3A_276 = arith.index_cast %mul3A_263 : i32 to index
      %get3A_277 = tpu.vector_load %arg13[%get3A_275, %get3A_276] {strides = array<i32>} : memref<8x512xf32, #tpu.memory_space<vmem>>, vector<1x16xf32>,
      %get3A_278 = vector.shape_cast %get3A_277 : vector<1x16xf32> to vector<16xf32>
      %sub3A_279 = arith.subf %get3A_266, %get3A_270 : vector<16xf32>
      %abs3A = math.absf %sub3A_279 : vector<16xf32>
      %neg3A = arith.constant 0.000000e+00 : f32
      %neg3A_280 = vector.broadcast %neg3A : f32 to vector<16xf32>
      %neg3A_281 = arith.subf %neg3A_280, %abs3A : vector<16xf32>
      %exp3A = math.exp %neg3A_281 : vector<16xf32>
      %add3A_282 = arith.constant 2.000000e+00 : f32
      %add3A_283 = vector.broadcast %add3A_282 : f32 to vector<16xf32>
      %add3A_284 = arith.addf %add3A_283, %exp3A : vector<16xf32>
      %div3A_285 = arith.divf %exp3A, %add3A_284 : vector<16xf32>
      %mul3A_286 = arith.mulf %div3A_285, %div3A_285 : vector<16xf32>
      %mul3A_287 = arith.constant 0.142857149 : f32
      %mul3A_288 = vector.broadcast %mul3A_287 : f32 to vector<16xf32>
      %mul3A_289 = arith.mulf %mul3A_286, %mul3A_288 : vector<16xf32>
      %add3A_290 = arith.constant 2.000000e-01 : f32
      %add3A_291 = vector.broadcast %add3A_290 : f32 to vector<16xf32>
      %add3A_292 = arith.addf %add3A_291, %mul3A_289 : vector<16xf32>
      %mul3A_293 = arith.mulf %mul3A_286, %add3A_292 : vector<16xf32>
      %add3A_294 = arith.constant 0.333333343 : f32
      %add3A_295 = vector.broadcast %add3A_294 : f32 to vector<16xf32>
      %add3A_296 = arith.addf %add3A_295, %mul3A_293 : vector<16xf32>
      %mul3A_297 = arith.constant 2.000000e+00 : f32
      %mul3A_298 = vector.broadcast %mul3A_297 : f32 to vector<16xf32>
      %mul3A_299 = arith.mulf %mul3A_298, %div3A_285 : vector<16xf32>
      %mul3A_300 = arith.mulf %mul3A_286, %add3A_296 : vector<16xf32>
      %add3A_301 = arith.constant 1.000000e+00 : f32
      %add3A_302 = vector.broadcast %add3A_301 : f32 to vector<16xf32>
      %add3A_303 = arith.addf %add3A_302, %mul3A_300 : vector<16xf32>
      %mul3A_304 = arith.mulf %mul3A_299, %add3A_303 : vector<16xf32>
      %eq3A_305 = arith.constant 0 : i32
      %eq3A_306 = vector.broadcast %eq3A_305 : i32 to vector<16xi32>
      %eq3A_307 = arith.cmpi eq, %get3A_274, %eq3A_306 : vector<16xi32>
      %neg3A_308 = arith.constant 0.000000e+00 : f32
      %neg3A_309 = vector.broadcast %neg3A_308 : f32 to vector<16xf32>
      %neg3A_310 = arith.subf %neg3A_309, %sub3A_279 : vector<16xf32>
      %max3A = arith.constant 0.000000e+00 : f32
      %max3A_311 = vector.broadcast %max3A : f32 to vector<16xf32>
      %max3A_312 = arith.maximumf %neg3A_310, %max3A_311 : vector<16xf32>
      %max3A_313 = arith.constant 0.000000e+00 : f32
      %max3A_314 = vector.broadcast %max3A_313 : f32 to vector<16xf32>
      %max3A_315 = arith.maximumf %sub3A_279, %max3A_314 : vector<16xf32>
      %select_n3A_316 = arith.select %eq3A_307, %max3A_312, %max3A_315 : vector<16xi1>, vector<16xf32>
      %add3A_317 = arith.addf %mul3A_304, %select_n3A_316 : vector<16xf32>
      %add3A_318 = arith.addf %scan3A_215, %add3A_317 : vector<16xf32>
      %mul3A_319 = arith.mulf %get3A_278, %add3A_317 : vector<16xf32>
      %add3A_320 = arith.addf %scan3A_216, %mul3A_319 : vector<16xf32>
      %ne3A_321 = arith.constant 0 : i32
      %ne3A_322 = vector.broadcast %ne3A_321 : i32 to vector<16xi32>
      %ne3A_323 = arith.cmpi ne, %get3A_274, %ne3A_322 : vector<16xi32>
      %jit3A_324 = arith.constant 1.000000e+00 : f32
      %jit3A_325 = arith.constant 0.000000e+00 : f32
      %broadcast_in_dim3A_326 = vector.broadcast %jit3A_324 : f32 to vector<16xf32>
      %broadcast_in_dim3A_327 = vector.broadcast %jit3A_325 : f32 to vector<16xf32>
      %select_n3A_328 = arith.select %ne3A_323, %broadcast_in_dim3A_326, %broadcast_in_dim3A_327 : vector<16xi1>, vector<16xf32>
      %add3A_329 = arith.addf %scan3A_217, %select_n3A_328 : vector<16xf32>
      %add3A_330 = arith.constant 1 : i32
      %add3A_331 = arith.addi %select_n3A_259, %add3A_330 : i32
      %mul3A_332 = arith.constant 16 : i32
      %mul3A_333 = arith.muli %add3A_331, %mul3A_332 : i32
      %get3A_334 = arith.index_cast %select_n3A_243 : i32 to index
      %get3A_335 = arith.index_cast %mul3A_333 : i32 to index
      %get3A_336 = tpu.vector_load %arg10[%get3A_334, %get3A_335] {strides = array<i32>} : memref<8x512xf32, #tpu.memory_space<vmem>>, vector<1x16xf32>,
      %get3A_337 = vector.shape_cast %get3A_336 : vector<1x16xf32> to vector<16xf32>
      %get3A_338 = arith.index_cast %select_n3A_243 : i32 to index
      %get3A_339 = arith.index_cast %mul3A_333 : i32 to index
      %get3A_340 = tpu.vector_load %arg11[%get3A_338, %get3A_339] {strides = array<i32>} : memref<8x512xf32, #tpu.memory_space<vmem>>, vector<1x16xf32>,
      %get3A_341 = vector.shape_cast %get3A_340 : vector<1x16xf32> to vector<16xf32>
      %get3A_342 = arith.index_cast %select_n3A_243 : i32 to index
      %get3A_343 = arith.index_cast %mul3A_333 : i32 to index
      %get3A_344 = tpu.vector_load %arg12[%get3A_342, %get3A_343] {strides = array<i32>} : memref<8x512xi32, #tpu.memory_space<vmem>>, vector<1x16xi32>,
      %get3A_345 = vector.shape_cast %get3A_344 : vector<1x16xi32> to vector<16xi32>
      %get3A_346 = arith.index_cast %select_n3A_243 : i32 to index
      %get3A_347 = arith.index_cast %mul3A_333 : i32 to index
      %get3A_348 = tpu.vector_load %arg13[%get3A_346, %get3A_347] {strides = array<i32>} : memref<8x512xf32, #tpu.memory_space<vmem>>, vector<1x16xf32>,
      %get3A_349 = vector.shape_cast %get3A_348 : vector<1x16xf32> to vector<16xf32>
      %sub3A_350 = arith.subf %get3A_337, %get3A_341 : vector<16xf32>
      %abs3A_351 = math.absf %sub3A_350 : vector<16xf32>
      %neg3A_352 = arith.constant 0.000000e+00 : f32
      %neg3A_353 = vector.broadcast %neg3A_352 : f32 to vector<16xf32>
      %neg3A_354 = arith.subf %neg3A_353, %abs3A_351 : vector<16xf32>
      %exp3A_355 = math.exp %neg3A_354 : vector<16xf32>
      %add3A_356 = arith.constant 2.000000e+00 : f32
      %add3A_357 = vector.broadcast %add3A_356 : f32 to vector<16xf32>
      %add3A_358 = arith.addf %add3A_357, %exp3A_355 : vector<16xf32>
      %div3A_359 = arith.divf %exp3A_355, %add3A_358 : vector<16xf32>
      %mul3A_360 = arith.mulf %div3A_359, %div3A_359 : vector<16xf32>
      %mul3A_361 = arith.constant 0.142857149 : f32
      %mul3A_362 = vector.broadcast %mul3A_361 : f32 to vector<16xf32>
      %mul3A_363 = arith.mulf %mul3A_360, %mul3A_362 : vector<16xf32>
      %add3A_364 = arith.constant 2.000000e-01 : f32
      %add3A_365 = vector.broadcast %add3A_364 : f32 to vector<16xf32>
      %add3A_366 = arith.addf %add3A_365, %mul3A_363 : vector<16xf32>
      %mul3A_367 = arith.mulf %mul3A_360, %add3A_366 : vector<16xf32>
      %add3A_368 = arith.constant 0.333333343 : f32
      %add3A_369 = vector.broadcast %add3A_368 : f32 to vector<16xf32>
      %add3A_370 = arith.addf %add3A_369, %mul3A_367 : vector<16xf32>
      %mul3A_371 = arith.constant 2.000000e+00 : f32
      %mul3A_372 = vector.broadcast %mul3A_371 : f32 to vector<16xf32>
      %mul3A_373 = arith.mulf %mul3A_372, %div3A_359 : vector<16xf32>
      %mul3A_374 = arith.mulf %mul3A_360, %add3A_370 : vector<16xf32>
      %add3A_375 = arith.constant 1.000000e+00 : f32
      %add3A_376 = vector.broadcast %add3A_375 : f32 to vector<16xf32>
      %add3A_377 = arith.addf %add3A_376, %mul3A_374 : vector<16xf32>
      %mul3A_378 = arith.mulf %mul3A_373, %add3A_377 : vector<16xf32>
      %eq3A_379 = arith.constant 0 : i32
      %eq3A_380 = vector.broadcast %eq3A_379 : i32 to vector<16xi32>
      %eq3A_381 = arith.cmpi eq, %get3A_345, %eq3A_380 : vector<16xi32>
      %neg3A_382 = arith.constant 0.000000e+00 : f32
      %neg3A_383 = vector.broadcast %neg3A_382 : f32 to vector<16xf32>
      %neg3A_384 = arith.subf %neg3A_383, %sub3A_350 : vector<16xf32>
      %max3A_385 = arith.constant 0.000000e+00 : f32
      %max3A_386 = vector.broadcast %max3A_385 : f32 to vector<16xf32>
      %max3A_387 = arith.maximumf %neg3A_384, %max3A_386 : vector<16xf32>
      %max3A_388 = arith.constant 0.000000e+00 : f32
      %max3A_389 = vector.broadcast %max3A_388 : f32 to vector<16xf32>
      %max3A_390 = arith.maximumf %sub3A_350, %max3A_389 : vector<16xf32>
      %select_n3A_391 = arith.select %eq3A_381, %max3A_387, %max3A_390 : vector<16xi1>, vector<16xf32>
      %add3A_392 = arith.addf %mul3A_378, %select_n3A_391 : vector<16xf32>
      %add3A_393 = arith.addf %add3A_318, %add3A_392 : vector<16xf32>
      %mul3A_394 = arith.mulf %get3A_349, %add3A_392 : vector<16xf32>
      %add3A_395 = arith.addf %add3A_320, %mul3A_394 : vector<16xf32>
      %ne3A_396 = arith.constant 0 : i32
      %ne3A_397 = vector.broadcast %ne3A_396 : i32 to vector<16xi32>
      %ne3A_398 = arith.cmpi ne, %get3A_345, %ne3A_397 : vector<16xi32>
      %jit3A_399 = arith.constant 1.000000e+00 : f32
      %jit3A_400 = arith.constant 0.000000e+00 : f32
      %broadcast_in_dim3A_401 = vector.broadcast %jit3A_399 : f32 to vector<16xf32>
      %broadcast_in_dim3A_402 = vector.broadcast %jit3A_400 : f32 to vector<16xf32>
      %select_n3A_403 = arith.select %ne3A_398, %broadcast_in_dim3A_401, %broadcast_in_dim3A_402 : vector<16xi1>, vector<16xf32>
      %add3A_404 = arith.addf %add3A_329, %select_n3A_403 : vector<16xf32>
      %add3A_405 = arith.constant 2 : i32
      %add3A_406 = arith.addi %select_n3A_259, %add3A_405 : i32
      %mul3A_407 = arith.constant 16 : i32
      %mul3A_408 = arith.muli %add3A_406, %mul3A_407 : i32
      %get3A_409 = arith.index_cast %select_n3A_243 : i32 to index
      %get3A_410 = arith.index_cast %mul3A_408 : i32 to index
      %get3A_411 = tpu.vector_load %arg10[%get3A_409, %get3A_410] {strides = array<i32>} : memref<8x512xf32, #tpu.memory_space<vmem>>, vector<1x16xf32>,
      %get3A_412 = vector.shape_cast %get3A_411 : vector<1x16xf32> to vector<16xf32>
      %get3A_413 = arith.index_cast %select_n3A_243 : i32 to index
      %get3A_414 = arith.index_cast %mul3A_408 : i32 to index
      %get3A_415 = tpu.vector_load %arg11[%get3A_413, %get3A_414] {strides = array<i32>} : memref<8x512xf32, #tpu.memory_space<vmem>>, vector<1x16xf32>,
      %get3A_416 = vector.shape_cast %get3A_415 : vector<1x16xf32> to vector<16xf32>
      %get3A_417 = arith.index_cast %select_n3A_243 : i32 to index
      %get3A_418 = arith.index_cast %mul3A_408 : i32 to index
      %get3A_419 = tpu.vector_load %arg12[%get3A_417, %get3A_418] {strides = array<i32>} : memref<8x512xi32, #tpu.memory_space<vmem>>, vector<1x16xi32>,
      %get3A_420 = vector.shape_cast %get3A_419 : vector<1x16xi32> to vector<16xi32>
      %get3A_421 = arith.index_cast %select_n3A_243 : i32 to index
      %get3A_422 = arith.index_cast %mul3A_408 : i32 to index
      %get3A_423 = tpu.vector_load %arg13[%get3A_421, %get3A_422] {strides = array<i32>} : memref<8x512xf32, #tpu.memory_space<vmem>>, vector<1x16xf32>,
      %get3A_424 = vector.shape_cast %get3A_423 : vector<1x16xf32> to vector<16xf32>
      %sub3A_425 = arith.subf %get3A_412, %get3A_416 : vector<16xf32>
      %abs3A_426 = math.absf %sub3A_425 : vector<16xf32>
      %neg3A_427 = arith.constant 0.000000e+00 : f32
      %neg3A_428 = vector.broadcast %neg3A_427 : f32 to vector<16xf32>
      %neg3A_429 = arith.subf %neg3A_428, %abs3A_426 : vector<16xf32>
      %exp3A_430 = math.exp %neg3A_429 : vector<16xf32>
      %add3A_431 = arith.constant 2.000000e+00 : f32
      %add3A_432 = vector.broadcast %add3A_431 : f32 to vector<16xf32>
      %add3A_433 = arith.addf %add3A_432, %exp3A_430 : vector<16xf32>
      %div3A_434 = arith.divf %exp3A_430, %add3A_433 : vector<16xf32>
      %mul3A_435 = arith.mulf %div3A_434, %div3A_434 : vector<16xf32>
      %mul3A_436 = arith.constant 0.142857149 : f32
      %mul3A_437 = vector.broadcast %mul3A_436 : f32 to vector<16xf32>
      %mul3A_438 = arith.mulf %mul3A_435, %mul3A_437 : vector<16xf32>
      %add3A_439 = arith.constant 2.000000e-01 : f32
      %add3A_440 = vector.broadcast %add3A_439 : f32 to vector<16xf32>
      %add3A_441 = arith.addf %add3A_440, %mul3A_438 : vector<16xf32>
      %mul3A_442 = arith.mulf %mul3A_435, %add3A_441 : vector<16xf32>
      %add3A_443 = arith.constant 0.333333343 : f32
      %add3A_444 = vector.broadcast %add3A_443 : f32 to vector<16xf32>
      %add3A_445 = arith.addf %add3A_444, %mul3A_442 : vector<16xf32>
      %mul3A_446 = arith.constant 2.000000e+00 : f32
      %mul3A_447 = vector.broadcast %mul3A_446 : f32 to vector<16xf32>
      %mul3A_448 = arith.mulf %mul3A_447, %div3A_434 : vector<16xf32>
      %mul3A_449 = arith.mulf %mul3A_435, %add3A_445 : vector<16xf32>
      %add3A_450 = arith.constant 1.000000e+00 : f32
      %add3A_451 = vector.broadcast %add3A_450 : f32 to vector<16xf32>
      %add3A_452 = arith.addf %add3A_451, %mul3A_449 : vector<16xf32>
      %mul3A_453 = arith.mulf %mul3A_448, %add3A_452 : vector<16xf32>
      %eq3A_454 = arith.constant 0 : i32
      %eq3A_455 = vector.broadcast %eq3A_454 : i32 to vector<16xi32>
      %eq3A_456 = arith.cmpi eq, %get3A_420, %eq3A_455 : vector<16xi32>
      %neg3A_457 = arith.constant 0.000000e+00 : f32
      %neg3A_458 = vector.broadcast %neg3A_457 : f32 to vector<16xf32>
      %neg3A_459 = arith.subf %neg3A_458, %sub3A_425 : vector<16xf32>
      %max3A_460 = arith.constant 0.000000e+00 : f32
      %max3A_461 = vector.broadcast %max3A_460 : f32 to vector<16xf32>
      %max3A_462 = arith.maximumf %neg3A_459, %max3A_461 : vector<16xf32>
      %max3A_463 = arith.constant 0.000000e+00 : f32
      %max3A_464 = vector.broadcast %max3A_463 : f32 to vector<16xf32>
      %max3A_465 = arith.maximumf %sub3A_425, %max3A_464 : vector<16xf32>
      %select_n3A_466 = arith.select %eq3A_456, %max3A_462, %max3A_465 : vector<16xi1>, vector<16xf32>
      %add3A_467 = arith.addf %mul3A_453, %select_n3A_466 : vector<16xf32>
      %add3A_468 = arith.addf %add3A_393, %add3A_467 : vector<16xf32>
      %mul3A_469 = arith.mulf %get3A_424, %add3A_467 : vector<16xf32>
      %add3A_470 = arith.addf %add3A_395, %mul3A_469 : vector<16xf32>
      %ne3A_471 = arith.constant 0 : i32
      %ne3A_472 = vector.broadcast %ne3A_471 : i32 to vector<16xi32>
      %ne3A_473 = arith.cmpi ne, %get3A_420, %ne3A_472 : vector<16xi32>
      %jit3A_474 = arith.constant 1.000000e+00 : f32
      %jit3A_475 = arith.constant 0.000000e+00 : f32
      %broadcast_in_dim3A_476 = vector.broadcast %jit3A_474 : f32 to vector<16xf32>
      %broadcast_in_dim3A_477 = vector.broadcast %jit3A_475 : f32 to vector<16xf32>
      %select_n3A_478 = arith.select %ne3A_473, %broadcast_in_dim3A_476, %broadcast_in_dim3A_477 : vector<16xi1>, vector<16xf32>
      %add3A_479 = arith.addf %add3A_404, %select_n3A_478 : vector<16xf32>
      %add3A_480 = arith.constant 3 : i32
      %add3A_481 = arith.addi %select_n3A_259, %add3A_480 : i32
      %mul3A_482 = arith.constant 16 : i32
      %mul3A_483 = arith.muli %add3A_481, %mul3A_482 : i32
      %get3A_484 = arith.index_cast %select_n3A_243 : i32 to index
      %get3A_485 = arith.index_cast %mul3A_483 : i32 to index
      %get3A_486 = tpu.vector_load %arg10[%get3A_484, %get3A_485] {strides = array<i32>} : memref<8x512xf32, #tpu.memory_space<vmem>>, vector<1x16xf32>,
      %get3A_487 = vector.shape_cast %get3A_486 : vector<1x16xf32> to vector<16xf32>
      %get3A_488 = arith.index_cast %select_n3A_243 : i32 to index
      %get3A_489 = arith.index_cast %mul3A_483 : i32 to index
      %get3A_490 = tpu.vector_load %arg11[%get3A_488, %get3A_489] {strides = array<i32>} : memref<8x512xf32, #tpu.memory_space<vmem>>, vector<1x16xf32>,
      %get3A_491 = vector.shape_cast %get3A_490 : vector<1x16xf32> to vector<16xf32>
      %get3A_492 = arith.index_cast %select_n3A_243 : i32 to index
      %get3A_493 = arith.index_cast %mul3A_483 : i32 to index
      %get3A_494 = tpu.vector_load %arg12[%get3A_492, %get3A_493] {strides = array<i32>} : memref<8x512xi32, #tpu.memory_space<vmem>>, vector<1x16xi32>,
      %get3A_495 = vector.shape_cast %get3A_494 : vector<1x16xi32> to vector<16xi32>
      %get3A_496 = arith.index_cast %select_n3A_243 : i32 to index
      %get3A_497 = arith.index_cast %mul3A_483 : i32 to index
      %get3A_498 = tpu.vector_load %arg13[%get3A_496, %get3A_497] {strides = array<i32>} : memref<8x512xf32, #tpu.memory_space<vmem>>, vector<1x16xf32>,
      %get3A_499 = vector.shape_cast %get3A_498 : vector<1x16xf32> to vector<16xf32>
      %sub3A_500 = arith.subf %get3A_487, %get3A_491 : vector<16xf32>
      %abs3A_501 = math.absf %sub3A_500 : vector<16xf32>
      %neg3A_502 = arith.constant 0.000000e+00 : f32
      %neg3A_503 = vector.broadcast %neg3A_502 : f32 to vector<16xf32>
      %neg3A_504 = arith.subf %neg3A_503, %abs3A_501 : vector<16xf32>
      %exp3A_505 = math.exp %neg3A_504 : vector<16xf32>
      %add3A_506 = arith.constant 2.000000e+00 : f32
      %add3A_507 = vector.broadcast %add3A_506 : f32 to vector<16xf32>
      %add3A_508 = arith.addf %add3A_507, %exp3A_505 : vector<16xf32>
      %div3A_509 = arith.divf %exp3A_505, %add3A_508 : vector<16xf32>
      %mul3A_510 = arith.mulf %div3A_509, %div3A_509 : vector<16xf32>
      %mul3A_511 = arith.constant 0.142857149 : f32
      %mul3A_512 = vector.broadcast %mul3A_511 : f32 to vector<16xf32>
      %mul3A_513 = arith.mulf %mul3A_510, %mul3A_512 : vector<16xf32>
      %add3A_514 = arith.constant 2.000000e-01 : f32
      %add3A_515 = vector.broadcast %add3A_514 : f32 to vector<16xf32>
      %add3A_516 = arith.addf %add3A_515, %mul3A_513 : vector<16xf32>
      %mul3A_517 = arith.mulf %mul3A_510, %add3A_516 : vector<16xf32>
      %add3A_518 = arith.constant 0.333333343 : f32
      %add3A_519 = vector.broadcast %add3A_518 : f32 to vector<16xf32>
      %add3A_520 = arith.addf %add3A_519, %mul3A_517 : vector<16xf32>
      %mul3A_521 = arith.constant 2.000000e+00 : f32
      %mul3A_522 = vector.broadcast %mul3A_521 : f32 to vector<16xf32>
      %mul3A_523 = arith.mulf %mul3A_522, %div3A_509 : vector<16xf32>
      %mul3A_524 = arith.mulf %mul3A_510, %add3A_520 : vector<16xf32>
      %add3A_525 = arith.constant 1.000000e+00 : f32
      %add3A_526 = vector.broadcast %add3A_525 : f32 to vector<16xf32>
      %add3A_527 = arith.addf %add3A_526, %mul3A_524 : vector<16xf32>
      %mul3A_528 = arith.mulf %mul3A_523, %add3A_527 : vector<16xf32>
      %eq3A_529 = arith.constant 0 : i32
      %eq3A_530 = vector.broadcast %eq3A_529 : i32 to vector<16xi32>
      %eq3A_531 = arith.cmpi eq, %get3A_495, %eq3A_530 : vector<16xi32>
      %neg3A_532 = arith.constant 0.000000e+00 : f32
      %neg3A_533 = vector.broadcast %neg3A_532 : f32 to vector<16xf32>
      %neg3A_534 = arith.subf %neg3A_533, %sub3A_500 : vector<16xf32>
      %max3A_535 = arith.constant 0.000000e+00 : f32
      %max3A_536 = vector.broadcast %max3A_535 : f32 to vector<16xf32>
      %max3A_537 = arith.maximumf %neg3A_534, %max3A_536 : vector<16xf32>
      %max3A_538 = arith.constant 0.000000e+00 : f32
      %max3A_539 = vector.broadcast %max3A_538 : f32 to vector<16xf32>
      %max3A_540 = arith.maximumf %sub3A_500, %max3A_539 : vector<16xf32>
      %select_n3A_541 = arith.select %eq3A_531, %max3A_537, %max3A_540 : vector<16xi1>, vector<16xf32>
      %add3A_542 = arith.addf %mul3A_528, %select_n3A_541 : vector<16xf32>
      %add3A_543 = arith.addf %add3A_468, %add3A_542 : vector<16xf32>
      %mul3A_544 = arith.mulf %get3A_499, %add3A_542 : vector<16xf32>
      %add3A_545 = arith.addf %add3A_470, %mul3A_544 : vector<16xf32>
      %ne3A_546 = arith.constant 0 : i32
      %ne3A_547 = vector.broadcast %ne3A_546 : i32 to vector<16xi32>
      %ne3A_548 = arith.cmpi ne, %get3A_495, %ne3A_547 : vector<16xi32>
      %jit3A_549 = arith.constant 1.000000e+00 : f32
      %jit3A_550 = arith.constant 0.000000e+00 : f32
      %broadcast_in_dim3A_551 = vector.broadcast %jit3A_549 : f32 to vector<16xf32>
      %broadcast_in_dim3A_552 = vector.broadcast %jit3A_550 : f32 to vector<16xf32>
      %select_n3A_553 = arith.select %ne3A_548, %broadcast_in_dim3A_551, %broadcast_in_dim3A_552 : vector<16xi1>, vector<16xf32>
      %add3A_554 = arith.addf %add3A_479, %select_n3A_553 : vector<16xf32>
      %add3A_555 = arith.constant 4 : i32
      %add3A_556 = arith.addi %select_n3A_259, %add3A_555 : i32
      %mul3A_557 = arith.constant 16 : i32
      %mul3A_558 = arith.muli %add3A_556, %mul3A_557 : i32
      %get3A_559 = arith.index_cast %select_n3A_243 : i32 to index
      %get3A_560 = arith.index_cast %mul3A_558 : i32 to index
      %get3A_561 = tpu.vector_load %arg10[%get3A_559, %get3A_560] {strides = array<i32>} : memref<8x512xf32, #tpu.memory_space<vmem>>, vector<1x16xf32>,
      %get3A_562 = vector.shape_cast %get3A_561 : vector<1x16xf32> to vector<16xf32>
      %get3A_563 = arith.index_cast %select_n3A_243 : i32 to index
      %get3A_564 = arith.index_cast %mul3A_558 : i32 to index
      %get3A_565 = tpu.vector_load %arg11[%get3A_563, %get3A_564] {strides = array<i32>} : memref<8x512xf32, #tpu.memory_space<vmem>>, vector<1x16xf32>,
      %get3A_566 = vector.shape_cast %get3A_565 : vector<1x16xf32> to vector<16xf32>
      %get3A_567 = arith.index_cast %select_n3A_243 : i32 to index
      %get3A_568 = arith.index_cast %mul3A_558 : i32 to index
      %get3A_569 = tpu.vector_load %arg12[%get3A_567, %get3A_568] {strides = array<i32>} : memref<8x512xi32, #tpu.memory_space<vmem>>, vector<1x16xi32>,
      %get3A_570 = vector.shape_cast %get3A_569 : vector<1x16xi32> to vector<16xi32>
      %get3A_571 = arith.index_cast %select_n3A_243 : i32 to index
      %get3A_572 = arith.index_cast %mul3A_558 : i32 to index
      %get3A_573 = tpu.vector_load %arg13[%get3A_571, %get3A_572] {strides = array<i32>} : memref<8x512xf32, #tpu.memory_space<vmem>>, vector<1x16xf32>,
      %get3A_574 = vector.shape_cast %get3A_573 : vector<1x16xf32> to vector<16xf32>
      %sub3A_575 = arith.subf %get3A_562, %get3A_566 : vector<16xf32>
      %abs3A_576 = math.absf %sub3A_575 : vector<16xf32>
      %neg3A_577 = arith.constant 0.000000e+00 : f32
      %neg3A_578 = vector.broadcast %neg3A_577 : f32 to vector<16xf32>
      %neg3A_579 = arith.subf %neg3A_578, %abs3A_576 : vector<16xf32>
      %exp3A_580 = math.exp %neg3A_579 : vector<16xf32>
      %add3A_581 = arith.constant 2.000000e+00 : f32
      %add3A_582 = vector.broadcast %add3A_581 : f32 to vector<16xf32>
      %add3A_583 = arith.addf %add3A_582, %exp3A_580 : vector<16xf32>
      %div3A_584 = arith.divf %exp3A_580, %add3A_583 : vector<16xf32>
      %mul3A_585 = arith.mulf %div3A_584, %div3A_584 : vector<16xf32>
      %mul3A_586 = arith.constant 0.142857149 : f32
      %mul3A_587 = vector.broadcast %mul3A_586 : f32 to vector<16xf32>
      %mul3A_588 = arith.mulf %mul3A_585, %mul3A_587 : vector<16xf32>
      %add3A_589 = arith.constant 2.000000e-01 : f32
      %add3A_590 = vector.broadcast %add3A_589 : f32 to vector<16xf32>
      %add3A_591 = arith.addf %add3A_590, %mul3A_588 : vector<16xf32>
      %mul3A_592 = arith.mulf %mul3A_585, %add3A_591 : vector<16xf32>
      %add3A_593 = arith.constant 0.333333343 : f32
      %add3A_594 = vector.broadcast %add3A_593 : f32 to vector<16xf32>
      %add3A_595 = arith.addf %add3A_594, %mul3A_592 : vector<16xf32>
      %mul3A_596 = arith.constant 2.000000e+00 : f32
      %mul3A_597 = vector.broadcast %mul3A_596 : f32 to vector<16xf32>
      %mul3A_598 = arith.mulf %mul3A_597, %div3A_584 : vector<16xf32>
      %mul3A_599 = arith.mulf %mul3A_585, %add3A_595 : vector<16xf32>
      %add3A_600 = arith.constant 1.000000e+00 : f32
      %add3A_601 = vector.broadcast %add3A_600 : f32 to vector<16xf32>
      %add3A_602 = arith.addf %add3A_601, %mul3A_599 : vector<16xf32>
      %mul3A_603 = arith.mulf %mul3A_598, %add3A_602 : vector<16xf32>
      %eq3A_604 = arith.constant 0 : i32
      %eq3A_605 = vector.broadcast %eq3A_604 : i32 to vector<16xi32>
      %eq3A_606 = arith.cmpi eq, %get3A_570, %eq3A_605 : vector<16xi32>
      %neg3A_607 = arith.constant 0.000000e+00 : f32
      %neg3A_608 = vector.broadcast %neg3A_607 : f32 to vector<16xf32>
      %neg3A_609 = arith.subf %neg3A_608, %sub3A_575 : vector<16xf32>
      %max3A_610 = arith.constant 0.000000e+00 : f32
      %max3A_611 = vector.broadcast %max3A_610 : f32 to vector<16xf32>
      %max3A_612 = arith.maximumf %neg3A_609, %max3A_611 : vector<16xf32>
      %max3A_613 = arith.constant 0.000000e+00 : f32
      %max3A_614 = vector.broadcast %max3A_613 : f32 to vector<16xf32>
      %max3A_615 = arith.maximumf %sub3A_575, %max3A_614 : vector<16xf32>
      %select_n3A_616 = arith.select %eq3A_606, %max3A_612, %max3A_615 : vector<16xi1>, vector<16xf32>
      %add3A_617 = arith.addf %mul3A_603, %select_n3A_616 : vector<16xf32>
      %add3A_618 = arith.addf %add3A_543, %add3A_617 : vector<16xf32>
      %mul3A_619 = arith.mulf %get3A_574, %add3A_617 : vector<16xf32>
      %add3A_620 = arith.addf %add3A_545, %mul3A_619 : vector<16xf32>
      %ne3A_621 = arith.constant 0 : i32
      %ne3A_622 = vector.broadcast %ne3A_621 : i32 to vector<16xi32>
      %ne3A_623 = arith.cmpi ne, %get3A_570, %ne3A_622 : vector<16xi32>
      %jit3A_624 = arith.constant 1.000000e+00 : f32
      %jit3A_625 = arith.constant 0.000000e+00 : f32
      %broadcast_in_dim3A_626 = vector.broadcast %jit3A_624 : f32 to vector<16xf32>
      %broadcast_in_dim3A_627 = vector.broadcast %jit3A_625 : f32 to vector<16xf32>
      %select_n3A_628 = arith.select %ne3A_623, %broadcast_in_dim3A_626, %broadcast_in_dim3A_627 : vector<16xi1>, vector<16xf32>
      %add3A_629 = arith.addf %add3A_554, %select_n3A_628 : vector<16xf32>
      %add3A_630 = arith.constant 5 : i32
      %add3A_631 = arith.addi %select_n3A_259, %add3A_630 : i32
      %mul3A_632 = arith.constant 16 : i32
      %mul3A_633 = arith.muli %add3A_631, %mul3A_632 : i32
      %get3A_634 = arith.index_cast %select_n3A_243 : i32 to index
      %get3A_635 = arith.index_cast %mul3A_633 : i32 to index
      %get3A_636 = tpu.vector_load %arg10[%get3A_634, %get3A_635] {strides = array<i32>} : memref<8x512xf32, #tpu.memory_space<vmem>>, vector<1x16xf32>,
      %get3A_637 = vector.shape_cast %get3A_636 : vector<1x16xf32> to vector<16xf32>
      %get3A_638 = arith.index_cast %select_n3A_243 : i32 to index
      %get3A_639 = arith.index_cast %mul3A_633 : i32 to index
      %get3A_640 = tpu.vector_load %arg11[%get3A_638, %get3A_639] {strides = array<i32>} : memref<8x512xf32, #tpu.memory_space<vmem>>, vector<1x16xf32>,
      %get3A_641 = vector.shape_cast %get3A_640 : vector<1x16xf32> to vector<16xf32>
      %get3A_642 = arith.index_cast %select_n3A_243 : i32 to index
      %get3A_643 = arith.index_cast %mul3A_633 : i32 to index
      %get3A_644 = tpu.vector_load %arg12[%get3A_642, %get3A_643] {strides = array<i32>} : memref<8x512xi32, #tpu.memory_space<vmem>>, vector<1x16xi32>,
      %get3A_645 = vector.shape_cast %get3A_644 : vector<1x16xi32> to vector<16xi32>
      %get3A_646 = arith.index_cast %select_n3A_243 : i32 to index
      %get3A_647 = arith.index_cast %mul3A_633 : i32 to index
      %get3A_648 = tpu.vector_load %arg13[%get3A_646, %get3A_647] {strides = array<i32>} : memref<8x512xf32, #tpu.memory_space<vmem>>, vector<1x16xf32>,
      %get3A_649 = vector.shape_cast %get3A_648 : vector<1x16xf32> to vector<16xf32>
      %sub3A_650 = arith.subf %get3A_637, %get3A_641 : vector<16xf32>
      %abs3A_651 = math.absf %sub3A_650 : vector<16xf32>
      %neg3A_652 = arith.constant 0.000000e+00 : f32
      %neg3A_653 = vector.broadcast %neg3A_652 : f32 to vector<16xf32>
      %neg3A_654 = arith.subf %neg3A_653, %abs3A_651 : vector<16xf32>
      %exp3A_655 = math.exp %neg3A_654 : vector<16xf32>
      %add3A_656 = arith.constant 2.000000e+00 : f32
      %add3A_657 = vector.broadcast %add3A_656 : f32 to vector<16xf32>
      %add3A_658 = arith.addf %add3A_657, %exp3A_655 : vector<16xf32>
      %div3A_659 = arith.divf %exp3A_655, %add3A_658 : vector<16xf32>
      %mul3A_660 = arith.mulf %div3A_659, %div3A_659 : vector<16xf32>
      %mul3A_661 = arith.constant 0.142857149 : f32
      %mul3A_662 = vector.broadcast %mul3A_661 : f32 to vector<16xf32>
      %mul3A_663 = arith.mulf %mul3A_660, %mul3A_662 : vector<16xf32>
      %add3A_664 = arith.constant 2.000000e-01 : f32
      %add3A_665 = vector.broadcast %add3A_664 : f32 to vector<16xf32>
      %add3A_666 = arith.addf %add3A_665, %mul3A_663 : vector<16xf32>
      %mul3A_667 = arith.mulf %mul3A_660, %add3A_666 : vector<16xf32>
      %add3A_668 = arith.constant 0.333333343 : f32
      %add3A_669 = vector.broadcast %add3A_668 : f32 to vector<16xf32>
      %add3A_670 = arith.addf %add3A_669, %mul3A_667 : vector<16xf32>
      %mul3A_671 = arith.constant 2.000000e+00 : f32
      %mul3A_672 = vector.broadcast %mul3A_671 : f32 to vector<16xf32>
      %mul3A_673 = arith.mulf %mul3A_672, %div3A_659 : vector<16xf32>
      %mul3A_674 = arith.mulf %mul3A_660, %add3A_670 : vector<16xf32>
      %add3A_675 = arith.constant 1.000000e+00 : f32
      %add3A_676 = vector.broadcast %add3A_675 : f32 to vector<16xf32>
      %add3A_677 = arith.addf %add3A_676, %mul3A_674 : vector<16xf32>
      %mul3A_678 = arith.mulf %mul3A_673, %add3A_677 : vector<16xf32>
      %eq3A_679 = arith.constant 0 : i32
      %eq3A_680 = vector.broadcast %eq3A_679 : i32 to vector<16xi32>
      %eq3A_681 = arith.cmpi eq, %get3A_645, %eq3A_680 : vector<16xi32>
      %neg3A_682 = arith.constant 0.000000e+00 : f32
      %neg3A_683 = vector.broadcast %neg3A_682 : f32 to vector<16xf32>
      %neg3A_684 = arith.subf %neg3A_683, %sub3A_650 : vector<16xf32>
      %max3A_685 = arith.constant 0.000000e+00 : f32
      %max3A_686 = vector.broadcast %max3A_685 : f32 to vector<16xf32>
      %max3A_687 = arith.maximumf %neg3A_684, %max3A_686 : vector<16xf32>
      %max3A_688 = arith.constant 0.000000e+00 : f32
      %max3A_689 = vector.broadcast %max3A_688 : f32 to vector<16xf32>
      %max3A_690 = arith.maximumf %sub3A_650, %max3A_689 : vector<16xf32>
      %select_n3A_691 = arith.select %eq3A_681, %max3A_687, %max3A_690 : vector<16xi1>, vector<16xf32>
      %add3A_692 = arith.addf %mul3A_678, %select_n3A_691 : vector<16xf32>
      %add3A_693 = arith.addf %add3A_618, %add3A_692 : vector<16xf32>
      %mul3A_694 = arith.mulf %get3A_649, %add3A_692 : vector<16xf32>
      %add3A_695 = arith.addf %add3A_620, %mul3A_694 : vector<16xf32>
      %ne3A_696 = arith.constant 0 : i32
      %ne3A_697 = vector.broadcast %ne3A_696 : i32 to vector<16xi32>
      %ne3A_698 = arith.cmpi ne, %get3A_645, %ne3A_697 : vector<16xi32>
      %jit3A_699 = arith.constant 1.000000e+00 : f32
      %jit3A_700 = arith.constant 0.000000e+00 : f32
      %broadcast_in_dim3A_701 = vector.broadcast %jit3A_699 : f32 to vector<16xf32>
      %broadcast_in_dim3A_702 = vector.broadcast %jit3A_700 : f32 to vector<16xf32>
      %select_n3A_703 = arith.select %ne3A_698, %broadcast_in_dim3A_701, %broadcast_in_dim3A_702 : vector<16xi1>, vector<16xf32>
      %add3A_704 = arith.addf %add3A_629, %select_n3A_703 : vector<16xf32>
      %add3A_705 = arith.constant 6 : i32
      %add3A_706 = arith.addi %select_n3A_259, %add3A_705 : i32
      %mul3A_707 = arith.constant 16 : i32
      %mul3A_708 = arith.muli %add3A_706, %mul3A_707 : i32
      %get3A_709 = arith.index_cast %select_n3A_243 : i32 to index
      %get3A_710 = arith.index_cast %mul3A_708 : i32 to index
      %get3A_711 = tpu.vector_load %arg10[%get3A_709, %get3A_710] {strides = array<i32>} : memref<8x512xf32, #tpu.memory_space<vmem>>, vector<1x16xf32>,
      %get3A_712 = vector.shape_cast %get3A_711 : vector<1x16xf32> to vector<16xf32>
      %get3A_713 = arith.index_cast %select_n3A_243 : i32 to index
      %get3A_714 = arith.index_cast %mul3A_708 : i32 to index
      %get3A_715 = tpu.vector_load %arg11[%get3A_713, %get3A_714] {strides = array<i32>} : memref<8x512xf32, #tpu.memory_space<vmem>>, vector<1x16xf32>,
      %get3A_716 = vector.shape_cast %get3A_715 : vector<1x16xf32> to vector<16xf32>
      %get3A_717 = arith.index_cast %select_n3A_243 : i32 to index
      %get3A_718 = arith.index_cast %mul3A_708 : i32 to index
      %get3A_719 = tpu.vector_load %arg12[%get3A_717, %get3A_718] {strides = array<i32>} : memref<8x512xi32, #tpu.memory_space<vmem>>, vector<1x16xi32>,
      %get3A_720 = vector.shape_cast %get3A_719 : vector<1x16xi32> to vector<16xi32>
      %get3A_721 = arith.index_cast %select_n3A_243 : i32 to index
      %get3A_722 = arith.index_cast %mul3A_708 : i32 to index
      %get3A_723 = tpu.vector_load %arg13[%get3A_721, %get3A_722] {strides = array<i32>} : memref<8x512xf32, #tpu.memory_space<vmem>>, vector<1x16xf32>,
      %get3A_724 = vector.shape_cast %get3A_723 : vector<1x16xf32> to vector<16xf32>
      %sub3A_725 = arith.subf %get3A_712, %get3A_716 : vector<16xf32>
      %abs3A_726 = math.absf %sub3A_725 : vector<16xf32>
      %neg3A_727 = arith.constant 0.000000e+00 : f32
      %neg3A_728 = vector.broadcast %neg3A_727 : f32 to vector<16xf32>
      %neg3A_729 = arith.subf %neg3A_728, %abs3A_726 : vector<16xf32>
      %exp3A_730 = math.exp %neg3A_729 : vector<16xf32>
      %add3A_731 = arith.constant 2.000000e+00 : f32
      %add3A_732 = vector.broadcast %add3A_731 : f32 to vector<16xf32>
      %add3A_733 = arith.addf %add3A_732, %exp3A_730 : vector<16xf32>
      %div3A_734 = arith.divf %exp3A_730, %add3A_733 : vector<16xf32>
      %mul3A_735 = arith.mulf %div3A_734, %div3A_734 : vector<16xf32>
      %mul3A_736 = arith.constant 0.142857149 : f32
      %mul3A_737 = vector.broadcast %mul3A_736 : f32 to vector<16xf32>
      %mul3A_738 = arith.mulf %mul3A_735, %mul3A_737 : vector<16xf32>
      %add3A_739 = arith.constant 2.000000e-01 : f32
      %add3A_740 = vector.broadcast %add3A_739 : f32 to vector<16xf32>
      %add3A_741 = arith.addf %add3A_740, %mul3A_738 : vector<16xf32>
      %mul3A_742 = arith.mulf %mul3A_735, %add3A_741 : vector<16xf32>
      %add3A_743 = arith.constant 0.333333343 : f32
      %add3A_744 = vector.broadcast %add3A_743 : f32 to vector<16xf32>
      %add3A_745 = arith.addf %add3A_744, %mul3A_742 : vector<16xf32>
      %mul3A_746 = arith.constant 2.000000e+00 : f32
      %mul3A_747 = vector.broadcast %mul3A_746 : f32 to vector<16xf32>
      %mul3A_748 = arith.mulf %mul3A_747, %div3A_734 : vector<16xf32>
      %mul3A_749 = arith.mulf %mul3A_735, %add3A_745 : vector<16xf32>
      %add3A_750 = arith.constant 1.000000e+00 : f32
      %add3A_751 = vector.broadcast %add3A_750 : f32 to vector<16xf32>
      %add3A_752 = arith.addf %add3A_751, %mul3A_749 : vector<16xf32>
      %mul3A_753 = arith.mulf %mul3A_748, %add3A_752 : vector<16xf32>
      %eq3A_754 = arith.constant 0 : i32
      %eq3A_755 = vector.broadcast %eq3A_754 : i32 to vector<16xi32>
      %eq3A_756 = arith.cmpi eq, %get3A_720, %eq3A_755 : vector<16xi32>
      %neg3A_757 = arith.constant 0.000000e+00 : f32
      %neg3A_758 = vector.broadcast %neg3A_757 : f32 to vector<16xf32>
      %neg3A_759 = arith.subf %neg3A_758, %sub3A_725 : vector<16xf32>
      %max3A_760 = arith.constant 0.000000e+00 : f32
      %max3A_761 = vector.broadcast %max3A_760 : f32 to vector<16xf32>
      %max3A_762 = arith.maximumf %neg3A_759, %max3A_761 : vector<16xf32>
      %max3A_763 = arith.constant 0.000000e+00 : f32
      %max3A_764 = vector.broadcast %max3A_763 : f32 to vector<16xf32>
      %max3A_765 = arith.maximumf %sub3A_725, %max3A_764 : vector<16xf32>
      %select_n3A_766 = arith.select %eq3A_756, %max3A_762, %max3A_765 : vector<16xi1>, vector<16xf32>
      %add3A_767 = arith.addf %mul3A_753, %select_n3A_766 : vector<16xf32>
      %add3A_768 = arith.addf %add3A_693, %add3A_767 : vector<16xf32>
      %mul3A_769 = arith.mulf %get3A_724, %add3A_767 : vector<16xf32>
      %add3A_770 = arith.addf %add3A_695, %mul3A_769 : vector<16xf32>
      %ne3A_771 = arith.constant 0 : i32
      %ne3A_772 = vector.broadcast %ne3A_771 : i32 to vector<16xi32>
      %ne3A_773 = arith.cmpi ne, %get3A_720, %ne3A_772 : vector<16xi32>
      %jit3A_774 = arith.constant 1.000000e+00 : f32
      %jit3A_775 = arith.constant 0.000000e+00 : f32
      %broadcast_in_dim3A_776 = vector.broadcast %jit3A_774 : f32 to vector<16xf32>
      %broadcast_in_dim3A_777 = vector.broadcast %jit3A_775 : f32 to vector<16xf32>
      %select_n3A_778 = arith.select %ne3A_773, %broadcast_in_dim3A_776, %broadcast_in_dim3A_777 : vector<16xi1>, vector<16xf32>
      %add3A_779 = arith.addf %add3A_704, %select_n3A_778 : vector<16xf32>
      %add3A_780 = arith.constant 7 : i32
      %add3A_781 = arith.addi %select_n3A_259, %add3A_780 : i32
      %mul3A_782 = arith.constant 16 : i32
      %mul3A_783 = arith.muli %add3A_781, %mul3A_782 : i32
      %get3A_784 = arith.index_cast %select_n3A_243 : i32 to index
      %get3A_785 = arith.index_cast %mul3A_783 : i32 to index
      %get3A_786 = tpu.vector_load %arg10[%get3A_784, %get3A_785] {strides = array<i32>} : memref<8x512xf32, #tpu.memory_space<vmem>>, vector<1x16xf32>,
      %get3A_787 = vector.shape_cast %get3A_786 : vector<1x16xf32> to vector<16xf32>
      %get3A_788 = arith.index_cast %select_n3A_243 : i32 to index
      %get3A_789 = arith.index_cast %mul3A_783 : i32 to index
      %get3A_790 = tpu.vector_load %arg11[%get3A_788, %get3A_789] {strides = array<i32>} : memref<8x512xf32, #tpu.memory_space<vmem>>, vector<1x16xf32>,
      %get3A_791 = vector.shape_cast %get3A_790 : vector<1x16xf32> to vector<16xf32>
      %get3A_792 = arith.index_cast %select_n3A_243 : i32 to index
      %get3A_793 = arith.index_cast %mul3A_783 : i32 to index
      %get3A_794 = tpu.vector_load %arg12[%get3A_792, %get3A_793] {strides = array<i32>} : memref<8x512xi32, #tpu.memory_space<vmem>>, vector<1x16xi32>,
      %get3A_795 = vector.shape_cast %get3A_794 : vector<1x16xi32> to vector<16xi32>
      %get3A_796 = arith.index_cast %select_n3A_243 : i32 to index
      %get3A_797 = arith.index_cast %mul3A_783 : i32 to index
      %get3A_798 = tpu.vector_load %arg13[%get3A_796, %get3A_797] {strides = array<i32>} : memref<8x512xf32, #tpu.memory_space<vmem>>, vector<1x16xf32>,
      %get3A_799 = vector.shape_cast %get3A_798 : vector<1x16xf32> to vector<16xf32>
      %sub3A_800 = arith.subf %get3A_787, %get3A_791 : vector<16xf32>
      %abs3A_801 = math.absf %sub3A_800 : vector<16xf32>
      %neg3A_802 = arith.constant 0.000000e+00 : f32
      %neg3A_803 = vector.broadcast %neg3A_802 : f32 to vector<16xf32>
      %neg3A_804 = arith.subf %neg3A_803, %abs3A_801 : vector<16xf32>
      %exp3A_805 = math.exp %neg3A_804 : vector<16xf32>
      %add3A_806 = arith.constant 2.000000e+00 : f32
      %add3A_807 = vector.broadcast %add3A_806 : f32 to vector<16xf32>
      %add3A_808 = arith.addf %add3A_807, %exp3A_805 : vector<16xf32>
      %div3A_809 = arith.divf %exp3A_805, %add3A_808 : vector<16xf32>
      %mul3A_810 = arith.mulf %div3A_809, %div3A_809 : vector<16xf32>
      %mul3A_811 = arith.constant 0.142857149 : f32
      %mul3A_812 = vector.broadcast %mul3A_811 : f32 to vector<16xf32>
      %mul3A_813 = arith.mulf %mul3A_810, %mul3A_812 : vector<16xf32>
      %add3A_814 = arith.constant 2.000000e-01 : f32
      %add3A_815 = vector.broadcast %add3A_814 : f32 to vector<16xf32>
      %add3A_816 = arith.addf %add3A_815, %mul3A_813 : vector<16xf32>
      %mul3A_817 = arith.mulf %mul3A_810, %add3A_816 : vector<16xf32>
      %add3A_818 = arith.constant 0.333333343 : f32
      %add3A_819 = vector.broadcast %add3A_818 : f32 to vector<16xf32>
      %add3A_820 = arith.addf %add3A_819, %mul3A_817 : vector<16xf32>
      %mul3A_821 = arith.constant 2.000000e+00 : f32
      %mul3A_822 = vector.broadcast %mul3A_821 : f32 to vector<16xf32>
      %mul3A_823 = arith.mulf %mul3A_822, %div3A_809 : vector<16xf32>
      %mul3A_824 = arith.mulf %mul3A_810, %add3A_820 : vector<16xf32>
      %add3A_825 = arith.constant 1.000000e+00 : f32
      %add3A_826 = vector.broadcast %add3A_825 : f32 to vector<16xf32>
      %add3A_827 = arith.addf %add3A_826, %mul3A_824 : vector<16xf32>
      %mul3A_828 = arith.mulf %mul3A_823, %add3A_827 : vector<16xf32>
      %eq3A_829 = arith.constant 0 : i32
      %eq3A_830 = vector.broadcast %eq3A_829 : i32 to vector<16xi32>
      %eq3A_831 = arith.cmpi eq, %get3A_795, %eq3A_830 : vector<16xi32>
      %neg3A_832 = arith.constant 0.000000e+00 : f32
      %neg3A_833 = vector.broadcast %neg3A_832 : f32 to vector<16xf32>
      %neg3A_834 = arith.subf %neg3A_833, %sub3A_800 : vector<16xf32>
      %max3A_835 = arith.constant 0.000000e+00 : f32
      %max3A_836 = vector.broadcast %max3A_835 : f32 to vector<16xf32>
      %max3A_837 = arith.maximumf %neg3A_834, %max3A_836 : vector<16xf32>
      %max3A_838 = arith.constant 0.000000e+00 : f32
      %max3A_839 = vector.broadcast %max3A_838 : f32 to vector<16xf32>
      %max3A_840 = arith.maximumf %sub3A_800, %max3A_839 : vector<16xf32>
      %select_n3A_841 = arith.select %eq3A_831, %max3A_837, %max3A_840 : vector<16xi1>, vector<16xf32>
      %add3A_842 = arith.addf %mul3A_828, %select_n3A_841 : vector<16xf32>
      %add3A_843 = arith.addf %add3A_768, %add3A_842 : vector<16xf32>
      %mul3A_844 = arith.mulf %get3A_799, %add3A_842 : vector<16xf32>
      %add3A_845 = arith.addf %add3A_770, %mul3A_844 : vector<16xf32>
      %ne3A_846 = arith.constant 0 : i32
      %ne3A_847 = vector.broadcast %ne3A_846 : i32 to vector<16xi32>
      %ne3A_848 = arith.cmpi ne, %get3A_795, %ne3A_847 : vector<16xi32>
      %jit3A_849 = arith.constant 1.000000e+00 : f32
      %jit3A_850 = arith.constant 0.000000e+00 : f32
      %broadcast_in_dim3A_851 = vector.broadcast %jit3A_849 : f32 to vector<16xf32>
      %broadcast_in_dim3A_852 = vector.broadcast %jit3A_850 : f32 to vector<16xf32>
      %select_n3A_853 = arith.select %ne3A_848, %broadcast_in_dim3A_851, %broadcast_in_dim3A_852 : vector<16xi1>, vector<16xf32>
      %add3A_854 = arith.addf %add3A_779, %select_n3A_853 : vector<16xf32>
      scf.yield %add3A_843, %add3A_845, %add3A_854 : vector<16xf32>, vector<16xf32>, vector<16xf32>
    }
    %scan3A_200 = arith.constant 32 : i32
    %swap3A = arith.constant 0 : index
    %swap3A_201 = tpu.vector_load %arg14[%swap3A] {strides = array<i32>} : memref<48xf32, #tpu.memory_space<vmem>>, vector<16xf32>,
    %swap3A_202 = vector.shape_cast %swap3A_201 : vector<16xf32> to vector<16xf32>
    %swap3A_203 = vector.shape_cast %scan3A_199#0 : vector<16xf32> to vector<16xf32>
    tpu.vector_store %arg14[%swap3A], %swap3A_203 {strides = array<i32>} : memref<48xf32, #tpu.memory_space<vmem>>, vector<16xf32>,
    %swap3A_204 = arith.constant 16 : index
    %swap3A_205 = tpu.vector_load %arg14[%swap3A_204] {strides = array<i32>} : memref<48xf32, #tpu.memory_space<vmem>>, vector<16xf32>,
    %swap3A_206 = vector.shape_cast %swap3A_205 : vector<16xf32> to vector<16xf32>
    %swap3A_207 = vector.shape_cast %scan3A_199#1 : vector<16xf32> to vector<16xf32>
    tpu.vector_store %arg14[%swap3A_204], %swap3A_207 {strides = array<i32>} : memref<48xf32, #tpu.memory_space<vmem>>, vector<16xf32>,
    %swap3A_208 = arith.constant 32 : index
    %swap3A_209 = tpu.vector_load %arg14[%swap3A_208] {strides = array<i32>} : memref<48xf32, #tpu.memory_space<vmem>>, vector<16xf32>,
    %swap3A_210 = vector.shape_cast %swap3A_209 : vector<16xf32> to vector<16xf32>
    %swap3A_211 = vector.shape_cast %scan3A_199#2 : vector<16xf32> to vector<16xf32>
    tpu.vector_store %arg14[%swap3A_208], %swap3A_211 {strides = array<i32>} : memref<48xf32, #tpu.memory_space<vmem>>, vector<16xf32>,
    %mul3A_212 = arith.constant 48 : i32
    %mul3A_213 = arith.muli %add3A, %mul3A_212 : i32
    "tpu.region"() ({
      %run_scoped3A = tpu.sem_alloc : memref<!tpu.dma_semaphore, #tpu.memory_space<semaphore_mem>>
      %dma_start3A_214 = tpu.memref_slice %arg5[%mul3A_213] : memref<1536xf32, #tpu.memory_space<hbm>> -> memref<48xf32, #tpu.memory_space<hbm>>
      %dma_start3A_215 = tpu.memref_slice %arg5[%mul3A_213] : memref<1536xf32, #tpu.memory_space<hbm>> -> memref<48xf32, #tpu.memory_space<hbm>>
      tpu.enqueue_dma source(%arg14 : memref<48xf32, #tpu.memory_space<vmem>>) target(%dma_start3A_215 : memref<48xf32, #tpu.memory_space<hbm>>) target_semaphore(%run_scoped3A : memref<!tpu.dma_semaphore, #tpu.memory_space<semaphore_mem>>)
      %dma_wait3A_216 = tpu.memref_slice %arg5[%mul3A_213] : memref<1536xf32, #tpu.memory_space<hbm>> -> memref<48xf32, #tpu.memory_space<hbm>>
      %dma_wait3A_217 = tpu.memref_slice %arg5[%mul3A_213] : memref<1536xf32, #tpu.memory_space<hbm>> -> memref<48xf32, #tpu.memory_space<hbm>>
      tpu.wait_dma2 semaphore(%run_scoped3A : memref<!tpu.dma_semaphore, #tpu.memory_space<semaphore_mem>>) src(%arg14 : memref<48xf32, #tpu.memory_space<vmem>>) dst(%dma_wait3A_217 : memref<48xf32, #tpu.memory_space<hbm>>)
      tpu.yield
    }) : () -> ()
    return
  }
}

module attributes {stable_mosaic.version = 14 : i64} {
  func.func @_sums_body(%arg0: i32, %arg1: i32, %arg2: memref<1x2x512x512xf32, #tpu.memory_space<vmem>>, %arg3: memref<1x1x512x512xi32, #tpu.memory_space<vmem>>, %arg4: memref<1x1x512x512xf32, #tpu.memory_space<vmem>>, %arg5: memref<3xf32, #tpu.memory_space<smem>>) attributes {dimension_semantics = [#tpu.dimension_semantics<arbitrary>, #tpu.dimension_semantics<arbitrary>], iteration_bounds = array<i64: 7, 1>, scalar_prefetch = 0 : i64, scratch_operands = 0 : i64, tpu.core_type = #tpu.core_type<tc>, window_params = [{transform_indices = @transform_0, window_bounds = array<i64: 1, 2, 512, 512>}, {transform_indices = @transform_1, window_bounds = array<i64: 1, 1, 512, 512>}, {transform_indices = @transform_2, window_bounds = array<i64: 1, 1, 512, 512>}, {transform_indices = @transform_3, window_bounds = array<i64: 3>}]} {
    %eq3A = arith.constant 0 : i32
    %eq3A_0 = arith.cmpi eq, %arg0, %eq3A : i32
    %eq3A_1 = arith.constant 0 : i32
    %eq3A_2 = arith.cmpi eq, %arg1, %eq3A_1 : i32
    %and3A = arith.andi %eq3A_0, %eq3A_2 : i1
    %convert_element_type3A = arith.extui %and3A : i1 to i32
    %cond3A = arith.constant 0 : i32
    %cond3A_3 = arith.cmpi ne, %convert_element_type3A, %cond3A : i32
    scf.if %cond3A_3 {
      %swap3A_82 = arith.constant 0.000000e+00 : f32
      %swap3A_83 = arith.constant 0 : index
      %swap3A_84 = memref.load %arg5[%swap3A_83] : memref<3xf32, #tpu.memory_space<smem>>
      memref.store %swap3A_82, %arg5[%swap3A_83] : memref<3xf32, #tpu.memory_space<smem>>
      %swap3A_85 = arith.constant 0.000000e+00 : f32
      %swap3A_86 = arith.constant 1 : index
      %swap3A_87 = memref.load %arg5[%swap3A_86] : memref<3xf32, #tpu.memory_space<smem>>
      memref.store %swap3A_85, %arg5[%swap3A_86] : memref<3xf32, #tpu.memory_space<smem>>
      %swap3A_88 = arith.constant 0.000000e+00 : f32
      %swap3A_89 = arith.constant 2 : index
      %swap3A_90 = memref.load %arg5[%swap3A_89] : memref<3xf32, #tpu.memory_space<smem>>
      memref.store %swap3A_88, %arg5[%swap3A_89] : memref<3xf32, #tpu.memory_space<smem>>
    } else {
    }
    %get3A = arith.constant 0 : index
    %get3A_4 = arith.constant 0 : index
    %get3A_5 = arith.constant 0 : index
    %get3A_6 = arith.constant 0 : index
    %get3A_7 = vector.load %arg2[%get3A, %get3A_4, %get3A_5, %get3A_6] : memref<1x2x512x512xf32, #tpu.memory_space<vmem>>, vector<1x1x512x512xf32>
    %get3A_8 = vector.shape_cast %get3A_7 : vector<1x1x512x512xf32> to vector<512x512xf32>
    %get3A_9 = arith.constant 0 : index
    %get3A_10 = arith.constant 1 : index
    %get3A_11 = arith.constant 0 : index
    %get3A_12 = arith.constant 0 : index
    %get3A_13 = vector.load %arg2[%get3A_9, %get3A_10, %get3A_11, %get3A_12] : memref<1x2x512x512xf32, #tpu.memory_space<vmem>>, vector<1x1x512x512xf32>
    %get3A_14 = vector.shape_cast %get3A_13 : vector<1x1x512x512xf32> to vector<512x512xf32>
    %get3A_15 = arith.constant 0 : index
    %get3A_16 = arith.constant 0 : index
    %get3A_17 = arith.constant 0 : index
    %get3A_18 = arith.constant 0 : index
    %get3A_19 = vector.load %arg3[%get3A_15, %get3A_16, %get3A_17, %get3A_18] : memref<1x1x512x512xi32, #tpu.memory_space<vmem>>, vector<1x1x512x512xi32>
    %get3A_20 = vector.shape_cast %get3A_19 : vector<1x1x512x512xi32> to vector<512x512xi32>
    %sub3A = arith.subf %get3A_8, %get3A_14 : vector<512x512xf32>
    %abs3A = math.absf %sub3A : vector<512x512xf32>
    %neg3A = arith.constant 0.000000e+00 : f32
    %neg3A_21 = vector.broadcast %neg3A : f32 to vector<512x512xf32>
    %neg3A_22 = arith.subf %neg3A_21, %abs3A : vector<512x512xf32>
    %exp3A = math.exp %neg3A_22 : vector<512x512xf32>
    %add3A = arith.constant 1.000000e+00 : f32
    %add3A_23 = vector.broadcast %add3A : f32 to vector<512x512xf32>
    %add3A_24 = arith.addf %add3A_23, %exp3A : vector<512x512xf32>
    %log3A = math.log %add3A_24 : vector<512x512xf32>
    %eq3A_25 = arith.constant 0 : i32
    %eq3A_26 = vector.broadcast %eq3A_25 : i32 to vector<512x512xi32>
    %eq3A_27 = arith.cmpi eq, %get3A_20, %eq3A_26 : vector<512x512xi32>
    %neg3A_28 = arith.constant 0.000000e+00 : f32
    %neg3A_29 = vector.broadcast %neg3A_28 : f32 to vector<512x512xf32>
    %neg3A_30 = arith.subf %neg3A_29, %sub3A : vector<512x512xf32>
    %max3A = arith.constant 0.000000e+00 : f32
    %max3A_31 = vector.broadcast %max3A : f32 to vector<512x512xf32>
    %max3A_32 = arith.maximumf %neg3A_30, %max3A_31 : vector<512x512xf32>
    %max3A_33 = arith.constant 0.000000e+00 : f32
    %max3A_34 = vector.broadcast %max3A_33 : f32 to vector<512x512xf32>
    %max3A_35 = arith.maximumf %sub3A, %max3A_34 : vector<512x512xf32>
    %select_n3A = arith.select %eq3A_27, %max3A_32, %max3A_35 : vector<512x512xi1>, vector<512x512xf32>
    %add3A_36 = arith.addf %log3A, %select_n3A : vector<512x512xf32>
    %get3A_37 = arith.constant 0 : index
    %get3A_38 = arith.constant 0 : index
    %get3A_39 = arith.constant 0 : index
    %get3A_40 = arith.constant 0 : index
    %get3A_41 = vector.load %arg4[%get3A_37, %get3A_38, %get3A_39, %get3A_40] : memref<1x1x512x512xf32, #tpu.memory_space<vmem>>, vector<1x1x512x512xf32>
    %get3A_42 = vector.shape_cast %get3A_41 : vector<1x1x512x512xf32> to vector<512x512xf32>
    %get3A_43 = arith.constant 0 : index
    %get3A_44 = memref.load %arg5[%get3A_43] : memref<3xf32, #tpu.memory_space<smem>>
    %reduce_sum3A = vector.shape_cast %add3A_36 : vector<512x512xf32> to vector<1x512x512xf32>
    %reduce_sum3A_45 = arith.constant dense<0.000000e+00> : vector<1xf32>
    %reduce_sum3A_46 = vector.multi_reduction <add>, %reduce_sum3A, %reduce_sum3A_45 [1, 2] : vector<1x512x512xf32> to vector<1xf32>
    %reduce_sum3A_47 = vector.shape_cast %reduce_sum3A_46 : vector<1xf32> to vector<1x1x1xf32>
    %reduce_sum3A_48 = vector.extract %reduce_sum3A_47[0, 0, 0] : f32 from vector<1x1x1xf32>
    %add3A_49 = arith.addf %get3A_44, %reduce_sum3A_48 : f32
    %swap3A = arith.constant 0 : index
    %swap3A_50 = memref.load %arg5[%swap3A] : memref<3xf32, #tpu.memory_space<smem>>
    memref.store %add3A_49, %arg5[%swap3A] : memref<3xf32, #tpu.memory_space<smem>>
    %get3A_51 = arith.constant 1 : index
    %get3A_52 = memref.load %arg5[%get3A_51] : memref<3xf32, #tpu.memory_space<smem>>
    %mul3A = arith.mulf %get3A_42, %add3A_36 : vector<512x512xf32>
    %reduce_sum3A_53 = vector.shape_cast %mul3A : vector<512x512xf32> to vector<1x512x512xf32>
    %reduce_sum3A_54 = arith.constant dense<0.000000e+00> : vector<1xf32>
    %reduce_sum3A_55 = vector.multi_reduction <add>, %reduce_sum3A_53, %reduce_sum3A_54 [1, 2] : vector<1x512x512xf32> to vector<1xf32>
    %reduce_sum3A_56 = vector.shape_cast %reduce_sum3A_55 : vector<1xf32> to vector<1x1x1xf32>
    %reduce_sum3A_57 = vector.extract %reduce_sum3A_56[0, 0, 0] : f32 from vector<1x1x1xf32>
    %add3A_58 = arith.addf %get3A_52, %reduce_sum3A_57 : f32
    %swap3A_59 = arith.constant 1 : index
    %swap3A_60 = memref.load %arg5[%swap3A_59] : memref<3xf32, #tpu.memory_space<smem>>
    memref.store %add3A_58, %arg5[%swap3A_59] : memref<3xf32, #tpu.memory_space<smem>>
    %get3A_61 = arith.constant 2 : index
    %get3A_62 = memref.load %arg5[%get3A_61] : memref<3xf32, #tpu.memory_space<smem>>
    %get3A_63 = arith.constant 0 : index
    %get3A_64 = arith.constant 0 : index
    %get3A_65 = arith.constant 0 : index
    %get3A_66 = arith.constant 0 : index
    %get3A_67 = vector.load %arg3[%get3A_63, %get3A_64, %get3A_65, %get3A_66] : memref<1x1x512x512xi32, #tpu.memory_space<vmem>>, vector<1x1x512x512xi32>
    %get3A_68 = vector.shape_cast %get3A_67 : vector<1x1x512x512xi32> to vector<512x512xi32>
    %ne3A = arith.constant 0 : i32
    %ne3A_69 = vector.broadcast %ne3A : i32 to vector<512x512xi32>
    %ne3A_70 = arith.cmpi ne, %get3A_68, %ne3A_69 : vector<512x512xi32>
    %jit3A = arith.constant 1.000000e+00 : f32
    %jit3A_71 = arith.constant 0.000000e+00 : f32
    %broadcast_in_dim3A = vector.broadcast %jit3A : f32 to vector<512x512xf32>
    %broadcast_in_dim3A_72 = vector.broadcast %jit3A_71 : f32 to vector<512x512xf32>
    %select_n3A_73 = arith.select %ne3A_70, %broadcast_in_dim3A, %broadcast_in_dim3A_72 : vector<512x512xi1>, vector<512x512xf32>
    %reduce_sum3A_74 = vector.shape_cast %select_n3A_73 : vector<512x512xf32> to vector<1x512x512xf32>
    %reduce_sum3A_75 = arith.constant dense<0.000000e+00> : vector<1xf32>
    %reduce_sum3A_76 = vector.multi_reduction <add>, %reduce_sum3A_74, %reduce_sum3A_75 [1, 2] : vector<1x512x512xf32> to vector<1xf32>
    %reduce_sum3A_77 = vector.shape_cast %reduce_sum3A_76 : vector<1xf32> to vector<1x1x1xf32>
    %reduce_sum3A_78 = vector.extract %reduce_sum3A_77[0, 0, 0] : f32 from vector<1x1x1xf32>
    %add3A_79 = arith.addf %get3A_62, %reduce_sum3A_78 : f32
    %swap3A_80 = arith.constant 2 : index
    %swap3A_81 = memref.load %arg5[%swap3A_80] : memref<3xf32, #tpu.memory_space<smem>>
    memref.store %add3A_79, %arg5[%swap3A_80] : memref<3xf32, #tpu.memory_space<smem>>
    return
  }
  func.func @transform_0(%arg0: i32, %arg1: i32) -> (i32, i32, i32, i32) {
    %c0_i32 = arith.constant 0 : i32
    %c0_i32_0 = arith.constant 0 : i32
    %c0_i32_1 = arith.constant 0 : i32
    return %arg0, %c0_i32, %arg1, %c0_i32_0 : i32, i32, i32, i32
  }
  func.func @transform_1(%arg0: i32, %arg1: i32) -> (i32, i32, i32, i32) {
    %c0_i32 = arith.constant 0 : i32
    %c0_i32_0 = arith.constant 0 : i32
    %c0_i32_1 = arith.constant 0 : i32
    return %arg0, %c0_i32, %arg1, %c0_i32_0 : i32, i32, i32, i32
  }
  func.func @transform_2(%arg0: i32, %arg1: i32) -> (i32, i32, i32, i32) {
    %c0_i32 = arith.constant 0 : i32
    %c0_i32_0 = arith.constant 0 : i32
    %c0_i32_1 = arith.constant 0 : i32
    return %arg0, %c0_i32, %arg1, %c0_i32_0 : i32, i32, i32, i32
  }
  func.func @transform_3(%arg0: i32, %arg1: i32) -> i32 {
    %c0_i32 = arith.constant 0 : i32
    %c0_i32_0 = arith.constant 0 : i32
    return %c0_i32 : i32
  }
}

module attributes {stable_mosaic.version = 14 : i64} {
  func.func @_tail_body(%arg0: i32, %arg1: i32, %arg2: memref<1xf32, #tpu.memory_space<smem>>, %arg3: memref<1x1x512x512xf32, #tpu.memory_space<vmem>>, %arg4: memref<2xf32, #tpu.memory_space<smem>>) attributes {dimension_semantics = [#tpu.dimension_semantics<arbitrary>, #tpu.dimension_semantics<arbitrary>], iteration_bounds = array<i64: 8, 1>, scalar_prefetch = 0 : i64, scratch_operands = 0 : i64, tpu.core_type = #tpu.core_type<tc>, window_params = [{transform_indices = @transform_0, window_bounds = array<i64: 1>}, {transform_indices = @transform_1, window_bounds = array<i64: 1, 1, 512, 512>}, {transform_indices = @transform_2, window_bounds = array<i64: 2>}]} {
    %eq3A = arith.constant 0 : i32
    %eq3A_0 = arith.cmpi eq, %arg0, %eq3A : i32
    %eq3A_1 = arith.constant 0 : i32
    %eq3A_2 = arith.cmpi eq, %arg1, %eq3A_1 : i32
    %and3A = arith.andi %eq3A_0, %eq3A_2 : i1
    %convert_element_type3A = arith.extui %and3A : i1 to i32
    %cond3A = arith.constant 0 : i32
    %cond3A_3 = arith.cmpi ne, %convert_element_type3A, %cond3A : i32
    scf.if %cond3A_3 {
      %swap3A_34 = arith.constant 0.000000e+00 : f32
      %swap3A_35 = arith.constant 0 : index
      %swap3A_36 = memref.load %arg4[%swap3A_35] : memref<2xf32, #tpu.memory_space<smem>>
      memref.store %swap3A_34, %arg4[%swap3A_35] : memref<2xf32, #tpu.memory_space<smem>>
      %swap3A_37 = arith.constant 0.000000e+00 : f32
      %swap3A_38 = arith.constant 1 : index
      %swap3A_39 = memref.load %arg4[%swap3A_38] : memref<2xf32, #tpu.memory_space<smem>>
      memref.store %swap3A_37, %arg4[%swap3A_38] : memref<2xf32, #tpu.memory_space<smem>>
    } else {
    }
    %get3A = arith.constant 0 : index
    %get3A_4 = arith.constant 0 : index
    %get3A_5 = arith.constant 0 : index
    %get3A_6 = arith.constant 0 : index
    %get3A_7 = vector.load %arg3[%get3A, %get3A_4, %get3A_5, %get3A_6] : memref<1x1x512x512xf32, #tpu.memory_space<vmem>>, vector<1x1x512x512xf32>
    %get3A_8 = vector.shape_cast %get3A_7 : vector<1x1x512x512xf32> to vector<512x512xf32>
    %get3A_9 = arith.constant 0 : index
    %get3A_10 = memref.load %arg2[%get3A_9] : memref<1xf32, #tpu.memory_space<smem>>
    %gt3A = vector.broadcast %get3A_10 : f32 to vector<512x512xf32>
    %gt3A_11 = arith.cmpf ogt, %get3A_8, %gt3A : vector<512x512xf32>
    %get3A_12 = arith.constant 0 : index
    %get3A_13 = memref.load %arg4[%get3A_12] : memref<2xf32, #tpu.memory_space<smem>>
    %jit3A = arith.constant 0.000000e+00 : f32
    %broadcast_in_dim3A = vector.broadcast %jit3A : f32 to vector<512x512xf32>
    %select_n3A = arith.select %gt3A_11, %get3A_8, %broadcast_in_dim3A : vector<512x512xi1>, vector<512x512xf32>
    %reduce_sum3A = vector.shape_cast %select_n3A : vector<512x512xf32> to vector<1x512x512xf32>
    %reduce_sum3A_14 = arith.constant dense<0.000000e+00> : vector<1xf32>
    %reduce_sum3A_15 = vector.multi_reduction <add>, %reduce_sum3A, %reduce_sum3A_14 [1, 2] : vector<1x512x512xf32> to vector<1xf32>
    %reduce_sum3A_16 = vector.shape_cast %reduce_sum3A_15 : vector<1xf32> to vector<1x1x1xf32>
    %reduce_sum3A_17 = vector.extract %reduce_sum3A_16[0, 0, 0] : f32 from vector<1x1x1xf32>
    %add3A = arith.addf %get3A_13, %reduce_sum3A_17 : f32
    %swap3A = arith.constant 0 : index
    %swap3A_18 = memref.load %arg4[%swap3A] : memref<2xf32, #tpu.memory_space<smem>>
    memref.store %add3A, %arg4[%swap3A] : memref<2xf32, #tpu.memory_space<smem>>
    %get3A_19 = arith.constant 1 : index
    %get3A_20 = memref.load %arg4[%get3A_19] : memref<2xf32, #tpu.memory_space<smem>>
    %jit3A_21 = arith.constant 1.000000e+00 : f32
    %jit3A_22 = arith.constant 0.000000e+00 : f32
    %broadcast_in_dim3A_23 = vector.broadcast %jit3A_21 : f32 to vector<512x512xf32>
    %broadcast_in_dim3A_24 = vector.broadcast %jit3A_22 : f32 to vector<512x512xf32>
    %select_n3A_25 = arith.select %gt3A_11, %broadcast_in_dim3A_23, %broadcast_in_dim3A_24 : vector<512x512xi1>, vector<512x512xf32>
    %reduce_sum3A_26 = vector.shape_cast %select_n3A_25 : vector<512x512xf32> to vector<1x512x512xf32>
    %reduce_sum3A_27 = arith.constant dense<0.000000e+00> : vector<1xf32>
    %reduce_sum3A_28 = vector.multi_reduction <add>, %reduce_sum3A_26, %reduce_sum3A_27 [1, 2] : vector<1x512x512xf32> to vector<1xf32>
    %reduce_sum3A_29 = vector.shape_cast %reduce_sum3A_28 : vector<1xf32> to vector<1x1x1xf32>
    %reduce_sum3A_30 = vector.extract %reduce_sum3A_29[0, 0, 0] : f32 from vector<1x1x1xf32>
    %add3A_31 = arith.addf %get3A_20, %reduce_sum3A_30 : f32
    %swap3A_32 = arith.constant 1 : index
    %swap3A_33 = memref.load %arg4[%swap3A_32] : memref<2xf32, #tpu.memory_space<smem>>
    memref.store %add3A_31, %arg4[%swap3A_32] : memref<2xf32, #tpu.memory_space<smem>>
    return
  }
  func.func @transform_0(%arg0: i32, %arg1: i32) -> i32 {
    %c0_i32 = arith.constant 0 : i32
    %c0_i32_0 = arith.constant 0 : i32
    return %c0_i32 : i32
  }
  func.func @transform_1(%arg0: i32, %arg1: i32) -> (i32, i32, i32, i32) {
    %c0_i32 = arith.constant 0 : i32
    %c0_i32_0 = arith.constant 0 : i32
    %c0_i32_1 = arith.constant 0 : i32
    return %arg0, %c0_i32, %arg1, %c0_i32_0 : i32, i32, i32, i32
  }
  func.func @transform_2(%arg0: i32, %arg1: i32) -> i32 {
    %c0_i32 = arith.constant 0 : i32
    %c0_i32_0 = arith.constant 0 : i32
    return %c0_i32 : i32
  }
}

module attributes {stable_mosaic.version = 14 : i64} {
  func.func @_temp_body(%arg0: i32, %arg1: i32, %arg2: memref<1x2x512x512xf32, #tpu.memory_space<vmem>>, %arg3: memref<1x1x512x512xi32, #tpu.memory_space<vmem>>, %arg4: memref<1x1x512x512xf32, #tpu.memory_space<vmem>>, %arg5: memref<1x1x512x512xf32, #tpu.memory_space<vmem>>) attributes {dimension_semantics = [#tpu.dimension_semantics<arbitrary>, #tpu.dimension_semantics<arbitrary>], iteration_bounds = array<i64: 8, 1>, scalar_prefetch = 0 : i64, scratch_operands = 0 : i64, tpu.core_type = #tpu.core_type<tc>, window_params = [{transform_indices = @transform_0, window_bounds = array<i64: 1, 2, 512, 512>}, {transform_indices = @transform_1, window_bounds = array<i64: 1, 1, 512, 512>}, {transform_indices = @transform_2, window_bounds = array<i64: 1, 1, 512, 512>}, {transform_indices = @transform_3, window_bounds = array<i64: 1, 1, 512, 512>}]} {
    %get3A = arith.constant 0 : index
    %get3A_0 = arith.constant 0 : index
    %get3A_1 = arith.constant 0 : index
    %get3A_2 = arith.constant 0 : index
    %get3A_3 = vector.load %arg2[%get3A, %get3A_0, %get3A_1, %get3A_2] : memref<1x2x512x512xf32, #tpu.memory_space<vmem>>, vector<1x1x512x512xf32>
    %get3A_4 = vector.shape_cast %get3A_3 : vector<1x1x512x512xf32> to vector<512x512xf32>
    %get3A_5 = arith.constant 0 : index
    %get3A_6 = arith.constant 1 : index
    %get3A_7 = arith.constant 0 : index
    %get3A_8 = arith.constant 0 : index
    %get3A_9 = vector.load %arg2[%get3A_5, %get3A_6, %get3A_7, %get3A_8] : memref<1x2x512x512xf32, #tpu.memory_space<vmem>>, vector<1x1x512x512xf32>
    %get3A_10 = vector.shape_cast %get3A_9 : vector<1x1x512x512xf32> to vector<512x512xf32>
    %get3A_11 = arith.constant 0 : index
    %get3A_12 = arith.constant 0 : index
    %get3A_13 = arith.constant 0 : index
    %get3A_14 = arith.constant 0 : index
    %get3A_15 = vector.load %arg3[%get3A_11, %get3A_12, %get3A_13, %get3A_14] : memref<1x1x512x512xi32, #tpu.memory_space<vmem>>, vector<1x1x512x512xi32>
    %get3A_16 = vector.shape_cast %get3A_15 : vector<1x1x512x512xi32> to vector<512x512xi32>
    %sub3A = arith.subf %get3A_4, %get3A_10 : vector<512x512xf32>
    %abs3A = math.absf %sub3A : vector<512x512xf32>
    %neg3A = arith.constant 0.000000e+00 : f32
    %neg3A_17 = vector.broadcast %neg3A : f32 to vector<512x512xf32>
    %neg3A_18 = arith.subf %neg3A_17, %abs3A : vector<512x512xf32>
    %exp3A = math.exp %neg3A_18 : vector<512x512xf32>
    %add3A = arith.constant 1.000000e+00 : f32
    %add3A_19 = vector.broadcast %add3A : f32 to vector<512x512xf32>
    %add3A_20 = arith.addf %add3A_19, %exp3A : vector<512x512xf32>
    %log3A = math.log %add3A_20 : vector<512x512xf32>
    %eq3A = arith.constant 0 : i32
    %eq3A_21 = vector.broadcast %eq3A : i32 to vector<512x512xi32>
    %eq3A_22 = arith.cmpi eq, %get3A_16, %eq3A_21 : vector<512x512xi32>
    %neg3A_23 = arith.constant 0.000000e+00 : f32
    %neg3A_24 = vector.broadcast %neg3A_23 : f32 to vector<512x512xf32>
    %neg3A_25 = arith.subf %neg3A_24, %sub3A : vector<512x512xf32>
    %max3A = arith.constant 0.000000e+00 : f32
    %max3A_26 = vector.broadcast %max3A : f32 to vector<512x512xf32>
    %max3A_27 = arith.maximumf %neg3A_25, %max3A_26 : vector<512x512xf32>
    %max3A_28 = arith.constant 0.000000e+00 : f32
    %max3A_29 = vector.broadcast %max3A_28 : f32 to vector<512x512xf32>
    %max3A_30 = arith.maximumf %sub3A, %max3A_29 : vector<512x512xf32>
    %select_n3A = arith.select %eq3A_22, %max3A_27, %max3A_30 : vector<512x512xi1>, vector<512x512xf32>
    %add3A_31 = arith.addf %log3A, %select_n3A : vector<512x512xf32>
    %get3A_32 = arith.constant 0 : index
    %get3A_33 = arith.constant 0 : index
    %get3A_34 = arith.constant 0 : index
    %get3A_35 = arith.constant 0 : index
    %get3A_36 = vector.load %arg4[%get3A_32, %get3A_33, %get3A_34, %get3A_35] : memref<1x1x512x512xf32, #tpu.memory_space<vmem>>, vector<1x1x512x512xf32>
    %get3A_37 = vector.shape_cast %get3A_36 : vector<1x1x512x512xf32> to vector<512x512xf32>
    %ne3A = arith.constant 0.000000e+00 : f32
    %ne3A_38 = vector.broadcast %ne3A : f32 to vector<512x512xf32>
    %ne3A_39 = arith.cmpf one, %get3A_37, %ne3A_38 : vector<512x512xf32>
    %jit3A = arith.constant 0.000000e+00 : f32
    %broadcast_in_dim3A = vector.broadcast %jit3A : f32 to vector<512x512xf32>
    %select_n3A_40 = arith.select %ne3A_39, %broadcast_in_dim3A, %add3A_31 : vector<512x512xi1>, vector<512x512xf32>
    %swap3A = arith.constant 0 : index
    %swap3A_41 = arith.constant 0 : index
    %swap3A_42 = arith.constant 0 : index
    %swap3A_43 = arith.constant 0 : index
    %swap3A_44 = vector.load %arg5[%swap3A, %swap3A_41, %swap3A_42, %swap3A_43] : memref<1x1x512x512xf32, #tpu.memory_space<vmem>>, vector<1x1x512x512xf32>
    %swap3A_45 = vector.shape_cast %swap3A_44 : vector<1x1x512x512xf32> to vector<512x512xf32>
    %swap3A_46 = vector.shape_cast %select_n3A_40 : vector<512x512xf32> to vector<1x1x512x512xf32>
    tpu.vector_store %arg5[%swap3A, %swap3A_41, %swap3A_42, %swap3A_43], %swap3A_46 {strides = array<i32>} : memref<1x1x512x512xf32, #tpu.memory_space<vmem>>, vector<1x1x512x512xf32>,
    return
  }
  func.func @transform_0(%arg0: i32, %arg1: i32) -> (i32, i32, i32, i32) {
    %c0_i32 = arith.constant 0 : i32
    %c0_i32_0 = arith.constant 0 : i32
    %c0_i32_1 = arith.constant 0 : i32
    return %arg0, %c0_i32, %arg1, %c0_i32_0 : i32, i32, i32, i32
  }
  func.func @transform_1(%arg0: i32, %arg1: i32) -> (i32, i32, i32, i32) {
    %c0_i32 = arith.constant 0 : i32
    %c0_i32_0 = arith.constant 0 : i32
    %c0_i32_1 = arith.constant 0 : i32
    return %arg0, %c0_i32, %arg1, %c0_i32_0 : i32, i32, i32, i32
  }
  func.func @transform_2(%arg0: i32, %arg1: i32) -> (i32, i32, i32, i32) {
    %c0_i32 = arith.constant 0 : i32
    %c0_i32_0 = arith.constant 0 : i32
    %c0_i32_1 = arith.constant 0 : i32
    return %arg0, %c0_i32, %arg1, %c0_i32_0 : i32, i32, i32, i32
  }
  func.func @transform_3(%arg0: i32, %arg1: i32) -> (i32, i32, i32, i32) {
    %c0_i32 = arith.constant 0 : i32
    %c0_i32_0 = arith.constant 0 : i32
    %c0_i32_1 = arith.constant 0 : i32
    return %arg0, %c0_i32, %arg1, %c0_i32_0 : i32, i32, i32, i32
  }
}

module attributes {stable_mosaic.version = 14 : i64} {
  func.func @_count_body(%arg0: i32, %arg1: i32, %arg2: memref<1xf32, #tpu.memory_space<smem>>, %arg3: memref<1x1x512x512xf32, #tpu.memory_space<vmem>>, %arg4: memref<1xf32, #tpu.memory_space<smem>>) attributes {dimension_semantics = [#tpu.dimension_semantics<arbitrary>, #tpu.dimension_semantics<arbitrary>], iteration_bounds = array<i64: 8, 1>, scalar_prefetch = 0 : i64, scratch_operands = 0 : i64, tpu.core_type = #tpu.core_type<tc>, window_params = [{transform_indices = @transform_0, window_bounds = array<i64: 1>}, {transform_indices = @transform_1, window_bounds = array<i64: 1, 1, 512, 512>}, {transform_indices = @transform_2, window_bounds = array<i64: 1>}]} {
    %eq3A = arith.constant 0 : i32
    %eq3A_0 = arith.cmpi eq, %arg0, %eq3A : i32
    %eq3A_1 = arith.constant 0 : i32
    %eq3A_2 = arith.cmpi eq, %arg1, %eq3A_1 : i32
    %and3A = arith.andi %eq3A_0, %eq3A_2 : i1
    %convert_element_type3A = arith.extui %and3A : i1 to i32
    %cond3A = arith.constant 0 : i32
    %cond3A_3 = arith.cmpi ne, %convert_element_type3A, %cond3A : i32
    scf.if %cond3A_3 {
      %swap3A_21 = arith.constant 0.000000e+00 : f32
      %swap3A_22 = arith.constant 0 : index
      %swap3A_23 = memref.load %arg4[%swap3A_22] : memref<1xf32, #tpu.memory_space<smem>>
      memref.store %swap3A_21, %arg4[%swap3A_22] : memref<1xf32, #tpu.memory_space<smem>>
    } else {
    }
    %get3A = arith.constant 0 : index
    %get3A_4 = memref.load %arg4[%get3A] : memref<1xf32, #tpu.memory_space<smem>>
    %get3A_5 = arith.constant 0 : index
    %get3A_6 = arith.constant 0 : index
    %get3A_7 = arith.constant 0 : index
    %get3A_8 = arith.constant 0 : index
    %get3A_9 = vector.load %arg3[%get3A_5, %get3A_6, %get3A_7, %get3A_8] : memref<1x1x512x512xf32, #tpu.memory_space<vmem>>, vector<1x1x512x512xf32>
    %get3A_10 = vector.shape_cast %get3A_9 : vector<1x1x512x512xf32> to vector<512x512xf32>
    %get3A_11 = arith.constant 0 : index
    %get3A_12 = memref.load %arg2[%get3A_11] : memref<1xf32, #tpu.memory_space<smem>>
    %ge3A = vector.broadcast %get3A_12 : f32 to vector<512x512xf32>
    %ge3A_13 = arith.cmpf oge, %get3A_10, %ge3A : vector<512x512xf32>
    %jit3A = arith.constant 1.000000e+00 : f32
    %jit3A_14 = arith.constant 0.000000e+00 : f32
    %broadcast_in_dim3A = vector.broadcast %jit3A : f32 to vector<512x512xf32>
    %broadcast_in_dim3A_15 = vector.broadcast %jit3A_14 : f32 to vector<512x512xf32>
    %select_n3A = arith.select %ge3A_13, %broadcast_in_dim3A, %broadcast_in_dim3A_15 : vector<512x512xi1>, vector<512x512xf32>
    %reduce_sum3A = vector.shape_cast %select_n3A : vector<512x512xf32> to vector<1x512x512xf32>
    %reduce_sum3A_16 = arith.constant dense<0.000000e+00> : vector<1xf32>
    %reduce_sum3A_17 = vector.multi_reduction <add>, %reduce_sum3A, %reduce_sum3A_16 [1, 2] : vector<1x512x512xf32> to vector<1xf32>
    %reduce_sum3A_18 = vector.shape_cast %reduce_sum3A_17 : vector<1xf32> to vector<1x1x1xf32>
    %reduce_sum3A_19 = vector.extract %reduce_sum3A_18[0, 0, 0] : f32 from vector<1x1x1xf32>
    %add3A = arith.addf %get3A_4, %reduce_sum3A_19 : f32
    %swap3A = arith.constant 0 : index
    %swap3A_20 = memref.load %arg4[%swap3A] : memref<1xf32, #tpu.memory_space<smem>>
    memref.store %add3A, %arg4[%swap3A] : memref<1xf32, #tpu.memory_space<smem>>
    return
  }
  func.func @transform_0(%arg0: i32, %arg1: i32) -> i32 {
    %c0_i32 = arith.constant 0 : i32
    %c0_i32_0 = arith.constant 0 : i32
    return %c0_i32 : i32
  }
  func.func @transform_1(%arg0: i32, %arg1: i32) -> (i32, i32, i32, i32) {
    %c0_i32 = arith.constant 0 : i32
    %c0_i32_0 = arith.constant 0 : i32
    %c0_i32_1 = arith.constant 0 : i32
    return %arg0, %c0_i32, %arg1, %c0_i32_0 : i32, i32, i32, i32
  }
  func.func @transform_2(%arg0: i32, %arg1: i32) -> i32 {
    %c0_i32 = arith.constant 0 : i32
    %c0_i32_0 = arith.constant 0 : i32
    return %c0_i32 : i32
  }
}

</mosaic_0001>

<sc_bundles>
// kernel: kernel.4.cloned.1.call-start
scs
__scs_entry_jumppad:
0x0: {  	(pc) =	sbr.rel $0x88, $3  }
0x1: {  	(tag) =	ssettag $0x0;
	lr =	simm.s32 $0x1  }
0x2: {  	[smem:$0x3F9E] =	sst lr;
	_ =	strace $0xD0000000  }
0x3: {  	_ = 	snop  }
0x4: {  	_ = 	snop  }
0x5: {  	_ = 	snop  }
0x6: {  	_ = 	snop  }
0x7: {  	_ = 	snop  }
__scs_overlays_trampoline_lowered:
0x8: {  	[smem:$0x3FAD] =	sst s0  }
0x9: {  	[smem:$0x3FAE] =	sst s1  }
0xa: {  	[smem:$0x3FAF] =	sst s2  }
0xb: {  	[smem:$0x3FB0] =	sst s3  }
0xc: {  	[smem:$0x3FB1] =	sst s4  }
0xd: {  	[smem:$0x3FB2] =	sst s5  }
0xe: {  	[smem:$0x3FB3] =	sst s6  }
0xf: {  	[smem:$0x3FB4] =	sst s7  }
0x10: {  	[smem:$0x3FB5] =	sst s8  }
0x11: {  	[smem:$0x3FB6] =	sst s9;
	s0 =	simm.s32 @!p0 $0x0  }
0x12: {  	s1 =	sld [smem:$0x3F9C];
	s0 =	simm.s32 @p0 $0x1  }
0x13: {  	[smem:$0x3FB7] =	sst s0;
	s0 =	simm.s32 @!p1 $0x0  }
0x14: {  	s2 =	sld [smem:$0x3F9B];
	s0 =	simm.s32 @p1 $0x1  }
0x15: {  	[smem:$0x3FB8] =	sst s0;
	s0 =	simm.s32 @!p2 $0x0  }
0x16: {  	s3 =	sld [smem:$0x3FDB];
	s0 =	simm.s32 @p2 $0x1  }
0x17: {  	s4 =	simm.s32 $0x1BF5;
	[smem:$0x3FBA] =	sst s0  }
0x18: {  	s0 =	sld [smem:$0x3F9D];
	_ =	swait.ge [sflag:s4], $0x0  }
0x19: {  	s7 =	sld [smem:$0x3F9E]  }
0x1a: {  	s8 =	sadd.s32 $0xFFFFE003, lr  }
0x1b: {  	s9 =	sadd.s32 $0xFFFFFEF7, lr;
	s5 =	simm.s32 $0xFFFFFFFF;
	p2 =	slt.u32 s8, $0xFFFFF086  }
0x1c: {  	p1 =	slt.u32 s9, $0xF7A;
	s5 =	simm.s32 @!p2 $0x0  }
0x1d: {  	s5 =	simm.s32 @p1 $0x1;
	p0 =	seq.s32 s7, s2  }
0x1e: {  	s7 =	smul.u32 @!p0 $0xF7A, s2;
	p2 =	seq.s32 @!p0 s5, $0x0  }
0x1f: {  	s9 =	smul.u32 $0xF7A, s1;
	s8 =	simm.s32 @!p0 $0x1BF5;
	p2 =	por !p2, p0  }
0x20: {  	[sflag:s8] =	ssyncset.s32 @!p0 $0xFFFFF086;
	s6 =	sadd.s32 @!p0 s3, s7;
	s7 =	simm.s32 @!p0 $0x108  }
0x21: {  	s3 =	sadd.s32 s3, s9;
	s6 =	sadd.s32 @!p0 $0x88, s6;
	s7 =	simm.s32 @p2 $0x1082  }
0x22: {  	[simem:s7], [sflag:s8] =	dma.local @!p0 [hbm:s6], $0xF7A  }
0x23: {  	s9 =	sor.u32 $0xD0000000, s2;
	s6 =	simm.s32 $0x108;
	_ =	swait.ge @!p0 [sflag:s8], $0x0  }
0x24: {  	s3 =	sadd.s32 $0x88, s3;
	s6 =	simm.s32 @!p1 $0x1082;
	[sflag:s4] =	ssyncset.s32 $0xFFFFF086  }
0x25: {  	[simem:s6], [sflag:s4] =	dma.local [hbm:s3], $0xF7A  }
0x26: {  	[smem:$0x3F9E] =	sst s1;
	(tag) =	ssettag s2;
	_ =	strace s9  }
0x27: {  	s1 =	sld [smem:$0x3FAE]  }
0x28: {  	s2 =	sld [smem:$0x3FAF]  }
0x29: {  	s4 =	sld [smem:$0x3FB1]  }
0x2a: {  	p0 =	seq.s32 s5, $0x0;
	s5 =	sld [smem:$0x3FB2]  }
0x2b: {  	s6 =	sld [smem:$0x3FB3]  }
0x2c: {  	s7 =	sld [smem:$0x3FB4]  }
0x2d: {  	s3 =	simm.s32 $0x108;
	s8 =	sld [smem:$0x3FB5]  }
0x2e: {  	s3 =	simm.s32 @!p0 $0x1082;
	s9 =	sld [smem:$0x3FB6]  }
0x2f: {  	lr =	sadd.s32 s0, s3;
	s0 =	sld [smem:$0x3FAD]  }
0x30: {  	s3 =	sld [smem:$0x3FB0]  }
0x31: {  	[smem:$0x3FB9] =	sst s10  }
0x32: {  	s10 =	sld [smem:$0x3FB7];
	_ =	sdelay $0x3  }
0x33: {  	p0 =	seq.s32 s10, $0x1;
	s10 =	sld [smem:$0x3FB9];
	_ =	sdelay $0x3  }
0x34: {  	[smem:$0x3FB9] =	sst s10  }
0x35: {  	s10 =	sld [smem:$0x3FB8];
	_ =	sdelay $0x3  }
0x36: {  	p1 =	seq.s32 s10, $0x1;
	s10 =	sld [smem:$0x3FB9];
	_ =	sdelay $0x3  }
0x37: {  	[smem:$0x3FB9] =	sst s10  }
0x38: {  	s10 =	sld [smem:$0x3FBA]  }
0x39: {  	_ = 	snop;
	(pc) =	sbr.ind lr, $3  }
0x3a: {  	_ = 	snop  }
0x3b: {  	_ = 	snop  }
0x3c: {  	p2 =	seq.s32 s10, $0x1;
	s10 =	sld [smem:$0x3FB9]  }
0x3d: {  	_ =	shalt  }
0x3e: {  	_ =	shalt  }
0x3f: {  	_ =	shalt  }
0x40: {  	_ =	shalt  }
0x41: {  	_ =	shalt  }
0x42: {  	_ =	shalt  }
0x43: {  	_ =	shalt  }
0x44: {  	_ =	shalt  }
0x45: {  	_ =	shalt  }
0x46: {  	_ =	shalt  }
0x47: {  	_ =	shalt  }
0x48: {  	_ =	shalt  }
0x49: {  	_ =	shalt  }
0x4a: {  	_ =	shalt  }
0x4b: {  	_ =	shalt  }
0x4c: {  	_ =	shalt  }
0x4d: {  	_ =	shalt  }
0x4e: {  	_ =	shalt  }
0x4f: {  	_ =	shalt  }
0x50: {  	_ =	shalt  }
0x51: {  	_ =	shalt  }
0x52: {  	_ =	shalt  }
0x53: {  	_ =	shalt  }
0x54: {  	_ =	shalt  }
0x55: {  	_ =	shalt  }
0x56: {  	_ =	shalt  }
0x57: {  	_ =	shalt  }
0x58: {  	_ =	shalt  }
0x59: {  	_ =	shalt  }
0x5a: {  	_ =	shalt  }
0x5b: {  	_ =	shalt  }
0x5c: {  	_ =	shalt  }
0x5d: {  	_ =	shalt  }
0x5e: {  	_ =	shalt  }
0x5f: {  	_ =	shalt  }
0x60: {  	_ =	shalt  }
0x61: {  	_ =	shalt  }
0x62: {  	_ =	shalt  }
0x63: {  	_ =	shalt  }
0x64: {  	_ =	shalt  }
0x65: {  	_ =	shalt  }
0x66: {  	_ =	shalt  }
0x67: {  	_ =	shalt  }
0x68: {  	_ =	shalt  }
0x69: {  	_ =	shalt  }
0x6a: {  	_ =	shalt  }
0x6b: {  	_ =	shalt  }
0x6c: {  	_ =	shalt  }
0x6d: {  	_ =	shalt  }
0x6e: {  	_ =	shalt  }
0x6f: {  	_ =	shalt  }
0x70: {  	_ =	shalt  }
0x71: {  	_ =	shalt  }
0x72: {  	_ =	shalt  }
0x73: {  	_ =	shalt  }
0x74: {  	_ =	shalt  }
0x75: {  	_ =	shalt  }
0x76: {  	_ =	shalt  }
0x77: {  	_ =	shalt  }
0x78: {  	_ =	shalt  }
0x79: {  	_ =	shalt  }
0x7a: {  	_ =	shalt  }
0x7b: {  	_ =	shalt  }
0x7c: {  	_ =	shalt  }
0x7d: {  	_ =	shalt  }
0x7e: {  	_ =	shalt  }
0x7f: {  	_ =	shalt  }
0x80: {  	_ =	shalt  }
0x81: {  	_ =	shalt  }
0x82: {  	_ =	shalt  }
0x83: {  	_ =	shalt  }
0x84: {  	_ =	shalt  }
0x85: {  	_ =	shalt  }
0x86: {  	_ =	shalt  }
0x87: {  	_ =	shalt  }
.Lfunc_end0:
.L_simem_size_0:
called_computation_lowered:
.L_overlay_start_0:
0x88: {  	s2 =	sld [smem:$0x3FD9]  }
0x89: {  	s3 =	sld [smem:$0x3FFE];
	_ =	sdelay $0x1  }
0x8a: {  	s1 =	srdreg.scid  }
0x8b: {  	s0 =	sand.u32 $0x1, s1  }
0x8c: {  	s17 =	sshll.u32 s0, $0xA;
	s2 =	sadd.s32 s3, s2  }
0x8d: {  	s2 =	sadd.s32 s2, s17  }
0x8e: {  	[smem:$0x3FC5] =	sst s2  }
0x8f: {  	_ = 	snop  }
0x90: {  	s2 =	sld [smem:$0x3FC9]  }
0x91: {  	s18 =	sld [smem:$0x3FC8]  }
0x92: {  	s4 =	sld [smem:$0x3FC7];
	(tm) =	ssettm $0x1  }
0x93: {  	s5 =	sld [smem:$0x3FFB];
	_ =	sdelay $0x3  }
0x94: {  	_ =	strace s5  }
0x95: {  	s5 =	sld [smem:$0x3FFC];
	_ =	sdelay $0x3  }
0x96: {  	_ =	strace s5  }
0x97: {  	s5 =	sld [smem:$0x3FFD];
	_ =	sdelay $0x3  }
0x98: {  	_ =	strace s5  }
0x99: {  	_ =	strace $0x8FFFFFFF  }
0x9a: {  	s19 =	sld [smem:$0x3FDB];
	_ =	sdelay $0x1  }
0x9b: {  	s6 =	simm.s32 $_scs_section_size  }
0x9c: {  	s7 =	simm.s32 $_size__tile_overlayer_lowered;
	s8 =	simm.s32 $_tile_overlayer_lowered  }
0x9d: {  	s22 =	simm.s32 $0x1BFF;
	s21 =	sshll.u32 s8, $0x1;
	s5 =	sadd.s32 s6, s19  }
0x9e: {  	s9 =	simm.s32 $0x0;
	s20 =	sshll.u32 s7, $0x1;
	s7 =	sadd.s32 s21, s5  }
0x9f: {  	[timem:s9], [sflag:s22] =	dma.local [hbm:s7], s20  }
0xa0: {  	_ =	swait.ge [sflag:s22], s20  }
0xa1: {  	s6 =	ssub.s32 $0x0, s20;
	[sflag:s22] =	ssyncset.done $0x0  }
0xa2: {  	[sflag:s22] =	ssyncadd.s32 s6;
	_ =	sdelay $0x1  }
0xa3: {  	s23 =	simm.s32 $0x1B8B  }
0xa4: {  	_ =	swait.ge [sflag:s23], $0x1  }
0xa5: {  	[sflag:s23] =	ssyncset.done $0x0  }
0xa6: {  	s25 =	simm.s32 $0x1B8E;
	s24 =	sld [smem:$0x3FFE];
	[sflag:s23] =	ssyncadd.s32 $0xFFFFFFFF  }
0xa7: {  	s26 =	simm.s32 $execute0_lowered;
	[smem:$0x3FD2] =	sst s25  }
0xa8: {  	s7 =	sshll.u32 s26, $0x1;
	_ =	strace $0x80000046;
	[dreg:$0x1] =	wrdreg $0xFFFFFFFF  }
0xa9: {  	s28 =	simm.s32 $_size_execute0_lowered;
	s5 =	sadd.s32 s5, s7;
	[dreg:$0x0] =	wrdreg $0x0  }
0xaa: {  	s7 =	sshll.u32 s28, $0x1;
	[dreg:$0x2] =	wrdreg s5  }
0xab: {  	[dreg:$0x3] =	wrdreg s7  }
0xac: {  	[dreg:$0x4] =	wrdreg $0xC0  }
0xad: {  	_ =	task [dreg:s9], $0x5FFFF  }
0xae: {  	[dreg:$0x1] =	wrdreg $0xFFFFFFFF  }
0xaf: {  	[dreg:$0x0] =	wrdreg $0x60  }
0xb0: {  	[dreg:$0x2] =	wrdreg s2  }
0xb1: {  	[dreg:$0x3] =	wrdreg s18  }
0xb2: {  	[dreg:$0x4] =	wrdreg s4  }
0xb3: {  	[dreg:$0x5] =	wrdreg s24  }
0xb4: {  	[dreg:$0x6] =	wrdreg $0x9  }
0xb5: {  	_ =	task.clear_ibuf [dreg:s9], $0x7FFFF;
	_ =	strace $0x90000046  }
0xb6: {  	s29 =	simm.s32 $0x9;
	_ =	strace $0x80000048  }
0xb7: {  	_ =	swait.ge [sflag:s29], $0x1  }
0xb8: {  	[sflag:s29] =	ssyncadd.s32 $0xFFFFFFFF  }
0xb9: {  	_ =	strace $0x90000048  }
0xba: {  	_ =	sfence  }
0xbb: {  	s30 =	sld [smem:$0x0];
	_ =	sdelay $0x2  }
0xbc: {  	s31 =	sshll.u32 s1, $0xD;
	s1 =	sshrl.u32 s1, $0x2  }
0xbd: {  	s3 =	sand.u32 $0x4000, s31;
	s1 =	sadd.s32 s1, s30  }
0xbe: {  	s0 =	sor.u32 s3, s0;
	s1 =	sshll.u32 s1, $0x11  }
0xbf: {  	s0 =	sor.u32 s1, s0  }
0xc0: {  	s0 =	sadd.s32 $0x8F2B, s0  }
0xc1: {  	[sflag:s0] =	ssyncadd.remote.s32 $0x1  }
0xc2: {  	_ =	sfence.sel $0xFFFF  }
0xc3: {  	[dreg:$0x0] =	wrdreg $0xFFFFFFFF;
	(pc) =	sbr.abs _section_cstart, $3  }
0xc4: {  	[dreg:$0x1] =	wrdreg $0xFFFFFFFF  }
0xc5: {  	_ =	task.clear_ibuf [dreg:s9], $0x2FFFF;
	_ =	strace $0x9FFFFFFF  }
0xc6: {  	(tm) =	ssettm $0x7FFFFFFF  }
0xc7: {  	_ =	shalt  }
tec
execute0_lowered:
.L_overlay_start_1:
0x0: {  	(tag) =	ssettag $0x1  }
0x1: {  	s0 =	rddreg [dreg:$0x0]  }
0x2: {  	s1 =	rddreg [dreg:$0x1]  }
0x3: {  	s10 =	rddreg [dreg:$0x2];
	s2 =	srdreg.scid  }
0x4: {  	s5 =	stileid.u32;
	s3 =	rddreg [dreg:$0x3]  }
0x5: {  	s14 =	simm.s32 $0x2000;
	s15 =	simm.s32 $0x3000;
	s16 =	simm.s32 $0x4000  }
0x6: {  	s17 =	simm.s32 $0x5000;
	s18 =	simm.s32 $0x6000;
	s19 =	simm.s32 $0x7000  }
0x7: {  	s20 =	simm.s32 $0x1;
	s21 =	simm.s32 $0x2;
	s22 =	simm.s32 $0x8000  }
0x8: {  	s23 =	simm.s32 $0x3;
	s4 =	sand.u32 $0x1, s2;
	s5 =	sshll.u32 s5, $0x1  }
0x9: {  	s24 =	simm.s32 $0x0;
	s2 =	simm.s32 $0x0;
	s5 =	sor.u32 s4, s5  }
0xa: {  	[smem:$0x7FF] =	sst s2;
	s4 =	ssub.s32 $0x2, s4;
	s6 =	smul.u32 $0x6, s5  }
0xb: {  	_ =	strace $0x80000047;
	s7 =	sshrl.u32 s4, $0x1;
	s8 =	sshll.u32 s5, $0xA  }
0xc: {  	s12 =	ssub.s32 s4, s7;
	s0 =	sadd.s32 s8, s0;
	s31 =	sor.u32 $0x38000, s8  }
0xd: {  	s13 =	sor.u32 $0x38200, s8;
	s11 =	sadd.s32 s6, s3;
	s3 =	sadd.s32 $0x70000, s0  }
0xe: {  	s4 =	sadd.s32 $0x78000, s0;
	s5 =	sadd.s32 s1, s31;
	s6 =	sadd.s32 s10, s31  }
0xf: {  	s7 =	sadd.s32 $0x70200, s0;
	s8 =	sadd.s32 $0x78200, s0;
	s9 =	sadd.s32 s1, s13  }
0x10: {  	v0 =	vimm.f32 $1.000000000e+00;
	s10 =	sadd.s32 s10, s13;
	s12 =	smax.u32 s12, $0x1;
	s11 =	sadd.s32 $0x1200, s11  }
.LBB2_1:
0x11: {  	[tilespmem:s2], [sflag:$0x1] =	stream.linear.gather [hbm4b:s3+s2], $0x1000, $0x38;
	[tilespmem:$0x8080] =	vst v63  }
0x12: {  	s0 =	simm.s32 $0x1000  }
0x13: {  	[tilespmem:s0], [sflag:$0x1] =	stream.linear.gather [hbm4b:s4+s2], $0x1000, $0x38;
	[tilespmem:$0x8080] =	vst v63  }
0x14: {  	_ = 	snop  }
0x15: {  	[tilespmem:s14], [sflag:$0x1] =	stream.linear.gather [hbm4b:s5+s2], $0x1000, $0x38;
	[tilespmem:$0x8080] =	vst v63  }
0x16: {  	_ = 	snop  }
0x17: {  	[tilespmem:s15], [sflag:$0x1] =	stream.linear.gather [hbm4b:s6+s2], $0x1000, $0x38;
	[tilespmem:$0x8080] =	vst v63  }
0x18: {  	_ = 	snop  }
0x19: {  	[tilespmem:s16], [sflag:$0x2] =	stream.linear.gather [hbm4b:s7+s2], $0x1000, $0x38;
	[tilespmem:$0x8080] =	vst v63  }
0x1a: {  	_ = 	snop  }
0x1b: {  	[tilespmem:s17], [sflag:$0x2] =	stream.linear.gather [hbm4b:s8+s2], $0x1000, $0x38;
	[tilespmem:$0x8080] =	vst v63  }
0x1c: {  	_ = 	snop  }
0x1d: {  	[tilespmem:s18], [sflag:$0x2] =	stream.linear.gather [hbm4b:s9+s2], $0x1000, $0x38;
	[tilespmem:$0x8080] =	vst v63  }
0x1e: {  	_ = 	snop  }
0x1f: {  	[tilespmem:s19], [sflag:$0x2] =	stream.linear.gather [hbm4b:s10+s2], $0x1000, $0x38;
	[tilespmem:$0x8080] =	vst v63  }
0x20: {  	_ =	swait.ge [sflag:s20], $0x1000  }
0x21: {  	[sflag:s20] =	ssyncset.done $0x0  }
0x22: {  	[sflag:s20] =	ssyncadd.s32 $0xFFFFF000  }
0x23: {  	_ =	swait.ge [sflag:s20], $0x1000  }
0x24: {  	[sflag:s20] =	ssyncset.done $0x0  }
0x25: {  	[sflag:s20] =	ssyncadd.s32 $0xFFFFF000  }
0x26: {  	_ =	swait.ge [sflag:s20], $0x1000  }
0x27: {  	[sflag:s20] =	ssyncset.done $0x0  }
0x28: {  	[sflag:s20] =	ssyncadd.s32 $0xFFFFF000  }
0x29: {  	s25 =	simm.s32 $0x0;
	_ =	swait.ge [sflag:s20], $0x1000  }
0x2a: {  	s1 =	sand.u32 $0xC00, s2;
	s0 =	sand.u32 $0x380, s25;
	[sflag:s20] =	ssyncset.done $0x0  }
0x2b: {  	s25 =	sor.u32 s0, s1;
	[sflag:s20] =	ssyncadd.s32 $0xFFFFF000  }
0x2c: {  	v1 =	vld [tilespmem:s25+$0x50]  }
0x2d: {  	v2 =	vld [tilespmem:s25+$0x1050]  }
0x2e: {  	v3 =	vld [tilespmem:s25+$0x40]  }
0x2f: {  	v5 =	vld [tilespmem:s25+$0x1040]  }
0x30: {  	v6 =	vld [tilespmem:s25+$0x30]  }
0x31: {  	v7 =	vld [tilespmem:s25+$0x1030]  }
0x32: {  	v9 =	vld [tilespmem:s25+$0x20]  }
0x33: {  	v10 =	vld [tilespmem:s25+$0x1020]  }
0x34: {  	s26 =	sand.u32 $0x3, s2;
	v8 =	vld [tilespmem:s25+$0x10]  }
0x35: {  	s0 =	sshll.u32 s26, $0xA;
	v11 =	vld [tilespmem:s25+$0x1010]  }
0x36: {  	s0 =	sadd.s32 $0x0, s0;
	v15 =	vld [tilespmem:s25+$0x0]  }
0x37: {  	s26 =	sor.u32 $0x70, s0;
	v16 =	vld [tilespmem:s25+$0x1000]  }
0x38: {  	v17 =	vld [tilespmem:s26+$0x0]  }
0x39: {  	s28 =	sor.u32 $0x60, s0;
	v18 =	vld [tilespmem:s26+$0x1000]  }
0x3a: {  	v19 =	vld [tilespmem:s28+$0x0]  }
0x3b: {  	v20 =	vld [tilespmem:s28+$0x1000];
	_ =	sdelay $0x1  }
0x3c: {  	v4 =	vsub.f32 v1, v2;
	v13 =	vsub.f32 v3, v5  }
0x3d: {  	v12 =	vsub.f32 v6, v7;
	v8 =	vsub.f32 v8, v11  }
0x3e: {  	v1 =	vimm.f32 $0.0e+00;
	v14 =	vsub.f32 v9, v10;
	v9 =	vsub.f32 v15, v16  }
0x3f: {  	s29 =	simm.s32 $0xFFFFFC00;
	v5 =	vsub.f32 v17, v18;
	v11 =	vsub.f32 v19, v20;
	v2 =	vimm.f32 $0.0e+00  }
0x40: {  	s30 =	simm.s32 $0x400;
	s31 =	simm.s32 $0x0;
	s1 =	simm.s32 $0x0;
	v6 =	vld [tilespmem:s25+$0x2050];
	v3 =	vimm.f32 $0.0e+00;
	v7 =	vand.u32 $0x7FFFFFFF, v13;
	v10 =	vand.u32 $0x7FFFFFFF, v4  }
.LBB2_2:
0x41: {  	v15 =	vand.u32 $0x7FFFFFFF, v14  }
0x42: {  	p0 =	sne.s32 s30, $0x7C00;
	v16 =	vand.u32 $0x7FFFFFFF, v12;
	v17 =	vld [tilespmem:s25+$0x2040];
	v10 =	vsub.f32 $0.0e+00, v10;
	v18 =	vand.u32 $0x7FFFFFFF, v9  }
0x43: {  	s0 =	sand.u32 $0xC00, s30;
	v19 =	vand.u32 $0x7FFFFFFF, v8;
	v7 =	vsub.f32 $0.0e+00, v7;
	s29 =	sadd.s32 $0x20, s29;
	v22 =	vand.u32 $0x7FFFFFFF, v5;
	v20 =	vld [tilespmem:s25+$0x2030]  }
0x44: {  	s13 =	sadd.s32 $0x400, s29;
	v16 =	vsub.f32 $0.0e+00, v16;
	v24 =	vand.u32 $0x7FFFFFFF, v11;
	v21 =	vld [tilespmem:s25+$0x2020];
	v10 =	vmul.f32 $1.442695020e+00, v10  }
0x45: {  	v15 =	vsub.f32 $0.0e+00, v15;
	s13 =	sand.u32 $0x380, s13;
	v7 =	vmul.f32 $1.442695020e+00, v7;
	v23 =	vld [tilespmem:s25+$0x2010]  }
0x46: {  	v19 =	vsub.f32 $0.0e+00, v19;
	s0 =	sor.u32 s13, s0;
	v16 =	vmul.f32 $1.442695020e+00, v16;
	v25 =	vld [tilespmem:s25+$0x2000];
	(erf) = vpow2.f32 v10  }
0x47: {  	v18 =	vsub.f32 $0.0e+00, v18;
	v15 =	vmul.f32 $1.442695020e+00, v15;
	v10 =	vld [tilespmem:s0+$0x50];
	(erf) = vpow2.f32 v7  }
0x48: {  	v22 =	vsub.f32 $0.0e+00, v22;
	v19 =	vmul.f32 $1.442695020e+00, v19;
	v7 =	vld [tilespmem:s0+$0x1050];
	(erf) = vpow2.f32 v16  }
0x49: {  	v16 =	vmul.f32 $1.442695020e+00, v18;
	v18 =	vsub.f32 $0.0e+00, v24;
	v24 =	vld [tilespmem:s26+$0x2000];
	(erf) = vpow2.f32 v15  }
0x4a: {  	v22 =	vmul.f32 $1.442695020e+00, v22;
	v15 =	vld [tilespmem:s28+$0x2000];
	(erf) = vpow2.f32 v19  }
0x4b: {  	vm1 =	veq.s32 v6, $0x0;
	v6 =	vmul.f32 $1.442695020e+00, v18;
	(erf) = vpow2.f32 v16  }
0x4c: {  	vm7 =	veq.s32 v17, $0x0;
	vm3 =	veq.s32 v20, $0x0;
	(erf) = vpow2.f32 v22  }
0x4d: {  	vm6 =	veq.s32 v21, $0x0;
	vm5 =	veq.s32 v23, $0x0;
	(erf) = vpow2.f32 v6  }
0x4e: {  	vm4 =	veq.s32 v25, $0x0;
	v17 =	vsub.f32 v10, v7;
	vm0 =	veq.s32 v24, $0x0  }
0x4f: {  	v7 =	vsel vm3, $0x0, v0;
	v6 =	vsel vm7, $0x0, v0;
	vm2 =	veq.s32 v15, $0x0;
	v18 =	vpop (erf)  }
0x50: {  	v10 =	vsel vm6, $0x0, v0;
	v15 =	vsel vm5, $0x0, v0;
	v19 =	vadd.f32 $2.000000000e+00, v18;
	v20 =	vpop (erf)  }
0x51: {  	v16 =	vsel vm4, $0x0, v0;
	v22 =	vmax.f32 v4, $0.0e+00;
	v21 =	vadd.f32 $2.000000000e+00, v20;
	v23 =	vpop (erf)  }
0x52: {  	v25 =	vmax.f32 v13, $0.0e+00;
	v24 =	vadd.f32 $2.000000000e+00, v23;
	v26 =	vpop (erf);
	(erf) = vrcp.f32 v19  }
0x53: {  	v27 =	vsub.f32 $0.0e+00, v4;
	v30 =	vadd.f32 $2.000000000e+00, v26;
	v28 =	vpop (erf);
	(erf) = vrcp.f32 v21  }
0x54: {  	v21 =	vmax.f32 v12, $0.0e+00;
	v34 =	vadd.f32 $2.000000000e+00, v28;
	v29 =	vpop (erf);
	(erf) = vrcp.f32 v24  }
0x55: {  	v13 =	vsub.f32 $0.0e+00, v13;
	v24 =	vadd.f32 $2.000000000e+00, v29;
	(erf) = vrcp.f32 v30;
	v19 =	vpop (erf)  }
0x56: {  	v30 =	vmax.f32 v14, $0.0e+00;
	v31 =	vadd.f32 $2.000000000e+00, v19;
	(erf) = vrcp.f32 v34;
	v32 =	vpop (erf)  }
0x57: {  	v4 =	vmovc v17;
	v12 =	vsub.f32 $0.0e+00, v12;
	v33 =	vadd.f32 $2.000000000e+00, v32;
	(erf) = vrcp.f32 v24  }
0x58: {  	v17 =	vmax.f32 v8, $0.0e+00;
	v14 =	vsub.f32 $0.0e+00, v14;
	(erf) = vrcp.f32 v31  }
0x59: {  	v8 =	vsub.f32 $0.0e+00, v8;
	v24 =	vmax.f32 v9, $0.0e+00;
	(erf) = vrcp.f32 v33  }
0x5a: {  	v9 =	vsub.f32 $0.0e+00, v9;
	v31 =	vmax.f32 v11, $0.0e+00;
	v33 =	vmax.f32 v5, $0.0e+00  }
0x5b: {  	v27 =	vmax.f32 v27, $0.0e+00;
	v34 =	vsub.f32 $0.0e+00, v11;
	v5 =	vsub.f32 $0.0e+00, v5;
	v35 =	vpop (erf)  }
0x5c: {  	v12 =	vmax.f32 v12, $0.0e+00;
	v14 =	vmax.f32 v14, $0.0e+00;
	v11 =	vmax.f32 v13, $0.0e+00;
	v13 =	vpop (erf)  }
0x5d: {  	v36 =	vmax.f32 v8, $0.0e+00;
	v9 =	vmax.f32 v9, $0.0e+00;
	v5 =	vmax.f32 v5, $0.0e+00;
	v37 =	vpop (erf)  }
0x5e: {  	v8 =	vsel vm1, v27, v22;
	v22 =	vmax.f32 v34, $0.0e+00;
	v11 =	vsel vm7, v11, v25;
	v25 =	vpop (erf)  }
0x5f: {  	v17 =	vsel vm5, v36, v17;
	v12 =	vsel vm3, v12, v21;
	v14 =	vsel vm6, v14, v30;
	v21 =	vpop (erf)  }
0x60: {  	v24 =	vsel vm4, v9, v24;
	v18 =	vmul.f32 v35, v18;
	v13 =	vmul.f32 v13, v20;
	v9 =	vpop (erf)  }
0x61: {  	v5 =	vsel vm0, v5, v33;
	v23 =	vmul.f32 v37, v23;
	v20 =	vmul.f32 v25, v26;
	v25 =	vpop (erf)  }
0x62: {  	v21 =	vmul.f32 v21, v28;
	v26 =	vmul.f32 v9, v29;
	v9 =	vsel vm2, v22, v31;
	v22 =	vpop (erf)  }
0x63: {  	v27 =	vadd.f32 v18, v18;
	v19 =	vmul.f32 v25, v19;
	v22 =	vmul.f32 v22, v32  }
0x64: {  	v18 =	vmul.f32 v18, v18;
	v25 =	vmul.f32 v13, v13;
	v13 =	vadd.f32 v13, v13  }
0x65: {  	v28 =	vmul.f32 v20, v20;
	v29 =	vmul.f32 v23, v23;
	v23 =	vadd.f32 v23, v23  }
0x66: {  	v20 =	vadd.f32 v20, v20;
	v31 =	vmul.f32 v21, v21;
	v30 =	vmul.f32 v26, v26  }
0x67: {  	v21 =	vadd.f32 v21, v21;
	v33 =	vmul.f32 v19, v19;
	v32 =	vmul.f32 v22, v22  }
0x68: {  	v35 =	vmul.f32 $1.428571490e-01, v18;
	v26 =	vadd.f32 v26, v26;
	v34 =	vmul.f32 $1.428571490e-01, v25  }
0x69: {  	v36 =	vmul.f32 $1.428571490e-01, v28;
	v37 =	vmul.f32 $1.428571490e-01, v29;
	v19 =	vadd.f32 v19, v19  }
0x6a: {  	v39 =	vmul.f32 $1.428571490e-01, v31;
	v38 =	vmul.f32 $1.428571490e-01, v30;
	v22 =	vadd.f32 v22, v22  }
0x6b: {  	v35 =	vadd.f32 $2.000000030e-01, v35;
	v34 =	vadd.f32 $2.000000030e-01, v34;
	v40 =	vmul.f32 $1.428571490e-01, v33  }
0x6c: {  	v37 =	vadd.f32 $2.000000030e-01, v37;
	v38 =	vadd.f32 $2.000000030e-01, v38;
	v41 =	vmul.f32 $1.428571490e-01, v32  }
0x6d: {  	v35 =	vmul.f32 v35, v18;
	v36 =	vadd.f32 $2.000000030e-01, v36;
	v39 =	vadd.f32 $2.000000030e-01, v39  }
0x6e: {  	v34 =	vmul.f32 v34, v25;
	v40 =	vadd.f32 $2.000000030e-01, v40;
	v38 =	vmul.f32 v38, v30  }
0x6f: {  	v36 =	vmul.f32 v36, v28;
	v37 =	vmul.f32 v37, v29;
	v41 =	vadd.f32 $2.000000030e-01, v41  }
0x70: {  	v39 =	vmul.f32 v39, v31;
	v40 =	vmul.f32 v40, v33;
	v38 =	vadd.f32 $3.333333430e-01, v38  }
0x71: {  	v35 =	vadd.f32 $3.333333430e-01, v35;
	v34 =	vadd.f32 $3.333333430e-01, v34;
	v41 =	vmul.f32 v41, v32  }
0x72: {  	v37 =	vadd.f32 $3.333333430e-01, v37;
	v30 =	vmul.f32 v38, v30;
	v38 =	vadd.f32 $3.333333430e-01, v39  }
0x73: {  	v18 =	vmul.f32 v35, v18;
	v36 =	vadd.f32 $3.333333430e-01, v36;
	v35 =	vadd.f32 $3.333333430e-01, v40;
	v39 =	vld [tilespmem:s25+$0x3050]  }
0x74: {  	v25 =	vmul.f32 v34, v25;
	v30 =	vadd.f32 $1.000000000e+00, v30;
	v31 =	vmul.f32 v38, v31;
	v38 =	vld [tilespmem:s25+$0x3040]  }
0x75: {  	v28 =	vmul.f32 v36, v28;
	v29 =	vmul.f32 v37, v29;
	v36 =	vadd.f32 $3.333333430e-01, v41;
	v34 =	vld [tilespmem:s25+$0x3000]  }
0x76: {  	v33 =	vmul.f32 v35, v33;
	v26 =	vmul.f32 v30, v26;
	v30 =	vadd.f32 $1.000000000e+00, v31;
	v31 =	vld [tilespmem:s25+$0x3030]  }
0x77: {  	v18 =	vadd.f32 $1.000000000e+00, v18;
	v28 =	vadd.f32 $1.000000000e+00, v28;
	v32 =	vmul.f32 v36, v32;
	v35 =	vld [tilespmem:s25+$0x3010]  }
0x78: {  	v25 =	vadd.f32 $1.000000000e+00, v25;
	v24 =	vadd.f32 v26, v24;
	v21 =	vmul.f32 v30, v21;
	v26 =	vld [tilespmem:s25+$0x3020];
	s25 =	smov.u32 s0  }
0x79: {  	v20 =	vmul.f32 v28, v20;
	v28 =	vadd.f32 $1.000000000e+00, v29;
	v29 =	vadd.f32 $1.000000000e+00, v33;
	v30 =	vld [tilespmem:s25+$0x40]  }
0x7a: {  	v17 =	vadd.f32 v21, v17;
	v21 =	vadd.f32 $1.000000000e+00, v32;
	v33 =	vld [tilespmem:s25+$0x1040];
	v34 =	vmul.f32 v24, v34  }
0x7b: {  	v14 =	vadd.f32 v20, v14;
	v20 =	vmul.f32 v28, v23;
	v1 =	vadd.f32 v24, v1;
	v32 =	vld [tilespmem:s25+$0x30]  }
0x7c: {  	v3 =	vadd.f32 v16, v3;
	v23 =	vld [tilespmem:s25+$0x1030];
	v2 =	vadd.f32 v34, v2;
	v16 =	vmul.f32 v17, v35  }
0x7d: {  	v13 =	vmul.f32 v25, v13;
	v12 =	vadd.f32 v20, v12;
	v1 =	vadd.f32 v17, v1;
	v24 =	vld [tilespmem:s25+$0x20]  }
0x7e: {  	v3 =	vadd.f32 v15, v3;
	v15 =	vmul.f32 v14, v26;
	v17 =	vld [tilespmem:s25+$0x1020];
	v2 =	vadd.f32 v16, v2  }
0x7f: {  	v11 =	vadd.f32 v13, v11;
	v13 =	vmul.f32 v18, v27;
	v1 =	vadd.f32 v14, v1;
	v16 =	vld [tilespmem:s25+$0x10]  }
0x80: {  	s31 =	sadd.s32 $0x1, s31;
	v3 =	vadd.f32 v10, v3;
	v10 =	vmul.f32 v12, v31;
	v14 =	vld [tilespmem:s25+$0x1010];
	v2 =	vadd.f32 v15, v2  }
0x81: {  	v8 =	vadd.f32 v13, v8;
	v13 =	vmul.f32 v21, v22;
	s0 =	sand.u32 $0x3, s31;
	v1 =	vadd.f32 v12, v1;
	v12 =	vld [tilespmem:s28+$0x3000]  }
0x82: {  	s1 =	sadd.s32 $0x20, s1;
	v3 =	vadd.f32 v7, v3;
	s0 =	sshll.u32 s0, $0xA;
	v7 =	vmul.f32 v11, v38;
	v15 =	vld [tilespmem:s25+$0x0];
	v2 =	vadd.f32 v10, v2  }
0x83: {  	v9 =	vadd.f32 v13, v9;
	s0 =	sadd.s32 s0, s1;
	v1 =	vadd.f32 v11, v1;
	v11 =	vmul.f32 v29, v19;
	v10 =	vld [tilespmem:s26+$0x3000]  }
0x84: {  	v3 =	vadd.f32 v6, v3;
	v6 =	vmul.f32 v8, v39;
	s26 =	sor.u32 $0x70, s0;
	v18 =	vld [tilespmem:s25+$0x1000];
	v2 =	vadd.f32 v7, v2  }
0x85: {  	v1 =	vadd.f32 v8, v1;
	v8 =	vsel vm1, $0x0, v0;
	v5 =	vadd.f32 v11, v5;
	v7 =	vld [tilespmem:s26+$0x0]  }
0x86: {  	v3 =	vadd.f32 v8, v3;
	s28 =	sor.u32 $0x60, s0;
	v11 =	vld [tilespmem:s26+$0x1000];
	v2 =	vadd.f32 v6, v2;
	v6 =	vmul.f32 v9, v12  }
0x87: {  	v13 =	vsub.f32 v30, v33;
	v8 =	vsel vm2, $0x0, v0;
	v1 =	vadd.f32 v9, v1;
	v19 =	vld [tilespmem:s28+$0x0]  }
0x88: {  	v3 =	vadd.f32 v8, v3;
	v20 =	vld [tilespmem:s28+$0x1000];
	v2 =	vadd.f32 v6, v2;
	v6 =	vmul.f32 v5, v10  }
.Ltmp0:
0x89: {  	v1 =	vadd.f32 v5, v1;
	v12 =	vsub.f32 v32, v23;
	v5 =	vsel vm0, $0x0, v0;
	(pc) =	sbr.rel @p0 .LBB2_2-.Ltmp0, $4  }
0x8a: {  	v3 =	vadd.f32 v5, v3;
	v2 =	vadd.f32 v6, v2  }
0x8b: {  	v8 =	vsub.f32 v16, v14;
	v14 =	vsub.f32 v24, v17  }
0x8c: {  	v9 =	vsub.f32 v15, v18;
	v5 =	vsub.f32 v7, v11  }
0x8d: {  	s30 =	sadd.s32 $0x400, s30;
	v10 =	vand.u32 $0x7FFFFFFF, v4;
	v7 =	vand.u32 $0x7FFFFFFF, v13;
	v6 =	vld [tilespmem:s25+$0x2050];
	v11 =	vsub.f32 v19, v20  }
0x8e: {  	v15 =	vand.u32 $0x7FFFFFFF, v14  }
0x8f: {  	v16 =	vand.u32 $0x7FFFFFFF, v12;
	v10 =	vsub.f32 $0.0e+00, v10;
	v17 =	vand.u32 $0x7FFFFFFF, v9  }
0x90: {  	v18 =	vand.u32 $0x7FFFFFFF, v8;
	v7 =	vsub.f32 $0.0e+00, v7;
	v19 =	vand.u32 $0x7FFFFFFF, v5  }
0x91: {  	v51 =	vmax.f32 v14, $0.0e+00;
	v53 =	vmax.f32 v8, $0.0e+00;
	v14 =	vsub.f32 $0.0e+00, v14  }
0x92: {  	v54 =	vmax.f32 v9, $0.0e+00;
	v16 =	vsub.f32 $0.0e+00, v16;
	v10 =	vmul.f32 $1.442695020e+00, v10  }
0x93: {  	v15 =	vsub.f32 $0.0e+00, v15;
	v20 =	vand.u32 $0x7FFFFFFF, v11;
	v7 =	vmul.f32 $1.442695020e+00, v7  }
0x94: {  	v18 =	vsub.f32 $0.0e+00, v18;
	v16 =	vmul.f32 $1.442695020e+00, v16;
	(erf) = vpow2.f32 v10  }
0x95: {  	v44 =	vld [tilespmem:s25+$0x2020];
	v15 =	vmul.f32 $1.442695020e+00, v15;
	v10 =	vsub.f32 $0.0e+00, v17;
	(erf) = vpow2.f32 v7  }
0x96: {  	v21 =	vld [tilespmem:s25+$0x2010];
	v40 =	vsub.f32 $0.0e+00, v19;
	v7 =	vmul.f32 $1.442695020e+00, v18;
	(erf) = vpow2.f32 v16  }
0x97: {  	v47 =	vld [tilespmem:s25+$0x2000];
	v41 =	vsub.f32 $0.0e+00, v20;
	v10 =	vmul.f32 $1.442695020e+00, v10;
	(erf) = vpow2.f32 v15  }
0x98: {  	v48 =	vld [tilespmem:s28+$0x2000];
	v8 =	vsub.f32 $0.0e+00, v8;
	v15 =	vmul.f32 $1.442695020e+00, v40;
	(erf) = vpow2.f32 v7  }
0x99: {  	v9 =	vsub.f32 $0.0e+00, v9;
	v34 =	vld [tilespmem:s26+$0x2000];
	v7 =	vmul.f32 $1.442695020e+00, v41;
	(erf) = vpow2.f32 v10  }
0x9a: {  	v28 =	vmax.f32 v11, $0.0e+00;
	v11 =	vsub.f32 $0.0e+00, v11;
	(erf) = vpow2.f32 v15  }
0x9b: {  	v14 =	vmax.f32 v14, $0.0e+00;
	(erf) = vpow2.f32 v7  }
0x9c: {  	v9 =	vmax.f32 v9, $0.0e+00;
	v8 =	vmax.f32 v8, $0.0e+00;
	v11 =	vmax.f32 v11, $0.0e+00  }
0x9d: {  	vm0 =	veq.s32 v6, $0x0;
	vm6 =	veq.s32 v21, $0x0;
	vm4 =	veq.s32 v44, $0x0;
	v10 =	vpop (erf)  }
0x9e: {  	vm2 =	veq.s32 v47, $0x0;
	vm1 =	veq.s32 v48, $0x0;
	vm7 =	veq.s32 v34, $0x0;
	v15 =	vld [tilespmem:s25+$0x2030];
	v43 =	vpop (erf)  }
0x9f: {  	v8 =	vsel vm6, v8, v53;
	v14 =	vsel vm4, v14, v51;
	v7 =	vld [tilespmem:s25+$0x2040];
	v42 =	vadd.f32 $2.000000000e+00, v10;
	v46 =	vpop (erf)  }
0xa0: {  	v9 =	vsel vm2, v9, v54;
	v51 =	vsel vm6, $0x0, v0;
	v45 =	vadd.f32 $2.000000000e+00, v43;
	v23 =	vpop (erf)  }
0xa1: {  	v53 =	vsel vm2, $0x0, v0;
	v22 =	vadd.f32 $2.000000000e+00, v46;
	(erf) = vrcp.f32 v42;
	v25 =	vpop (erf)  }
0xa2: {  	v3 =	vadd.f32 v53, v3;
	v24 =	vadd.f32 $2.000000000e+00, v23;
	(erf) = vrcp.f32 v45;
	v26 =	vpop (erf)  }
0xa3: {  	vm3 =	veq.s32 v15, $0x0;
	v6 =	vadd.f32 $2.000000000e+00, v25;
	(erf) = vrcp.f32 v22;
	v49 =	vpop (erf)  }
0xa4: {  	vm5 =	veq.s32 v7, $0x0;
	v15 =	vadd.f32 $2.000000000e+00, v26;
	(erf) = vrcp.f32 v24;
	v50 =	vpop (erf)  }
0xa5: {  	v7 =	vadd.f32 $2.000000000e+00, v49;
	(erf) = vrcp.f32 v6;
	v6 =	vadd.f32 $2.000000000e+00, v50  }
0xa6: {  	(erf) = vrcp.f32 v15;
	v15 =	vmax.f32 v12, $0.0e+00;
	v12 =	vsub.f32 $0.0e+00, v12  }
0xa7: {  	(erf) = vrcp.f32 v7;
	v7 =	vmax.f32 v4, $0.0e+00;
	v4 =	vsub.f32 $0.0e+00, v4  }
0xa8: {  	(erf) = vrcp.f32 v6;
	v6 =	vmax.f32 v13, $0.0e+00;
	v13 =	vsub.f32 $0.0e+00, v13  }
0xa9: {  	v3 =	vadd.f32 v51, v3;
	v48 =	vsel vm3, $0x0, v0;
	v12 =	vmax.f32 v12, $0.0e+00  }
0xaa: {  	v4 =	vmax.f32 v4, $0.0e+00;
	v12 =	vsel vm3, v12, v15;
	v52 =	vpop (erf);
	v13 =	vmax.f32 v13, $0.0e+00  }
0xab: {  	v4 =	vsel vm0, v4, v7;
	v27 =	vpop (erf);
	v10 =	vmul.f32 v52, v10;
	v52 =	vsel vm4, $0x0, v0  }
0xac: {  	v6 =	vsel vm5, v13, v6;
	v29 =	vpop (erf);
	v17 =	vmul.f32 v27, v43;
	v3 =	vadd.f32 v52, v3  }
0xad: {  	v30 =	vpop (erf);
	v20 =	vmul.f32 v29, v46;
	v58 =	vmul.f32 v10, v10;
	v10 =	vadd.f32 v10, v10  }
0xae: {  	v31 =	vpop (erf);
	v13 =	vmul.f32 v30, v23;
	v57 =	vmul.f32 v17, v17;
	v17 =	vadd.f32 v17, v17  }
0xaf: {  	v3 =	vadd.f32 v48, v3;
	v55 =	vpop (erf);
	v25 =	vmul.f32 v31, v25;
	v60 =	vmul.f32 v20, v20  }
0xb0: {  	v39 =	vmul.f32 $1.428571490e-01, v58;
	v20 =	vadd.f32 v20, v20;
	v56 =	vpop (erf);
	v18 =	vmul.f32 v55, v26  }
0xb1: {  	v59 =	vmul.f32 v13, v13;
	v13 =	vadd.f32 v13, v13;
	v22 =	vmul.f32 v56, v49  }
0xb2: {  	v7 =	vpop (erf);
	v61 =	vmul.f32 v25, v25;
	v32 =	vmul.f32 $1.428571490e-01, v60;
	v49 =	vsel vm5, $0x0, v0  }
0xb3: {  	v25 =	vadd.f32 v25, v25;
	v24 =	vmul.f32 v7, v50;
	v15 =	vmul.f32 v18, v18  }
0xb4: {  	v37 =	vld [tilespmem:s25+$0x3050];
	v7 =	vsel vm1, v11, v28;
	v11 =	vmul.f32 $1.428571490e-01, v57;
	v18 =	vadd.f32 v18, v18  }
0xb5: {  	v38 =	vld [tilespmem:s25+$0x3040];
	v40 =	vmul.f32 $1.428571490e-01, v59;
	v28 =	vadd.f32 $2.000000030e-01, v39;
	v50 =	vsub.f32 $0.0e+00, v5  }
0xb6: {  	v44 =	vld [tilespmem:s28+$0x3000];
	v5 =	vmax.f32 v5, $0.0e+00;
	v3 =	vadd.f32 v49, v3;
	v41 =	vmul.f32 $1.428571490e-01, v15  }
0xb7: {  	v45 =	vld [tilespmem:s26+$0x3000];
	v63 =	vmul.f32 v22, v22;
	v33 =	vmul.f32 $1.428571490e-01, v61;
	v32 =	vadd.f32 $2.000000030e-01, v32  }
0xb8: {  	v43 =	vld [tilespmem:s25+$0x3020];
	v22 =	vadd.f32 v22, v22;
	v62 =	vmul.f32 v24, v24;
	v31 =	vadd.f32 $2.000000030e-01, v41  }
0xb9: {  	v39 =	vld [tilespmem:s25+$0x3000];
	v11 =	vadd.f32 $2.000000030e-01, v11;
	v30 =	vadd.f32 $2.000000030e-01, v40;
	v28 =	vmul.f32 v28, v58  }
0xba: {  	v40 =	vld [tilespmem:s25+$0x3030];
	v35 =	vmul.f32 $1.428571490e-01, v63;
	v33 =	vadd.f32 $2.000000030e-01, v33;
	v31 =	vmul.f32 v31, v15  }
0xbb: {  	v24 =	vadd.f32 v24, v24;
	v32 =	vmul.f32 v32, v60;
	v36 =	vmul.f32 $1.428571490e-01, v62;
	v41 =	vld [tilespmem:s25+$0x3010];
	_ =	swait.ge [sflag:s21], $0x1000  }
0xbc: {  	v11 =	vmul.f32 v11, v57;
	v33 =	vmul.f32 v33, v61;
	[sflag:s21] =	ssyncset.done $0x0;
	v31 =	vadd.f32 $3.333333430e-01, v31  }
0xbd: {  	v30 =	vmul.f32 v30, v59;
	v28 =	vadd.f32 $3.333333430e-01, v28;
	v35 =	vadd.f32 $2.000000030e-01, v35;
	[sflag:s21] =	ssyncadd.s32 $0xFFFFF000  }
0xbe: {  	v32 =	vadd.f32 $3.333333430e-01, v32;
	v42 =	vadd.f32 $3.333333430e-01, v33;
	_ =	swait.ge [sflag:s21], $0x1000;
	v15 =	vmul.f32 v31, v15  }
0xbf: {  	v36 =	vadd.f32 $2.000000030e-01, v36;
	v30 =	vadd.f32 $3.333333430e-01, v30;
	v23 =	vmul.f32 v28, v58;
	[sflag:s21] =	ssyncset.done $0x0  }
0xc0: {  	v35 =	vmul.f32 v35, v63;
	v27 =	vmul.f32 v42, v61;
	[sflag:s21] =	ssyncadd.s32 $0xFFFFF000;
	v15 =	vadd.f32 $1.000000000e+00, v15  }
0xc1: {  	v11 =	vadd.f32 $3.333333430e-01, v11;
	v26 =	vmul.f32 v32, v60;
	v16 =	vmul.f32 v30, v59;
	_ =	swait.ge [sflag:s21], $0x1000  }
0xc2: {  	v36 =	vmul.f32 v36, v62;
	v27 =	vadd.f32 $1.000000000e+00, v27;
	[sflag:s21] =	ssyncset.done $0x0;
	v15 =	vmul.f32 v15, v18  }
0xc3: {  	v11 =	vmul.f32 v11, v57;
	v23 =	vadd.f32 $1.000000000e+00, v23;
	v16 =	vadd.f32 $1.000000000e+00, v16;
	[sflag:s21] =	ssyncadd.s32 $0xFFFFF000  }
0xc4: {  	s29 =	simm.s32 $0x0;
	s0 =	simm.s32 $0x0;
	v46 =	vadd.f32 $3.333333430e-01, v35;
	_ =	swait.ge [sflag:s21], $0x1000;
	v9 =	vadd.f32 v15, v9;
	v15 =	vmul.f32 v27, v25  }
0xc5: {  	s1 =	sand.u32 $0xC00, s29;
	s0 =	sand.u32 $0x380, s0;
	v54 =	vadd.f32 $1.000000000e+00, v26;
	v11 =	vadd.f32 $1.000000000e+00, v11;
	v13 =	vmul.f32 v16, v13;
	[sflag:s21] =	ssyncset.done $0x0  }
0xc6: {  	s25 =	sor.u32 s0, s1;
	v47 =	vadd.f32 $3.333333430e-01, v36;
	[sflag:s21] =	ssyncadd.s32 $0xFFFFF000;
	v55 =	vmul.f32 v9, v39;
	v8 =	vadd.f32 v15, v8  }
0xc7: {  	s26 =	sand.u32 $0x3, s29;
	v11 =	vmul.f32 v11, v17;
	v57 =	vld [tilespmem:s25+$0x5050];
	v1 =	vadd.f32 v9, v1;
	v9 =	vadd.f32 v13, v14  }
0xc8: {  	s0 =	sshll.u32 s26, $0xA;
	v58 =	vld [tilespmem:s25+$0x5040];
	v13 =	vmul.f32 v54, v20;
	v2 =	vadd.f32 v55, v2;
	v56 =	vmul.f32 v8, v41  }
0xc9: {  	s0 =	sadd.s32 $0x0, s0;
	v18 =	vmul.f32 v47, v62;
	v6 =	vadd.f32 v11, v6;
	v59 =	vld [tilespmem:s25+$0x5010];
	v1 =	vadd.f32 v8, v1  }
0xca: {  	s26 =	sor.u32 $0x70, s0;
	v60 =	vld [tilespmem:s25+$0x4000];
	v8 =	vadd.f32 v13, v12;
	v13 =	vmul.f32 v9, v43;
	v2 =	vadd.f32 v56, v2  }
0xcb: {  	s28 =	sor.u32 $0x60, s0;
	v19 =	vmul.f32 v46, v63;
	v61 =	vld [tilespmem:s26+$0x5000];
	v15 =	vadd.f32 $1.000000000e+00, v18;
	v1 =	vadd.f32 v9, v1  }
0xcc: {  	v62 =	vld [tilespmem:s28+$0x4000];
	v9 =	vmul.f32 v23, v10;
	v11 =	vmul.f32 v8, v40;
	v2 =	vadd.f32 v13, v2  }
0xcd: {  	v19 =	vadd.f32 $1.000000000e+00, v19;
	v63 =	vld [tilespmem:s28+$0x5000];
	v1 =	vadd.f32 v8, v1;
	v8 =	vmul.f32 v15, v24  }
0xce: {  	v14 =	vld [tilespmem:s25+$0x4050];
	v4 =	vadd.f32 v9, v4;
	v2 =	vadd.f32 v11, v2;
	v11 =	vmul.f32 v6, v38  }
0xcf: {  	v21 =	vmax.f32 v50, $0.0e+00;
	v12 =	vld [tilespmem:s25+$0x4040];
	v1 =	vadd.f32 v6, v1;
	v6 =	vadd.f32 v8, v7  }
0xd0: {  	v10 =	vld [tilespmem:s25+$0x4030];
	v8 =	vmul.f32 v19, v22;
	v2 =	vadd.f32 v11, v2;
	v11 =	vmul.f32 v4, v37  }
0xd1: {  	v5 =	vsel vm7, v21, v5;
	v13 =	vld [tilespmem:s25+$0x5030];
	v1 =	vadd.f32 v4, v1;
	v4 =	vsel vm0, $0x0, v0  }
0xd2: {  	v9 =	vld [tilespmem:s25+$0x4020];
	v5 =	vadd.f32 v8, v5;
	v8 =	vmul.f32 v6, v44;
	v2 =	vadd.f32 v11, v2  }
0xd3: {  	v15 =	vld [tilespmem:s25+$0x5020];
	v3 =	vadd.f32 v4, v3;
	v4 =	vsel vm1, $0x0, v0  }
0xd4: {  	v7 =	vld [tilespmem:s25+$0x4010];
	v1 =	vadd.f32 v6, v1;
	v2 =	vadd.f32 v8, v2;
	v8 =	vmul.f32 v5, v45  }
0xd5: {  	v11 =	vld [tilespmem:s25+$0x5000];
	v4 =	vadd.f32 v4, v3  }
0xd6: {  	v6 =	vld [tilespmem:s26+$0x4000];
	v3 =	vadd.f32 v5, v1;
	v5 =	vsel vm7, $0x0, v0;
	v1 =	vadd.f32 v8, v2  }
0xd7: {  	v2 =	vadd.f32 v5, v4;
	v4 =	vsub.f32 v14, v57  }
0xd8: {  	v14 =	vsub.f32 v12, v58;
	v12 =	vsub.f32 v10, v13  }
0xd9: {  	v8 =	vsub.f32 v7, v59;
	v13 =	vsub.f32 v9, v15  }
0xda: {  	v10 =	vsub.f32 v62, v63;
	v9 =	vsub.f32 v60, v11  }
0xdb: {  	s30 =	simm.s32 $0xFFFFFC00;
	s31 =	simm.s32 $0x400;
	s1 =	simm.s32 $0x0;
	v5 =	vld [tilespmem:s25+$0x6050];
	v7 =	vsub.f32 v6, v61;
	v6 =	vand.u32 $0x7FFFFFFF, v14;
	v11 =	vand.u32 $0x7FFFFFFF, v4  }
.LBB2_4:
0xdc: {  	v15 =	vand.u32 $0x7FFFFFFF, v13  }
0xdd: {  	p0 =	sne.s32 s31, $0x7C00;
	v16 =	vand.u32 $0x7FFFFFFF, v12;
	v17 =	vld [tilespmem:s25+$0x6040];
	v11 =	vsub.f32 $0.0e+00, v11;
	v18 =	vand.u32 $0x7FFFFFFF, v9  }
0xde: {  	s0 =	sand.u32 $0xC00, s31;
	v19 =	vand.u32 $0x7FFFFFFF, v8;
	v6 =	vsub.f32 $0.0e+00, v6;
	s30 =	sadd.s32 $0x20, s30;
	v22 =	vand.u32 $0x7FFFFFFF, v7;
	v20 =	vld [tilespmem:s25+$0x6030]  }
0xdf: {  	s13 =	sadd.s32 $0x400, s30;
	v16 =	vsub.f32 $0.0e+00, v16;
	v24 =	vand.u32 $0x7FFFFFFF, v10;
	v21 =	vld [tilespmem:s25+$0x6020];
	v11 =	vmul.f32 $1.442695020e+00, v11  }
0xe0: {  	v15 =	vsub.f32 $0.0e+00, v15;
	s13 =	sand.u32 $0x380, s13;
	v6 =	vmul.f32 $1.442695020e+00, v6;
	v23 =	vld [tilespmem:s25+$0x6010]  }
0xe1: {  	v19 =	vsub.f32 $0.0e+00, v19;
	s0 =	sor.u32 s13, s0;
	v16 =	vmul.f32 $1.442695020e+00, v16;
	v25 =	vld [tilespmem:s25+$0x6000];
	(erf) = vpow2.f32 v11  }
0xe2: {  	v18 =	vsub.f32 $0.0e+00, v18;
	v15 =	vmul.f32 $1.442695020e+00, v15;
	v11 =	vld [tilespmem:s0+$0x4050];
	(erf) = vpow2.f32 v6  }
0xe3: {  	v22 =	vsub.f32 $0.0e+00, v22;
	v19 =	vmul.f32 $1.442695020e+00, v19;
	v6 =	vld [tilespmem:s0+$0x5050];
	(erf) = vpow2.f32 v16  }
0xe4: {  	v16 =	vmul.f32 $1.442695020e+00, v18;
	v18 =	vsub.f32 $0.0e+00, v24;
	v24 =	vld [tilespmem:s26+$0x6000];
	(erf) = vpow2.f32 v15  }
0xe5: {  	v22 =	vmul.f32 $1.442695020e+00, v22;
	v15 =	vld [tilespmem:s28+$0x6000];
	(erf) = vpow2.f32 v19  }
0xe6: {  	vm1 =	veq.s32 v5, $0x0;
	v5 =	vmul.f32 $1.442695020e+00, v18;
	(erf) = vpow2.f32 v16  }
0xe7: {  	vm7 =	veq.s32 v17, $0x0;
	vm3 =	veq.s32 v20, $0x0;
	(erf) = vpow2.f32 v22  }
0xe8: {  	vm6 =	veq.s32 v21, $0x0;
	vm5 =	veq.s32 v23, $0x0;
	(erf) = vpow2.f32 v5  }
0xe9: {  	vm4 =	veq.s32 v25, $0x0;
	v17 =	vsub.f32 v11, v6;
	vm0 =	veq.s32 v24, $0x0  }
0xea: {  	v6 =	vsel vm3, $0x0, v0;
	v5 =	vsel vm7, $0x0, v0;
	vm2 =	veq.s32 v15, $0x0;
	v18 =	vpop (erf)  }
0xeb: {  	v11 =	vsel vm6, $0x0, v0;
	v15 =	vsel vm5, $0x0, v0;
	v19 =	vadd.f32 $2.000000000e+00, v18;
	v20 =	vpop (erf)  }
0xec: {  	v16 =	vsel vm4, $0x0, v0;
	v22 =	vmax.f32 v4, $0.0e+00;
	v21 =	vadd.f32 $2.000000000e+00, v20;
	v23 =	vpop (erf)  }
0xed: {  	v25 =	vmax.f32 v14, $0.0e+00;
	v24 =	vadd.f32 $2.000000000e+00, v23;
	v26 =	vpop (erf);
	(erf) = vrcp.f32 v19  }
0xee: {  	v27 =	vsub.f32 $0.0e+00, v4;
	v30 =	vadd.f32 $2.000000000e+00, v26;
	v28 =	vpop (erf);
	(erf) = vrcp.f32 v21  }
0xef: {  	v21 =	vmax.f32 v12, $0.0e+00;
	v34 =	vadd.f32 $2.000000000e+00, v28;
	v29 =	vpop (erf);
	(erf) = vrcp.f32 v24  }
0xf0: {  	v14 =	vsub.f32 $0.0e+00, v14;
	v24 =	vadd.f32 $2.000000000e+00, v29;
	(erf) = vrcp.f32 v30;
	v19 =	vpop (erf)  }
0xf1: {  	v30 =	vmax.f32 v13, $0.0e+00;
	v31 =	vadd.f32 $2.000000000e+00, v19;
	(erf) = vrcp.f32 v34;
	v32 =	vpop (erf)  }
0xf2: {  	v4 =	vmovc v17;
	v12 =	vsub.f32 $0.0e+00, v12;
	v33 =	vadd.f32 $2.000000000e+00, v32;
	(erf) = vrcp.f32 v24  }
0xf3: {  	v17 =	vmax.f32 v8, $0.0e+00;
	v13 =	vsub.f32 $0.0e+00, v13;
	(erf) = vrcp.f32 v31  }
0xf4: {  	v8 =	vsub.f32 $0.0e+00, v8;
	v24 =	vmax.f32 v9, $0.0e+00;
	(erf) = vrcp.f32 v33  }
0xf5: {  	v9 =	vsub.f32 $0.0e+00, v9;
	v31 =	vmax.f32 v10, $0.0e+00;
	v33 =	vmax.f32 v7, $0.0e+00  }
0xf6: {  	v27 =	vmax.f32 v27, $0.0e+00;
	v34 =	vsub.f32 $0.0e+00, v10;
	v7 =	vsub.f32 $0.0e+00, v7;
	v35 =	vpop (erf)  }
0xf7: {  	v12 =	vmax.f32 v12, $0.0e+00;
	v13 =	vmax.f32 v13, $0.0e+00;
	v10 =	vmax.f32 v14, $0.0e+00;
	v14 =	vpop (erf)  }
0xf8: {  	v36 =	vmax.f32 v8, $0.0e+00;
	v9 =	vmax.f32 v9, $0.0e+00;
	v7 =	vmax.f32 v7, $0.0e+00;
	v37 =	vpop (erf)  }
0xf9: {  	v8 =	vsel vm1, v27, v22;
	v22 =	vmax.f32 v34, $0.0e+00;
	v10 =	vsel vm7, v10, v25;
	v25 =	vpop (erf)  }
0xfa: {  	v17 =	vsel vm5, v36, v17;
	v12 =	vsel vm3, v12, v21;
	v13 =	vsel vm6, v13, v30;
	v21 =	vpop (erf)  }
0xfb: {  	v24 =	vsel vm4, v9, v24;
	v18 =	vmul.f32 v35, v18;
	v14 =	vmul.f32 v14, v20;
	v9 =	vpop (erf)  }
0xfc: {  	v7 =	vsel vm0, v7, v33;
	v23 =	vmul.f32 v37, v23;
	v20 =	vmul.f32 v25, v26;
	v25 =	vpop (erf)  }
0xfd: {  	v21 =	vmul.f32 v21, v28;
	v26 =	vmul.f32 v9, v29;
	v9 =	vsel vm2, v22, v31;
	v22 =	vpop (erf)  }
0xfe: {  	v27 =	vadd.f32 v18, v18;
	v19 =	vmul.f32 v25, v19;
	v22 =	vmul.f32 v22, v32  }
0xff: {  	v18 =	vmul.f32 v18, v18;
	v25 =	vmul.f32 v14, v14;
	v14 =	vadd.f32 v14, v14  }
0x100: {  	v28 =	vmul.f32 v20, v20;
	v29 =	vmul.f32 v23, v23;
	v23 =	vadd.f32 v23, v23  }
0x101: {  	v20 =	vadd.f32 v20, v20;
	v31 =	vmul.f32 v21, v21;
	v30 =	vmul.f32 v26, v26  }
0x102: {  	v21 =	vadd.f32 v21, v21;
	v33 =	vmul.f32 v19, v19;
	v32 =	vmul.f32 v22, v22  }
0x103: {  	v35 =	vmul.f32 $1.428571490e-01, v18;
	v26 =	vadd.f32 v26, v26;
	v34 =	vmul.f32 $1.428571490e-01, v25  }
0x104: {  	v36 =	vmul.f32 $1.428571490e-01, v28;
	v37 =	vmul.f32 $1.428571490e-01, v29;
	v19 =	vadd.f32 v19, v19  }
0x105: {  	v39 =	vmul.f32 $1.428571490e-01, v31;
	v38 =	vmul.f32 $1.428571490e-01, v30;
	v22 =	vadd.f32 v22, v22  }
0x106: {  	v35 =	vadd.f32 $2.000000030e-01, v35;
	v34 =	vadd.f32 $2.000000030e-01, v34;
	v40 =	vmul.f32 $1.428571490e-01, v33  }
0x107: {  	v37 =	vadd.f32 $2.000000030e-01, v37;
	v38 =	vadd.f32 $2.000000030e-01, v38;
	v41 =	vmul.f32 $1.428571490e-01, v32  }
0x108: {  	v35 =	vmul.f32 v35, v18;
	v36 =	vadd.f32 $2.000000030e-01, v36;
	v39 =	vadd.f32 $2.000000030e-01, v39  }
0x109: {  	v34 =	vmul.f32 v34, v25;
	v40 =	vadd.f32 $2.000000030e-01, v40;
	v38 =	vmul.f32 v38, v30  }
0x10a: {  	v36 =	vmul.f32 v36, v28;
	v37 =	vmul.f32 v37, v29;
	v41 =	vadd.f32 $2.000000030e-01, v41  }
0x10b: {  	v39 =	vmul.f32 v39, v31;
	v40 =	vmul.f32 v40, v33;
	v38 =	vadd.f32 $3.333333430e-01, v38  }
0x10c: {  	v35 =	vadd.f32 $3.333333430e-01, v35;
	v34 =	vadd.f32 $3.333333430e-01, v34;
	v41 =	vmul.f32 v41, v32  }
0x10d: {  	v37 =	vadd.f32 $3.333333430e-01, v37;
	v30 =	vmul.f32 v38, v30;
	v38 =	vadd.f32 $3.333333430e-01, v39  }
0x10e: {  	v18 =	vmul.f32 v35, v18;
	v36 =	vadd.f32 $3.333333430e-01, v36;
	v35 =	vadd.f32 $3.333333430e-01, v40;
	v39 =	vld [tilespmem:s25+$0x7050]  }
0x10f: {  	v25 =	vmul.f32 v34, v25;
	v30 =	vadd.f32 $1.000000000e+00, v30;
	v31 =	vmul.f32 v38, v31;
	v38 =	vld [tilespmem:s25+$0x7040]  }
0x110: {  	v28 =	vmul.f32 v36, v28;
	v29 =	vmul.f32 v37, v29;
	v36 =	vadd.f32 $3.333333430e-01, v41;
	v34 =	vld [tilespmem:s25+$0x7000]  }
0x111: {  	v33 =	vmul.f32 v35, v33;
	v26 =	vmul.f32 v30, v26;
	v30 =	vadd.f32 $1.000000000e+00, v31;
	v31 =	vld [tilespmem:s25+$0x7030]  }
0x112: {  	v18 =	vadd.f32 $1.000000000e+00, v18;
	v28 =	vadd.f32 $1.000000000e+00, v28;
	v32 =	vmul.f32 v36, v32;
	v35 =	vld [tilespmem:s25+$0x7010]  }
0x113: {  	v25 =	vadd.f32 $1.000000000e+00, v25;
	v24 =	vadd.f32 v26, v24;
	v21 =	vmul.f32 v30, v21;
	v26 =	vld [tilespmem:s25+$0x7020];
	s25 =	smov.u32 s0  }
0x114: {  	v20 =	vmul.f32 v28, v20;
	v28 =	vadd.f32 $1.000000000e+00, v29;
	v29 =	vadd.f32 $1.000000000e+00, v33;
	v30 =	vld [tilespmem:s25+$0x4040]  }
0x115: {  	v17 =	vadd.f32 v21, v17;
	v21 =	vadd.f32 $1.000000000e+00, v32;
	v33 =	vld [tilespmem:s25+$0x5040];
	v34 =	vmul.f32 v24, v34  }
0x116: {  	v13 =	vadd.f32 v20, v13;
	v20 =	vmul.f32 v28, v23;
	v3 =	vadd.f32 v24, v3;
	v32 =	vld [tilespmem:s25+$0x4030]  }
0x117: {  	v2 =	vadd.f32 v16, v2;
	v23 =	vld [tilespmem:s25+$0x5030];
	v1 =	vadd.f32 v34, v1;
	v16 =	vmul.f32 v17, v35  }
0x118: {  	v14 =	vmul.f32 v25, v14;
	v12 =	vadd.f32 v20, v12;
	v3 =	vadd.f32 v17, v3;
	v24 =	vld [tilespmem:s25+$0x4020]  }
0x119: {  	v2 =	vadd.f32 v15, v2;
	v15 =	vmul.f32 v13, v26;
	v17 =	vld [tilespmem:s25+$0x5020];
	v1 =	vadd.f32 v16, v1  }
0x11a: {  	v10 =	vadd.f32 v14, v10;
	v3 =	vadd.f32 v13, v3;
	v13 =	vmul.f32 v18, v27;
	v16 =	vld [tilespmem:s25+$0x4010]  }
0x11b: {  	s29 =	sadd.s32 $0x1, s29;
	v2 =	vadd.f32 v11, v2;
	v11 =	vmul.f32 v12, v31;
	v18 =	vld [tilespmem:s25+$0x5010];
	v1 =	vadd.f32 v15, v1  }
0x11c: {  	s0 =	sand.u32 $0x3, s29;
	v3 =	vadd.f32 v12, v3;
	v8 =	vadd.f32 v13, v8;
	v13 =	vmul.f32 v21, v22;
	v12 =	vld [tilespmem:s28+$0x7000]  }
0x11d: {  	s1 =	sadd.s32 $0x20, s1;
	v2 =	vadd.f32 v6, v2;
	s0 =	sshll.u32 s0, $0xA;
	v6 =	vmul.f32 v10, v38;
	v15 =	vld [tilespmem:s25+$0x4000];
	v1 =	vadd.f32 v11, v1  }
0x11e: {  	s0 =	sadd.s32 s0, s1;
	v3 =	vadd.f32 v10, v3;
	v9 =	vadd.f32 v13, v9;
	v11 =	vmul.f32 v29, v19;
	v10 =	vld [tilespmem:s26+$0x7000]  }
0x11f: {  	v2 =	vadd.f32 v5, v2;
	v5 =	vmul.f32 v8, v39;
	s26 =	sor.u32 $0x70, s0;
	v19 =	vld [tilespmem:s25+$0x5000];
	v1 =	vadd.f32 v6, v1  }
0x120: {  	v3 =	vadd.f32 v8, v3;
	v8 =	vsel vm1, $0x0, v0;
	v7 =	vadd.f32 v11, v7;
	v6 =	vld [tilespmem:s26+$0x4000]  }
0x121: {  	s28 =	sor.u32 $0x60, s0;
	v2 =	vadd.f32 v8, v2;
	v11 =	vld [tilespmem:s26+$0x5000];
	v1 =	vadd.f32 v5, v1;
	v5 =	vmul.f32 v9, v12  }
0x122: {  	v14 =	vsub.f32 v30, v33;
	v8 =	vsel vm2, $0x0, v0;
	v3 =	vadd.f32 v9, v3;
	v20 =	vld [tilespmem:s28+$0x4000]  }
0x123: {  	v2 =	vadd.f32 v8, v2;
	v21 =	vld [tilespmem:s28+$0x5000];
	v1 =	vadd.f32 v5, v1;
	v5 =	vmul.f32 v7, v10  }
.Ltmp1:
0x124: {  	v12 =	vsub.f32 v32, v23;
	v3 =	vadd.f32 v7, v3;
	v7 =	vsel vm0, $0x0, v0;
	(pc) =	sbr.rel @p0 .LBB2_4-.Ltmp1, $4  }
0x125: {  	v2 =	vadd.f32 v7, v2;
	v1 =	vadd.f32 v5, v1  }
0x126: {  	v13 =	vsub.f32 v24, v17;
	v8 =	vsub.f32 v16, v18  }
0x127: {  	v9 =	vsub.f32 v15, v19;
	v7 =	vsub.f32 v6, v11  }
0x128: {  	s31 =	sadd.s32 $0x400, s31;
	v6 =	vand.u32 $0x7FFFFFFF, v14;
	v11 =	vand.u32 $0x7FFFFFFF, v4;
	v5 =	vld [tilespmem:s25+$0x6050];
	v10 =	vsub.f32 v20, v21  }
0x129: {  	v15 =	vand.u32 $0x7FFFFFFF, v13;
	v16 =	vand.u32 $0x7FFFFFFF, v12;
	v11 =	vsub.f32 $0.0e+00, v11  }
0x12a: {  	v17 =	vand.u32 $0x7FFFFFFF, v9;
	v18 =	vand.u32 $0x7FFFFFFF, v8;
	v6 =	vsub.f32 $0.0e+00, v6  }
0x12b: {  	v19 =	vand.u32 $0x7FFFFFFF, v7;
	v57 =	vmax.f32 v4, $0.0e+00;
	v27 =	vmax.f32 v14, $0.0e+00  }
0x12c: {  	v29 =	vsub.f32 $0.0e+00, v4;
	v61 =	vmax.f32 v12, $0.0e+00;
	v62 =	vsub.f32 $0.0e+00, v14  }
0x12d: {  	v63 =	vmax.f32 v13, $0.0e+00;
	v36 =	vsub.f32 $0.0e+00, v12;
	v30 =	vmax.f32 v8, $0.0e+00  }
0x12e: {  	v37 =	vsub.f32 $0.0e+00, v13;
	v31 =	vmax.f32 v9, $0.0e+00;
	v38 =	vsub.f32 $0.0e+00, v8  }
0x12f: {  	v39 =	vsub.f32 $0.0e+00, v9;
	v16 =	vsub.f32 $0.0e+00, v16;
	v11 =	vmul.f32 $1.442695020e+00, v11  }
0x130: {  	v4 =	vmax.f32 v7, $0.0e+00;
	v15 =	vsub.f32 $0.0e+00, v15;
	v6 =	vmul.f32 $1.442695020e+00, v6  }
0x131: {  	v18 =	vsub.f32 $0.0e+00, v18;
	v16 =	vmul.f32 $1.442695020e+00, v16;
	(erf) = vpow2.f32 v11  }
0x132: {  	v17 =	vsub.f32 $0.0e+00, v17;
	v15 =	vmul.f32 $1.442695020e+00, v15;
	(erf) = vpow2.f32 v6  }
0x133: {  	v41 =	vsub.f32 $0.0e+00, v7;
	v18 =	vmul.f32 $1.442695020e+00, v18;
	(erf) = vpow2.f32 v16  }
0x134: {  	v19 =	vsub.f32 $0.0e+00, v19;
	v17 =	vmul.f32 $1.442695020e+00, v17;
	(erf) = vpow2.f32 v15  }
0x135: {  	v21 =	vld [tilespmem:s25+$0x6040];
	v20 =	vand.u32 $0x7FFFFFFF, v10;
	v32 =	vmax.f32 v10, $0.0e+00;
	(erf) = vpow2.f32 v18  }
0x136: {  	v44 =	vld [tilespmem:s25+$0x6030];
	v20 =	vsub.f32 $0.0e+00, v20;
	v19 =	vmul.f32 $1.442695020e+00, v19;
	(erf) = vpow2.f32 v17  }
0x137: {  	v46 =	vld [tilespmem:s25+$0x6010];
	v40 =	vsub.f32 $0.0e+00, v10;
	v29 =	vmax.f32 v29, $0.0e+00;
	v13 =	vmax.f32 v37, $0.0e+00  }
0x138: {  	v45 =	vld [tilespmem:s25+$0x6020];
	v14 =	vmax.f32 v62, $0.0e+00;
	v20 =	vmul.f32 $1.442695020e+00, v20;
	(erf) = vpow2.f32 v19  }
0x139: {  	v47 =	vld [tilespmem:s25+$0x6000];
	v12 =	vmax.f32 v36, $0.0e+00;
	v9 =	vmax.f32 v39, $0.0e+00;
	v8 =	vmax.f32 v38, $0.0e+00  }
0x13a: {  	v48 =	vld [tilespmem:s26+$0x6000];
	v7 =	vmax.f32 v41, $0.0e+00;
	v10 =	vmax.f32 v40, $0.0e+00;
	(erf) = vpow2.f32 v20;
	v50 =	vpop (erf)  }
0x13b: {  	v49 =	vld [tilespmem:s28+$0x6000];
	vm1 =	veq.s32 v5, $0x0;
	vm3 =	veq.s32 v44, $0x0;
	v51 =	vadd.f32 $2.000000000e+00, v50;
	v52 =	vpop (erf)  }
0x13c: {  	vm7 =	veq.s32 v21, $0x0;
	vm6 =	veq.s32 v46, $0x0;
	v53 =	vadd.f32 $2.000000000e+00, v52;
	v54 =	vpop (erf)  }
0x13d: {  	vm5 =	veq.s32 v45, $0x0;
	v55 =	vadd.f32 $2.000000000e+00, v54;
	v56 =	vpop (erf);
	(erf) = vrcp.f32 v51  }
0x13e: {  	vm4 =	veq.s32 v47, $0x0;
	v22 =	vadd.f32 $2.000000000e+00, v56;
	v23 =	vpop (erf);
	(erf) = vrcp.f32 v53  }
0x13f: {  	vm0 =	veq.s32 v48, $0x0;
	v24 =	vadd.f32 $2.000000000e+00, v23;
	v25 =	vpop (erf);
	(erf) = vrcp.f32 v55  }
0x140: {  	vm2 =	veq.s32 v49, $0x0;
	v26 =	vadd.f32 $2.000000000e+00, v25;
	(erf) = vrcp.f32 v22  }
0x141: {  	v6 =	vsel vm3, $0x0, v0;
	v16 =	vsel vm4, $0x0, v0;
	v58 =	vpop (erf);
	(erf) = vrcp.f32 v24  }
0x142: {  	v2 =	vadd.f32 v16, v2;
	v28 =	vadd.f32 $2.000000000e+00, v58;
	(erf) = vrcp.f32 v26  }
0x143: {  	v5 =	vsel vm7, $0x0, v0;
	v11 =	vsel vm5, $0x0, v0;
	v15 =	vsel vm6, $0x0, v0;
	v59 =	vpop (erf)  }
0x144: {  	v2 =	vadd.f32 v15, v2;
	v60 =	vadd.f32 $2.000000000e+00, v59;
	(erf) = vrcp.f32 v28  }
0x145: {  	v14 =	vsel vm7, v14, v27;
	v8 =	vsel vm6, v8, v30;
	v13 =	vsel vm5, v13, v63  }
0x146: {  	v12 =	vsel vm3, v12, v61;
	v2 =	vadd.f32 v11, v2;
	(erf) = vrcp.f32 v60;
	v33 =	vpop (erf)  }
0x147: {  	v9 =	vsel vm4, v9, v31;
	v10 =	vsel vm2, v10, v32;
	v34 =	vpop (erf);
	v19 =	vmul.f32 v33, v50  }
0x148: {  	v4 =	vsel vm0, v7, v4;
	v2 =	vadd.f32 v6, v2;
	v35 =	vpop (erf);
	v18 =	vmul.f32 v34, v52  }
0x149: {  	v42 =	vpop (erf);
	v17 =	vmul.f32 v35, v54;
	v27 =	vadd.f32 v19, v19;
	v19 =	vmul.f32 v19, v19  }
0x14a: {  	v20 =	vsel vm1, v29, v57;
	v43 =	vpop (erf);
	v21 =	vmul.f32 v42, v56;
	v48 =	vmul.f32 v18, v18  }
0x14b: {  	v2 =	vadd.f32 v5, v2;
	v44 =	vpop (erf);
	v23 =	vmul.f32 v43, v23;
	v51 =	vmul.f32 v17, v17  }
0x14c: {  	v18 =	vadd.f32 v18, v18;
	v36 =	vmul.f32 $1.428571490e-01, v19;
	v25 =	vmul.f32 v44, v25  }
0x14d: {  	v17 =	vadd.f32 v17, v17;
	v45 =	vpop (erf);
	v49 =	vmul.f32 v21, v21;
	v55 =	vmul.f32 $1.428571490e-01, v48  }
0x14e: {  	v21 =	vadd.f32 v21, v21;
	v22 =	vmul.f32 v45, v58;
	v52 =	vmul.f32 v23, v23  }
0x14f: {  	v46 =	vpop (erf);
	v23 =	vadd.f32 v23, v23;
	v38 =	vmul.f32 $1.428571490e-01, v51;
	v47 =	vmul.f32 v25, v25  }
0x150: {  	v36 =	vadd.f32 $2.000000030e-01, v36;
	v24 =	vmul.f32 v46, v59;
	v25 =	vadd.f32 v25, v25  }
0x151: {  	v37 =	vmul.f32 $1.428571490e-01, v49;
	v35 =	vadd.f32 $2.000000030e-01, v55;
	v50 =	vmul.f32 $1.428571490e-01, v47  }
0x152: {  	v54 =	vmul.f32 v22, v22;
	v22 =	vadd.f32 v22, v22;
	v39 =	vmul.f32 $1.428571490e-01, v52  }
0x153: {  	v38 =	vadd.f32 $2.000000030e-01, v38;
	v36 =	vmul.f32 v36, v19;
	v30 =	vadd.f32 $2.000000030e-01, v50  }
0x154: {  	v53 =	vmul.f32 v24, v24;
	v24 =	vadd.f32 v24, v24;
	v37 =	vadd.f32 $2.000000030e-01, v37  }
0x155: {  	v35 =	vmul.f32 v35, v48;
	v39 =	vadd.f32 $2.000000030e-01, v39;
	v30 =	vmul.f32 v30, v47  }
0x156: {  	v40 =	vmul.f32 $1.428571490e-01, v54;
	v38 =	vmul.f32 v38, v51;
	v36 =	vadd.f32 $3.333333430e-01, v36  }
0x157: {  	v56 =	vmul.f32 $1.428571490e-01, v53;
	v39 =	vmul.f32 v39, v52;
	v30 =	vadd.f32 $3.333333430e-01, v30  }
0x158: {  	v37 =	vmul.f32 v37, v49;
	v35 =	vadd.f32 $3.333333430e-01, v35;
	v40 =	vadd.f32 $2.000000030e-01, v40  }
0x159: {  	v38 =	vadd.f32 $3.333333430e-01, v38;
	v39 =	vadd.f32 $3.333333430e-01, v39;
	v26 =	vmul.f32 v30, v47  }
0x15a: {  	v19 =	vmul.f32 v36, v19;
	v37 =	vadd.f32 $3.333333430e-01, v37;
	v28 =	vmul.f32 v35, v48  }
0x15b: {  	v40 =	vmul.f32 v40, v54;
	v32 =	vmul.f32 v39, v52;
	v26 =	vadd.f32 $1.000000000e+00, v26  }
0x15c: {  	v58 =	vld [tilespmem:s25+$0x7000];
	v31 =	vmul.f32 v38, v51;
	v19 =	vadd.f32 $1.000000000e+00, v19;
	v29 =	vmul.f32 v37, v49  }
0x15d: {  	v62 =	vadd.f32 $1.000000000e+00, v28;
	v59 =	vadd.f32 $1.000000000e+00, v32;
	v25 =	vmul.f32 v26, v25  }
0x15e: {  	v61 =	vld [tilespmem:s25+$0x7010];
	v57 =	vadd.f32 $3.333333430e-01, v40;
	v49 =	vmul.f32 v19, v27;
	v30 =	vadd.f32 $2.000000030e-01, v56  }
0x15f: {  	v29 =	vadd.f32 $1.000000000e+00, v29;
	v23 =	vmul.f32 v59, v23;
	v9 =	vadd.f32 v25, v9  }
0x160: {  	v63 =	vld [tilespmem:s25+$0x7020];
	v33 =	vadd.f32 $1.000000000e+00, v31;
	v51 =	vadd.f32 v49, v20;
	v30 =	vmul.f32 v30, v53  }
0x161: {  	v21 =	vmul.f32 v29, v21;
	v8 =	vadd.f32 v23, v8;
	v37 =	vmul.f32 v9, v58  }
0x162: {  	v39 =	vld [tilespmem:s25+$0x7030];
	v41 =	vmul.f32 v33, v17;
	v30 =	vadd.f32 $3.333333430e-01, v30;
	v3 =	vadd.f32 v9, v3  }
0x163: {  	v40 =	vadd.f32 v21, v13;
	v42 =	vmul.f32 v8, v61;
	v1 =	vadd.f32 v37, v1  }
0x164: {  	v43 =	vld [tilespmem:s25+$0x7040];
	v45 =	vmul.f32 v62, v18;
	v44 =	vadd.f32 v41, v12;
	v3 =	vadd.f32 v8, v3  }
0x165: {  	v30 =	vmul.f32 v30, v53;
	v46 =	vmul.f32 v40, v63;
	v1 =	vadd.f32 v42, v1  }
0x166: {  	v47 =	vld [tilespmem:s25+$0x7050];
	v60 =	vmul.f32 v57, v54;
	v48 =	vadd.f32 v45, v14;
	v3 =	vadd.f32 v40, v3  }
0x167: {  	v50 =	vmul.f32 v44, v39;
	v38 =	vadd.f32 $1.000000000e+00, v30;
	v1 =	vadd.f32 v46, v1  }
0x168: {  	v52 =	vld [tilespmem:s28+$0x7000];
	v36 =	vadd.f32 $1.000000000e+00, v60;
	v59 =	vsel vm1, $0x0, v0;
	v3 =	vadd.f32 v44, v3  }
0x169: {  	v54 =	vmul.f32 v48, v43;
	v53 =	vmul.f32 v38, v24;
	v1 =	vadd.f32 v50, v1  }
0x16a: {  	v56 =	vld [tilespmem:s26+$0x7000];
	v2 =	vadd.f32 v59, v2;
	v57 =	vmul.f32 v36, v22;
	v3 =	vadd.f32 v48, v3  }
0x16b: {  	v58 =	vmul.f32 v51, v47;
	v55 =	vadd.f32 v53, v10;
	v1 =	vadd.f32 v54, v1  }
0x16c: {  	v4 =	vadd.f32 v57, v4;
	v61 =	vsel vm2, $0x0, v0;
	v3 =	vadd.f32 v51, v3  }
0x16d: {  	v2 =	vadd.f32 v61, v2;
	v60 =	vmul.f32 v55, v52;
	v1 =	vadd.f32 v58, v1  }
0x16e: {  	v63 =	vsel vm0, $0x0, v0;
	v3 =	vadd.f32 v55, v3  }
0x16f: {  	v62 =	vmul.f32 v4, v56;
	v2 =	vadd.f32 v63, v2;
	v1 =	vadd.f32 v60, v1  }
0x170: {  	v3 =	vadd.f32 v4, v3  }
0x171: {  	s24 =	sadd.s32 $0x1, s24;
	[tilespmem:$0x8020] =	vst v2;
	v1 =	vadd.f32 v62, v1  }
0x172: {  	p0 =	sne.s32 s24, s12;
	[tilespmem:$0x8000] =	vst v3  }
.Ltmp2:
0x173: {  	[tilespmem:$0x8010] =	vst v1;
	(pc) =	sbr.rel @p0 .LBB2_1-.Ltmp2, $4  }
0x174: {  	[hbm4b:s11+s2] =	stream.linear.scatter [tilespmem:s22], [sflag:$0x3], $0x30, $0x38;
	[tilespmem:$0x8080] =	vst v63  }
0x175: {  	_ =	swait.ge [sflag:s23], $0x30  }
0x176: {  	[sflag:s23] =	ssyncset.done $0x0  }
0x177: {  	[sflag:s23] =	ssyncadd.s32 $0xFFFFFFD0  }
0x178: {  	_ =	sfence.sel $0x180000  }
0x179: {  	[bflag:$0x0] =	sbarrier.arrive $0xFFFF  }
0x17a: {  	_ =	strace $0x90000047  }
0x17b: {  	s0 =	stileid.u32;
	[bflag:$0x2] =	sbarrier.arrive $0xFFFF  }
0x17c: {  	p0 =	sne.s32 s0, $0x0;
	s0 =	rddreg [dreg:$0x4]  }
0x17d: {  	s0 =	sadd.s32 @!p0 $0x100000, s0  }
0x17e: {  	[sflag:s0] =	ssyncadd.tile.s32 @!p0 $0x1;
	_ =	shalt  }
.Lfunc_end2:
_tile_overlayer_lowered:
.L_overlay_start_2:
0x17f: {  	(tag) =	ssettag $0x2  }
0x180: {  	s0 =	rddreg [dreg:$0x0];
	s2 =	stileid.u32  }
0x181: {  	s1 =	rddreg [dreg:$0x1];
	p0 =	sne.s32 s2, $0x0  }
0x182: {  	s3 =	rddreg [dreg:$0x2];
	[bflag:$0x3] =	sbarrier.arrive $0xFFFF;
	s2 =	simm.s32 @!p0 $0x1C03  }
0x183: {  	[timem:s3], [sflag:s2] =	dma.local @!p0 [hbm:s0], s1  }
0x184: {  	s0 =	simm.s32 @!p0 $0x3  }
0x185: {  	_ =	swait.ge @!p0 [sflag:s0], s1  }
0x186: {  	s1 =	ssub.s32 @!p0 $0x0, s1;
	[sflag:s0] =	ssyncset.done @!p0 $0x0  }
0x187: {  	[sflag:s0] =	ssyncadd.s32 @!p0 s1  }
0x188: {  	[bflag:$0x3] =	sbarrier.arrive $0xFFFF  }
0x189: {  	_ =	shalt  }

</sc_bundles>
